<compile_context>
chip_gen: v7x
topology: tpu7x:2x2x1
jax: 0.10.2.dev20260603
libtpu: 0.0.44.dev20260713+nightly
codegen_flags: <defaults>
</compile_context>

<pallas_src>
import functools

import jax
import jax.numpy as jnp
from jax import lax
from jax.experimental import pallas as pl
from jax.experimental.pallas import tpu as pltpu
from jax.experimental.pallas import tpu_sc as plsc

_BATCH = 16384
_DIM = 64
_LANES = 16
_NUM_CORES = 2
_NUM_SUBCORES = 16
_NW = _NUM_CORES * _NUM_SUBCORES
_BPW = _BATCH // _NW
_CH = 128
_NCHUNK = _BPW // _CH


def _sc_body(h_hbm, r_hbm, t_hbm, ent_hbm, rel_hbm, out_hbm,
             hidx, ridx, tidx, hbuf, rbuf, tbuf, sem_in, sem_out):
    wid = lax.axis_index("s") * _NUM_CORES + lax.axis_index("c")
    base = wid * _BPW

    for j in range(_NCHUNK):
        off = base + j * _CH
        pltpu.sync_copy(h_hbm.at[pl.ds(off, _CH)], hidx.at[j])
        pltpu.sync_copy(r_hbm.at[pl.ds(off, _CH)], ridx.at[j])
        pltpu.sync_copy(t_hbm.at[pl.ds(off, _CH)], tidx.at[j])

    def fire(j):
        s = j % 2
        copies = (
            pltpu.async_copy(ent_hbm.at[hidx.at[j]], hbuf.at[s], sem_in),
            pltpu.async_copy(ent_hbm.at[tidx.at[j]], tbuf.at[s], sem_in),
            pltpu.async_copy(rel_hbm.at[ridx.at[j]], rbuf.at[s], sem_in),
        )
        return copies

    in_flight = [fire(0)]
    out_flight = [None, None]
    for j in range(_NCHUNK):
        s = j % 2
        if j + 1 < _NCHUNK:
            if out_flight[(j + 1) % 2] is not None:
                out_flight[(j + 1) % 2].wait()
                out_flight[(j + 1) % 2] = None
            in_flight.append(fire(j + 1))
        for c in in_flight.pop(0):
            c.wait()

        def row(i, _):
            for u in range(2):
                for c in range(_DIM // _LANES):
                    sl = pl.ds(c * _LANES, _LANES)
                    hbuf[s, 2 * i + u, sl] = (
                        hbuf[s, 2 * i + u, sl]
                        + rbuf[s, 2 * i + u, sl]
                        - tbuf[s, 2 * i + u, sl]
                    )
            return 0

        lax.fori_loop(0, _CH // 2, row, 0)
        out_flight[s] = pltpu.async_copy(
            hbuf.at[s], out_hbm.at[pl.ds(base + j * _CH, _CH)], sem_out)

    for s in range(2):
        if out_flight[s] is not None:
            out_flight[s].wait()


_trans_e = functools.partial(
    pl.kernel,
    mesh=plsc.VectorSubcoreMesh(core_axis_name="c", subcore_axis_name="s"),
    out_type=jax.ShapeDtypeStruct((_BATCH, _DIM), jnp.float32),
    scratch_types=[
        pltpu.VMEM((_NCHUNK, _CH), jnp.int32),
        pltpu.VMEM((_NCHUNK, _CH), jnp.int32),
        pltpu.VMEM((_NCHUNK, _CH), jnp.int32),
        pltpu.VMEM((2, _CH, _DIM), jnp.float32),
        pltpu.VMEM((2, _CH, _DIM), jnp.float32),
        pltpu.VMEM((2, _CH, _DIM), jnp.float32),
        pltpu.SemaphoreType.DMA,
        pltpu.SemaphoreType.DMA,
    ],
    compiler_params=pltpu.CompilerParams(use_tc_tiling_on_sc=False),
)(_sc_body)


@jax.jit
def kernel(h, r, t, entity_embeddings, relation_embeddings):
    return _trans_e(
        h.astype(jnp.int32),
        r.astype(jnp.int32),
        t.astype(jnp.int32),
        entity_embeddings,
        relation_embeddings,
    )

# --- scband reference (transcript-rebuilt; emitter-appended) ---
"""Pipeline reference for scband-trans-euncertainty-41652592837340 (READ-ONLY COPY).

The authoritative reference and input builder live on the scoring server;
editing this copy changes nothing except your own understanding.
"""

import jax, jax.numpy as jnp
import numpy as np

NUM_ENTITIES = 1000000
NUM_RELATIONS = 1000
EMBED_DIM = 64
BATCH = 16384


def setup_inputs(seed: int = 0) -> dict:
    key = jax.random.key(seed)
    k_h, k_r, k_t, k_ent, k_rel = jax.random.split(key, 5)
    h = jax.random.randint(k_h, (BATCH,), 0, NUM_ENTITIES, dtype=jnp.int32).astype(jnp.int64)
    r = jax.random.randint(k_r, (BATCH,), 0, NUM_RELATIONS, dtype=jnp.int32).astype(jnp.int64)
    t = jax.random.randint(k_t, (BATCH,), 0, NUM_ENTITIES, dtype=jnp.int32).astype(jnp.int64)
    # nn.Embedding default init: N(0, 1)
    entity_embeddings = jax.random.normal(k_ent, (NUM_ENTITIES, EMBED_DIM), dtype=jnp.float32)
    relation_embeddings = jax.random.normal(k_rel, (NUM_RELATIONS, EMBED_DIM), dtype=jnp.float32)
    return {
        "h": h,
        "r": r,
        "t": t,
        "entity_embeddings": entity_embeddings,
        "relation_embeddings": relation_embeddings,
    }


def reference(h, r, t, entity_embeddings, relation_embeddings):
    # forward: E[h] + R[r] - E[t]
    h_e = jnp.take(entity_embeddings, h, axis=0)
    r_e = jnp.take(relation_embeddings, r, axis=0)
    t_e = jnp.take(entity_embeddings, t, axis=0)
    return h_e + r_e - t_e

if __name__ == "__main__":
    import jax
    _d = setup_inputs()
    print(jax.jit(kernel)(*tuple(_d.values())))

</pallas_src>

<mosaic_0001>
#map = affine_map<(d0, d1) -> (0)>
#map1 = affine_map<(d0, d1) -> (0, 0)>
module attributes {stable_mosaic.version = 14 : i64} {
  func.func @_sc_body(%arg0: i32, %arg1: i32, %arg2: memref<16384xi32, #tpu.memory_space<hbm>>, %arg3: memref<16384xi32, #tpu.memory_space<hbm>>, %arg4: memref<16384xi32, #tpu.memory_space<hbm>>, %arg5: memref<1000000x64xf32, #tpu.memory_space<hbm>>, %arg6: memref<1000x64xf32, #tpu.memory_space<hbm>>, %arg7: memref<16384x64xf32, #tpu.memory_space<hbm>>, %arg8: memref<4x128xi32, #tpu.memory_space<vmem>>, %arg9: memref<4x128xi32, #tpu.memory_space<vmem>>, %arg10: memref<4x128xi32, #tpu.memory_space<vmem>>, %arg11: memref<2x128x64xf32, #tpu.memory_space<vmem>>, %arg12: memref<2x128x64xf32, #tpu.memory_space<vmem>>, %arg13: memref<2x128x64xf32, #tpu.memory_space<vmem>>, %arg14: memref<!tpu.dma_semaphore, #tpu.memory_space<semaphore_mem>>, %arg15: memref<!tpu.dma_semaphore, #tpu.memory_space<semaphore_mem>>) attributes {dimension_semantics = [#tpu.dimension_semantics<core_parallel>, #tpu.dimension_semantics<subcore_parallel>], iteration_bounds = array<i64: 2, 16>, scalar_prefetch = 0 : i64, scratch_operands = 8 : i64, tpu.core_type = #tpu.core_type<sc_vector_subcore>, window_params = [{transform_indices = #map}, {transform_indices = #map}, {transform_indices = #map}, {transform_indices = #map1}, {transform_indices = #map1}, {transform_indices = #map1}]} {
    %mul3A = arith.constant 2 : i32
    %mul3A_0 = arith.muli %arg1, %mul3A : i32
    %add3A = arith.addi %mul3A_0, %arg0 : i32
    %mul3A_1 = arith.constant 512 : i32
    %mul3A_2 = arith.muli %add3A, %mul3A_1 : i32
    %add3A_3 = arith.constant 0 : i32
    %add3A_4 = arith.addi %mul3A_2, %add3A_3 : i32
    %run_scoped3A = arith.constant 0 : i32
    "tpu.region"() ({
      %run_scoped3A_447 = tpu.sem_alloc : memref<!tpu.dma_semaphore, #tpu.memory_space<semaphore_mem>>
      %dma_start3A_448 = arith.constant 0 : i32
      %dma_start3A_449 = tpu.memref_slice %arg8[%run_scoped3A, %dma_start3A_448] : memref<4x128xi32, #tpu.memory_space<vmem>> -> memref<1x128xi32, #tpu.memory_space<vmem>>
      %dma_start3A_450 = tpu.memref_squeeze %dma_start3A_449 : memref<1x128xi32, #tpu.memory_space<vmem>> -> memref<128xi32, #tpu.memory_space<vmem>>
      %dma_start3A_451 = tpu.memref_slice %arg2[%add3A_4] : memref<16384xi32, #tpu.memory_space<hbm>> -> memref<128xi32, #tpu.memory_space<hbm>>
      %dma_start3A_452 = arith.constant 0 : i32
      %dma_start3A_453 = tpu.memref_slice %arg8[%run_scoped3A, %dma_start3A_452] : memref<4x128xi32, #tpu.memory_space<vmem>> -> memref<1x128xi32, #tpu.memory_space<vmem>>
      %dma_start3A_454 = tpu.memref_squeeze %dma_start3A_453 : memref<1x128xi32, #tpu.memory_space<vmem>> -> memref<128xi32, #tpu.memory_space<vmem>>
      %dma_start3A_455 = tpu.memref_slice %arg2[%add3A_4] : memref<16384xi32, #tpu.memory_space<hbm>> -> memref<128xi32, #tpu.memory_space<hbm>>
      tpu.enqueue_dma source(%dma_start3A_455 : memref<128xi32, #tpu.memory_space<hbm>>) target(%dma_start3A_454 : memref<128xi32, #tpu.memory_space<vmem>>) target_semaphore(%run_scoped3A_447 : memref<!tpu.dma_semaphore, #tpu.memory_space<semaphore_mem>>)
      %dma_wait3A_456 = arith.constant 0 : i32
      %dma_wait3A_457 = tpu.memref_slice %arg8[%run_scoped3A, %dma_wait3A_456] : memref<4x128xi32, #tpu.memory_space<vmem>> -> memref<1x128xi32, #tpu.memory_space<vmem>>
      %dma_wait3A_458 = tpu.memref_squeeze %dma_wait3A_457 : memref<1x128xi32, #tpu.memory_space<vmem>> -> memref<128xi32, #tpu.memory_space<vmem>>
      %dma_wait3A_459 = tpu.memref_slice %arg2[%add3A_4] : memref<16384xi32, #tpu.memory_space<hbm>> -> memref<128xi32, #tpu.memory_space<hbm>>
      %dma_wait3A_460 = arith.constant 0 : i32
      %dma_wait3A_461 = tpu.memref_slice %arg8[%run_scoped3A, %dma_wait3A_460] : memref<4x128xi32, #tpu.memory_space<vmem>> -> memref<1x128xi32, #tpu.memory_space<vmem>>
      %dma_wait3A_462 = tpu.memref_squeeze %dma_wait3A_461 : memref<1x128xi32, #tpu.memory_space<vmem>> -> memref<128xi32, #tpu.memory_space<vmem>>
      %dma_wait3A_463 = tpu.memref_slice %arg2[%add3A_4] : memref<16384xi32, #tpu.memory_space<hbm>> -> memref<128xi32, #tpu.memory_space<hbm>>
      tpu.wait_dma2 semaphore(%run_scoped3A_447 : memref<!tpu.dma_semaphore, #tpu.memory_space<semaphore_mem>>) src(%dma_wait3A_463 : memref<128xi32, #tpu.memory_space<hbm>>) dst(%dma_wait3A_462 : memref<128xi32, #tpu.memory_space<vmem>>)
      tpu.yield
    }) : () -> ()
    %run_scoped3A_5 = arith.constant 0 : i32
    "tpu.region"() ({
      %run_scoped3A_447 = tpu.sem_alloc : memref<!tpu.dma_semaphore, #tpu.memory_space<semaphore_mem>>
      %dma_start3A_448 = arith.constant 0 : i32
      %dma_start3A_449 = tpu.memref_slice %arg9[%run_scoped3A_5, %dma_start3A_448] : memref<4x128xi32, #tpu.memory_space<vmem>> -> memref<1x128xi32, #tpu.memory_space<vmem>>
      %dma_start3A_450 = tpu.memref_squeeze %dma_start3A_449 : memref<1x128xi32, #tpu.memory_space<vmem>> -> memref<128xi32, #tpu.memory_space<vmem>>
      %dma_start3A_451 = tpu.memref_slice %arg3[%add3A_4] : memref<16384xi32, #tpu.memory_space<hbm>> -> memref<128xi32, #tpu.memory_space<hbm>>
      %dma_start3A_452 = arith.constant 0 : i32
      %dma_start3A_453 = tpu.memref_slice %arg9[%run_scoped3A_5, %dma_start3A_452] : memref<4x128xi32, #tpu.memory_space<vmem>> -> memref<1x128xi32, #tpu.memory_space<vmem>>
      %dma_start3A_454 = tpu.memref_squeeze %dma_start3A_453 : memref<1x128xi32, #tpu.memory_space<vmem>> -> memref<128xi32, #tpu.memory_space<vmem>>
      %dma_start3A_455 = tpu.memref_slice %arg3[%add3A_4] : memref<16384xi32, #tpu.memory_space<hbm>> -> memref<128xi32, #tpu.memory_space<hbm>>
      tpu.enqueue_dma source(%dma_start3A_455 : memref<128xi32, #tpu.memory_space<hbm>>) target(%dma_start3A_454 : memref<128xi32, #tpu.memory_space<vmem>>) target_semaphore(%run_scoped3A_447 : memref<!tpu.dma_semaphore, #tpu.memory_space<semaphore_mem>>)
      %dma_wait3A_456 = arith.constant 0 : i32
      %dma_wait3A_457 = tpu.memref_slice %arg9[%run_scoped3A_5, %dma_wait3A_456] : memref<4x128xi32, #tpu.memory_space<vmem>> -> memref<1x128xi32, #tpu.memory_space<vmem>>
      %dma_wait3A_458 = tpu.memref_squeeze %dma_wait3A_457 : memref<1x128xi32, #tpu.memory_space<vmem>> -> memref<128xi32, #tpu.memory_space<vmem>>
      %dma_wait3A_459 = tpu.memref_slice %arg3[%add3A_4] : memref<16384xi32, #tpu.memory_space<hbm>> -> memref<128xi32, #tpu.memory_space<hbm>>
      %dma_wait3A_460 = arith.constant 0 : i32
      %dma_wait3A_461 = tpu.memref_slice %arg9[%run_scoped3A_5, %dma_wait3A_460] : memref<4x128xi32, #tpu.memory_space<vmem>> -> memref<1x128xi32, #tpu.memory_space<vmem>>
      %dma_wait3A_462 = tpu.memref_squeeze %dma_wait3A_461 : memref<1x128xi32, #tpu.memory_space<vmem>> -> memref<128xi32, #tpu.memory_space<vmem>>
      %dma_wait3A_463 = tpu.memref_slice %arg3[%add3A_4] : memref<16384xi32, #tpu.memory_space<hbm>> -> memref<128xi32, #tpu.memory_space<hbm>>
      tpu.wait_dma2 semaphore(%run_scoped3A_447 : memref<!tpu.dma_semaphore, #tpu.memory_space<semaphore_mem>>) src(%dma_wait3A_463 : memref<128xi32, #tpu.memory_space<hbm>>) dst(%dma_wait3A_462 : memref<128xi32, #tpu.memory_space<vmem>>)
      tpu.yield
    }) : () -> ()
    %run_scoped3A_6 = arith.constant 0 : i32
    "tpu.region"() ({
      %run_scoped3A_447 = tpu.sem_alloc : memref<!tpu.dma_semaphore, #tpu.memory_space<semaphore_mem>>
      %dma_start3A_448 = arith.constant 0 : i32
      %dma_start3A_449 = tpu.memref_slice %arg10[%run_scoped3A_6, %dma_start3A_448] : memref<4x128xi32, #tpu.memory_space<vmem>> -> memref<1x128xi32, #tpu.memory_space<vmem>>
      %dma_start3A_450 = tpu.memref_squeeze %dma_start3A_449 : memref<1x128xi32, #tpu.memory_space<vmem>> -> memref<128xi32, #tpu.memory_space<vmem>>
      %dma_start3A_451 = tpu.memref_slice %arg4[%add3A_4] : memref<16384xi32, #tpu.memory_space<hbm>> -> memref<128xi32, #tpu.memory_space<hbm>>
      %dma_start3A_452 = arith.constant 0 : i32
      %dma_start3A_453 = tpu.memref_slice %arg10[%run_scoped3A_6, %dma_start3A_452] : memref<4x128xi32, #tpu.memory_space<vmem>> -> memref<1x128xi32, #tpu.memory_space<vmem>>
      %dma_start3A_454 = tpu.memref_squeeze %dma_start3A_453 : memref<1x128xi32, #tpu.memory_space<vmem>> -> memref<128xi32, #tpu.memory_space<vmem>>
      %dma_start3A_455 = tpu.memref_slice %arg4[%add3A_4] : memref<16384xi32, #tpu.memory_space<hbm>> -> memref<128xi32, #tpu.memory_space<hbm>>
      tpu.enqueue_dma source(%dma_start3A_455 : memref<128xi32, #tpu.memory_space<hbm>>) target(%dma_start3A_454 : memref<128xi32, #tpu.memory_space<vmem>>) target_semaphore(%run_scoped3A_447 : memref<!tpu.dma_semaphore, #tpu.memory_space<semaphore_mem>>)
      %dma_wait3A_456 = arith.constant 0 : i32
      %dma_wait3A_457 = tpu.memref_slice %arg10[%run_scoped3A_6, %dma_wait3A_456] : memref<4x128xi32, #tpu.memory_space<vmem>> -> memref<1x128xi32, #tpu.memory_space<vmem>>
      %dma_wait3A_458 = tpu.memref_squeeze %dma_wait3A_457 : memref<1x128xi32, #tpu.memory_space<vmem>> -> memref<128xi32, #tpu.memory_space<vmem>>
      %dma_wait3A_459 = tpu.memref_slice %arg4[%add3A_4] : memref<16384xi32, #tpu.memory_space<hbm>> -> memref<128xi32, #tpu.memory_space<hbm>>
      %dma_wait3A_460 = arith.constant 0 : i32
      %dma_wait3A_461 = tpu.memref_slice %arg10[%run_scoped3A_6, %dma_wait3A_460] : memref<4x128xi32, #tpu.memory_space<vmem>> -> memref<1x128xi32, #tpu.memory_space<vmem>>
      %dma_wait3A_462 = tpu.memref_squeeze %dma_wait3A_461 : memref<1x128xi32, #tpu.memory_space<vmem>> -> memref<128xi32, #tpu.memory_space<vmem>>
      %dma_wait3A_463 = tpu.memref_slice %arg4[%add3A_4] : memref<16384xi32, #tpu.memory_space<hbm>> -> memref<128xi32, #tpu.memory_space<hbm>>
      tpu.wait_dma2 semaphore(%run_scoped3A_447 : memref<!tpu.dma_semaphore, #tpu.memory_space<semaphore_mem>>) src(%dma_wait3A_463 : memref<128xi32, #tpu.memory_space<hbm>>) dst(%dma_wait3A_462 : memref<128xi32, #tpu.memory_space<vmem>>)
      tpu.yield
    }) : () -> ()
    %add3A_7 = arith.constant 128 : i32
    %add3A_8 = arith.addi %mul3A_2, %add3A_7 : i32
    %run_scoped3A_9 = arith.constant 1 : i32
    "tpu.region"() ({
      %run_scoped3A_447 = tpu.sem_alloc : memref<!tpu.dma_semaphore, #tpu.memory_space<semaphore_mem>>
      %dma_start3A_448 = arith.constant 0 : i32
      %dma_start3A_449 = tpu.memref_slice %arg8[%run_scoped3A_9, %dma_start3A_448] : memref<4x128xi32, #tpu.memory_space<vmem>> -> memref<1x128xi32, #tpu.memory_space<vmem>>
      %dma_start3A_450 = tpu.memref_squeeze %dma_start3A_449 : memref<1x128xi32, #tpu.memory_space<vmem>> -> memref<128xi32, #tpu.memory_space<vmem>>
      %dma_start3A_451 = tpu.memref_slice %arg2[%add3A_8] : memref<16384xi32, #tpu.memory_space<hbm>> -> memref<128xi32, #tpu.memory_space<hbm>>
      %dma_start3A_452 = arith.constant 0 : i32
      %dma_start3A_453 = tpu.memref_slice %arg8[%run_scoped3A_9, %dma_start3A_452] : memref<4x128xi32, #tpu.memory_space<vmem>> -> memref<1x128xi32, #tpu.memory_space<vmem>>
      %dma_start3A_454 = tpu.memref_squeeze %dma_start3A_453 : memref<1x128xi32, #tpu.memory_space<vmem>> -> memref<128xi32, #tpu.memory_space<vmem>>
      %dma_start3A_455 = tpu.memref_slice %arg2[%add3A_8] : memref<16384xi32, #tpu.memory_space<hbm>> -> memref<128xi32, #tpu.memory_space<hbm>>
      tpu.enqueue_dma source(%dma_start3A_455 : memref<128xi32, #tpu.memory_space<hbm>>) target(%dma_start3A_454 : memref<128xi32, #tpu.memory_space<vmem>>) target_semaphore(%run_scoped3A_447 : memref<!tpu.dma_semaphore, #tpu.memory_space<semaphore_mem>>)
      %dma_wait3A_456 = arith.constant 0 : i32
      %dma_wait3A_457 = tpu.memref_slice %arg8[%run_scoped3A_9, %dma_wait3A_456] : memref<4x128xi32, #tpu.memory_space<vmem>> -> memref<1x128xi32, #tpu.memory_space<vmem>>
      %dma_wait3A_458 = tpu.memref_squeeze %dma_wait3A_457 : memref<1x128xi32, #tpu.memory_space<vmem>> -> memref<128xi32, #tpu.memory_space<vmem>>
      %dma_wait3A_459 = tpu.memref_slice %arg2[%add3A_8] : memref<16384xi32, #tpu.memory_space<hbm>> -> memref<128xi32, #tpu.memory_space<hbm>>
      %dma_wait3A_460 = arith.constant 0 : i32
      %dma_wait3A_461 = tpu.memref_slice %arg8[%run_scoped3A_9, %dma_wait3A_460] : memref<4x128xi32, #tpu.memory_space<vmem>> -> memref<1x128xi32, #tpu.memory_space<vmem>>
      %dma_wait3A_462 = tpu.memref_squeeze %dma_wait3A_461 : memref<1x128xi32, #tpu.memory_space<vmem>> -> memref<128xi32, #tpu.memory_space<vmem>>
      %dma_wait3A_463 = tpu.memref_slice %arg2[%add3A_8] : memref<16384xi32, #tpu.memory_space<hbm>> -> memref<128xi32, #tpu.memory_space<hbm>>
      tpu.wait_dma2 semaphore(%run_scoped3A_447 : memref<!tpu.dma_semaphore, #tpu.memory_space<semaphore_mem>>) src(%dma_wait3A_463 : memref<128xi32, #tpu.memory_space<hbm>>) dst(%dma_wait3A_462 : memref<128xi32, #tpu.memory_space<vmem>>)
      tpu.yield
    }) : () -> ()
    %run_scoped3A_10 = arith.constant 1 : i32
    "tpu.region"() ({
      %run_scoped3A_447 = tpu.sem_alloc : memref<!tpu.dma_semaphore, #tpu.memory_space<semaphore_mem>>
      %dma_start3A_448 = arith.constant 0 : i32
      %dma_start3A_449 = tpu.memref_slice %arg9[%run_scoped3A_10, %dma_start3A_448] : memref<4x128xi32, #tpu.memory_space<vmem>> -> memref<1x128xi32, #tpu.memory_space<vmem>>
      %dma_start3A_450 = tpu.memref_squeeze %dma_start3A_449 : memref<1x128xi32, #tpu.memory_space<vmem>> -> memref<128xi32, #tpu.memory_space<vmem>>
      %dma_start3A_451 = tpu.memref_slice %arg3[%add3A_8] : memref<16384xi32, #tpu.memory_space<hbm>> -> memref<128xi32, #tpu.memory_space<hbm>>
      %dma_start3A_452 = arith.constant 0 : i32
      %dma_start3A_453 = tpu.memref_slice %arg9[%run_scoped3A_10, %dma_start3A_452] : memref<4x128xi32, #tpu.memory_space<vmem>> -> memref<1x128xi32, #tpu.memory_space<vmem>>
      %dma_start3A_454 = tpu.memref_squeeze %dma_start3A_453 : memref<1x128xi32, #tpu.memory_space<vmem>> -> memref<128xi32, #tpu.memory_space<vmem>>
      %dma_start3A_455 = tpu.memref_slice %arg3[%add3A_8] : memref<16384xi32, #tpu.memory_space<hbm>> -> memref<128xi32, #tpu.memory_space<hbm>>
      tpu.enqueue_dma source(%dma_start3A_455 : memref<128xi32, #tpu.memory_space<hbm>>) target(%dma_start3A_454 : memref<128xi32, #tpu.memory_space<vmem>>) target_semaphore(%run_scoped3A_447 : memref<!tpu.dma_semaphore, #tpu.memory_space<semaphore_mem>>)
      %dma_wait3A_456 = arith.constant 0 : i32
      %dma_wait3A_457 = tpu.memref_slice %arg9[%run_scoped3A_10, %dma_wait3A_456] : memref<4x128xi32, #tpu.memory_space<vmem>> -> memref<1x128xi32, #tpu.memory_space<vmem>>
      %dma_wait3A_458 = tpu.memref_squeeze %dma_wait3A_457 : memref<1x128xi32, #tpu.memory_space<vmem>> -> memref<128xi32, #tpu.memory_space<vmem>>
      %dma_wait3A_459 = tpu.memref_slice %arg3[%add3A_8] : memref<16384xi32, #tpu.memory_space<hbm>> -> memref<128xi32, #tpu.memory_space<hbm>>
      %dma_wait3A_460 = arith.constant 0 : i32
      %dma_wait3A_461 = tpu.memref_slice %arg9[%run_scoped3A_10, %dma_wait3A_460] : memref<4x128xi32, #tpu.memory_space<vmem>> -> memref<1x128xi32, #tpu.memory_space<vmem>>
      %dma_wait3A_462 = tpu.memref_squeeze %dma_wait3A_461 : memref<1x128xi32, #tpu.memory_space<vmem>> -> memref<128xi32, #tpu.memory_space<vmem>>
      %dma_wait3A_463 = tpu.memref_slice %arg3[%add3A_8] : memref<16384xi32, #tpu.memory_space<hbm>> -> memref<128xi32, #tpu.memory_space<hbm>>
      tpu.wait_dma2 semaphore(%run_scoped3A_447 : memref<!tpu.dma_semaphore, #tpu.memory_space<semaphore_mem>>) src(%dma_wait3A_463 : memref<128xi32, #tpu.memory_space<hbm>>) dst(%dma_wait3A_462 : memref<128xi32, #tpu.memory_space<vmem>>)
      tpu.yield
    }) : () -> ()
    %run_scoped3A_11 = arith.constant 1 : i32
    "tpu.region"() ({
      %run_scoped3A_447 = tpu.sem_alloc : memref<!tpu.dma_semaphore, #tpu.memory_space<semaphore_mem>>
      %dma_start3A_448 = arith.constant 0 : i32
      %dma_start3A_449 = tpu.memref_slice %arg10[%run_scoped3A_11, %dma_start3A_448] : memref<4x128xi32, #tpu.memory_space<vmem>> -> memref<1x128xi32, #tpu.memory_space<vmem>>
      %dma_start3A_450 = tpu.memref_squeeze %dma_start3A_449 : memref<1x128xi32, #tpu.memory_space<vmem>> -> memref<128xi32, #tpu.memory_space<vmem>>
      %dma_start3A_451 = tpu.memref_slice %arg4[%add3A_8] : memref<16384xi32, #tpu.memory_space<hbm>> -> memref<128xi32, #tpu.memory_space<hbm>>
      %dma_start3A_452 = arith.constant 0 : i32
      %dma_start3A_453 = tpu.memref_slice %arg10[%run_scoped3A_11, %dma_start3A_452] : memref<4x128xi32, #tpu.memory_space<vmem>> -> memref<1x128xi32, #tpu.memory_space<vmem>>
      %dma_start3A_454 = tpu.memref_squeeze %dma_start3A_453 : memref<1x128xi32, #tpu.memory_space<vmem>> -> memref<128xi32, #tpu.memory_space<vmem>>
      %dma_start3A_455 = tpu.memref_slice %arg4[%add3A_8] : memref<16384xi32, #tpu.memory_space<hbm>> -> memref<128xi32, #tpu.memory_space<hbm>>
      tpu.enqueue_dma source(%dma_start3A_455 : memref<128xi32, #tpu.memory_space<hbm>>) target(%dma_start3A_454 : memref<128xi32, #tpu.memory_space<vmem>>) target_semaphore(%run_scoped3A_447 : memref<!tpu.dma_semaphore, #tpu.memory_space<semaphore_mem>>)
      %dma_wait3A_456 = arith.constant 0 : i32
      %dma_wait3A_457 = tpu.memref_slice %arg10[%run_scoped3A_11, %dma_wait3A_456] : memref<4x128xi32, #tpu.memory_space<vmem>> -> memref<1x128xi32, #tpu.memory_space<vmem>>
      %dma_wait3A_458 = tpu.memref_squeeze %dma_wait3A_457 : memref<1x128xi32, #tpu.memory_space<vmem>> -> memref<128xi32, #tpu.memory_space<vmem>>
      %dma_wait3A_459 = tpu.memref_slice %arg4[%add3A_8] : memref<16384xi32, #tpu.memory_space<hbm>> -> memref<128xi32, #tpu.memory_space<hbm>>
      %dma_wait3A_460 = arith.constant 0 : i32
      %dma_wait3A_461 = tpu.memref_slice %arg10[%run_scoped3A_11, %dma_wait3A_460] : memref<4x128xi32, #tpu.memory_space<vmem>> -> memref<1x128xi32, #tpu.memory_space<vmem>>
      %dma_wait3A_462 = tpu.memref_squeeze %dma_wait3A_461 : memref<1x128xi32, #tpu.memory_space<vmem>> -> memref<128xi32, #tpu.memory_space<vmem>>
      %dma_wait3A_463 = tpu.memref_slice %arg4[%add3A_8] : memref<16384xi32, #tpu.memory_space<hbm>> -> memref<128xi32, #tpu.memory_space<hbm>>
      tpu.wait_dma2 semaphore(%run_scoped3A_447 : memref<!tpu.dma_semaphore, #tpu.memory_space<semaphore_mem>>) src(%dma_wait3A_463 : memref<128xi32, #tpu.memory_space<hbm>>) dst(%dma_wait3A_462 : memref<128xi32, #tpu.memory_space<vmem>>)
      tpu.yield
    }) : () -> ()
    %add3A_12 = arith.constant 256 : i32
    %add3A_13 = arith.addi %mul3A_2, %add3A_12 : i32
    %run_scoped3A_14 = arith.constant 2 : i32
    "tpu.region"() ({
      %run_scoped3A_447 = tpu.sem_alloc : memref<!tpu.dma_semaphore, #tpu.memory_space<semaphore_mem>>
      %dma_start3A_448 = arith.constant 0 : i32
      %dma_start3A_449 = tpu.memref_slice %arg8[%run_scoped3A_14, %dma_start3A_448] : memref<4x128xi32, #tpu.memory_space<vmem>> -> memref<1x128xi32, #tpu.memory_space<vmem>>
      %dma_start3A_450 = tpu.memref_squeeze %dma_start3A_449 : memref<1x128xi32, #tpu.memory_space<vmem>> -> memref<128xi32, #tpu.memory_space<vmem>>
      %dma_start3A_451 = tpu.memref_slice %arg2[%add3A_13] : memref<16384xi32, #tpu.memory_space<hbm>> -> memref<128xi32, #tpu.memory_space<hbm>>
      %dma_start3A_452 = arith.constant 0 : i32
      %dma_start3A_453 = tpu.memref_slice %arg8[%run_scoped3A_14, %dma_start3A_452] : memref<4x128xi32, #tpu.memory_space<vmem>> -> memref<1x128xi32, #tpu.memory_space<vmem>>
      %dma_start3A_454 = tpu.memref_squeeze %dma_start3A_453 : memref<1x128xi32, #tpu.memory_space<vmem>> -> memref<128xi32, #tpu.memory_space<vmem>>
      %dma_start3A_455 = tpu.memref_slice %arg2[%add3A_13] : memref<16384xi32, #tpu.memory_space<hbm>> -> memref<128xi32, #tpu.memory_space<hbm>>
      tpu.enqueue_dma source(%dma_start3A_455 : memref<128xi32, #tpu.memory_space<hbm>>) target(%dma_start3A_454 : memref<128xi32, #tpu.memory_space<vmem>>) target_semaphore(%run_scoped3A_447 : memref<!tpu.dma_semaphore, #tpu.memory_space<semaphore_mem>>)
      %dma_wait3A_456 = arith.constant 0 : i32
      %dma_wait3A_457 = tpu.memref_slice %arg8[%run_scoped3A_14, %dma_wait3A_456] : memref<4x128xi32, #tpu.memory_space<vmem>> -> memref<1x128xi32, #tpu.memory_space<vmem>>
      %dma_wait3A_458 = tpu.memref_squeeze %dma_wait3A_457 : memref<1x128xi32, #tpu.memory_space<vmem>> -> memref<128xi32, #tpu.memory_space<vmem>>
      %dma_wait3A_459 = tpu.memref_slice %arg2[%add3A_13] : memref<16384xi32, #tpu.memory_space<hbm>> -> memref<128xi32, #tpu.memory_space<hbm>>
      %dma_wait3A_460 = arith.constant 0 : i32
      %dma_wait3A_461 = tpu.memref_slice %arg8[%run_scoped3A_14, %dma_wait3A_460] : memref<4x128xi32, #tpu.memory_space<vmem>> -> memref<1x128xi32, #tpu.memory_space<vmem>>
      %dma_wait3A_462 = tpu.memref_squeeze %dma_wait3A_461 : memref<1x128xi32, #tpu.memory_space<vmem>> -> memref<128xi32, #tpu.memory_space<vmem>>
      %dma_wait3A_463 = tpu.memref_slice %arg2[%add3A_13] : memref<16384xi32, #tpu.memory_space<hbm>> -> memref<128xi32, #tpu.memory_space<hbm>>
      tpu.wait_dma2 semaphore(%run_scoped3A_447 : memref<!tpu.dma_semaphore, #tpu.memory_space<semaphore_mem>>) src(%dma_wait3A_463 : memref<128xi32, #tpu.memory_space<hbm>>) dst(%dma_wait3A_462 : memref<128xi32, #tpu.memory_space<vmem>>)
      tpu.yield
    }) : () -> ()
    %run_scoped3A_15 = arith.constant 2 : i32
    "tpu.region"() ({
      %run_scoped3A_447 = tpu.sem_alloc : memref<!tpu.dma_semaphore, #tpu.memory_space<semaphore_mem>>
      %dma_start3A_448 = arith.constant 0 : i32
      %dma_start3A_449 = tpu.memref_slice %arg9[%run_scoped3A_15, %dma_start3A_448] : memref<4x128xi32, #tpu.memory_space<vmem>> -> memref<1x128xi32, #tpu.memory_space<vmem>>
      %dma_start3A_450 = tpu.memref_squeeze %dma_start3A_449 : memref<1x128xi32, #tpu.memory_space<vmem>> -> memref<128xi32, #tpu.memory_space<vmem>>
      %dma_start3A_451 = tpu.memref_slice %arg3[%add3A_13] : memref<16384xi32, #tpu.memory_space<hbm>> -> memref<128xi32, #tpu.memory_space<hbm>>
      %dma_start3A_452 = arith.constant 0 : i32
      %dma_start3A_453 = tpu.memref_slice %arg9[%run_scoped3A_15, %dma_start3A_452] : memref<4x128xi32, #tpu.memory_space<vmem>> -> memref<1x128xi32, #tpu.memory_space<vmem>>
      %dma_start3A_454 = tpu.memref_squeeze %dma_start3A_453 : memref<1x128xi32, #tpu.memory_space<vmem>> -> memref<128xi32, #tpu.memory_space<vmem>>
      %dma_start3A_455 = tpu.memref_slice %arg3[%add3A_13] : memref<16384xi32, #tpu.memory_space<hbm>> -> memref<128xi32, #tpu.memory_space<hbm>>
      tpu.enqueue_dma source(%dma_start3A_455 : memref<128xi32, #tpu.memory_space<hbm>>) target(%dma_start3A_454 : memref<128xi32, #tpu.memory_space<vmem>>) target_semaphore(%run_scoped3A_447 : memref<!tpu.dma_semaphore, #tpu.memory_space<semaphore_mem>>)
      %dma_wait3A_456 = arith.constant 0 : i32
      %dma_wait3A_457 = tpu.memref_slice %arg9[%run_scoped3A_15, %dma_wait3A_456] : memref<4x128xi32, #tpu.memory_space<vmem>> -> memref<1x128xi32, #tpu.memory_space<vmem>>
      %dma_wait3A_458 = tpu.memref_squeeze %dma_wait3A_457 : memref<1x128xi32, #tpu.memory_space<vmem>> -> memref<128xi32, #tpu.memory_space<vmem>>
      %dma_wait3A_459 = tpu.memref_slice %arg3[%add3A_13] : memref<16384xi32, #tpu.memory_space<hbm>> -> memref<128xi32, #tpu.memory_space<hbm>>
      %dma_wait3A_460 = arith.constant 0 : i32
      %dma_wait3A_461 = tpu.memref_slice %arg9[%run_scoped3A_15, %dma_wait3A_460] : memref<4x128xi32, #tpu.memory_space<vmem>> -> memref<1x128xi32, #tpu.memory_space<vmem>>
      %dma_wait3A_462 = tpu.memref_squeeze %dma_wait3A_461 : memref<1x128xi32, #tpu.memory_space<vmem>> -> memref<128xi32, #tpu.memory_space<vmem>>
      %dma_wait3A_463 = tpu.memref_slice %arg3[%add3A_13] : memref<16384xi32, #tpu.memory_space<hbm>> -> memref<128xi32, #tpu.memory_space<hbm>>
      tpu.wait_dma2 semaphore(%run_scoped3A_447 : memref<!tpu.dma_semaphore, #tpu.memory_space<semaphore_mem>>) src(%dma_wait3A_463 : memref<128xi32, #tpu.memory_space<hbm>>) dst(%dma_wait3A_462 : memref<128xi32, #tpu.memory_space<vmem>>)
      tpu.yield
    }) : () -> ()
    %run_scoped3A_16 = arith.constant 2 : i32
    "tpu.region"() ({
      %run_scoped3A_447 = tpu.sem_alloc : memref<!tpu.dma_semaphore, #tpu.memory_space<semaphore_mem>>
      %dma_start3A_448 = arith.constant 0 : i32
      %dma_start3A_449 = tpu.memref_slice %arg10[%run_scoped3A_16, %dma_start3A_448] : memref<4x128xi32, #tpu.memory_space<vmem>> -> memref<1x128xi32, #tpu.memory_space<vmem>>
      %dma_start3A_450 = tpu.memref_squeeze %dma_start3A_449 : memref<1x128xi32, #tpu.memory_space<vmem>> -> memref<128xi32, #tpu.memory_space<vmem>>
      %dma_start3A_451 = tpu.memref_slice %arg4[%add3A_13] : memref<16384xi32, #tpu.memory_space<hbm>> -> memref<128xi32, #tpu.memory_space<hbm>>
      %dma_start3A_452 = arith.constant 0 : i32
      %dma_start3A_453 = tpu.memref_slice %arg10[%run_scoped3A_16, %dma_start3A_452] : memref<4x128xi32, #tpu.memory_space<vmem>> -> memref<1x128xi32, #tpu.memory_space<vmem>>
      %dma_start3A_454 = tpu.memref_squeeze %dma_start3A_453 : memref<1x128xi32, #tpu.memory_space<vmem>> -> memref<128xi32, #tpu.memory_space<vmem>>
      %dma_start3A_455 = tpu.memref_slice %arg4[%add3A_13] : memref<16384xi32, #tpu.memory_space<hbm>> -> memref<128xi32, #tpu.memory_space<hbm>>
      tpu.enqueue_dma source(%dma_start3A_455 : memref<128xi32, #tpu.memory_space<hbm>>) target(%dma_start3A_454 : memref<128xi32, #tpu.memory_space<vmem>>) target_semaphore(%run_scoped3A_447 : memref<!tpu.dma_semaphore, #tpu.memory_space<semaphore_mem>>)
      %dma_wait3A_456 = arith.constant 0 : i32
      %dma_wait3A_457 = tpu.memref_slice %arg10[%run_scoped3A_16, %dma_wait3A_456] : memref<4x128xi32, #tpu.memory_space<vmem>> -> memref<1x128xi32, #tpu.memory_space<vmem>>
      %dma_wait3A_458 = tpu.memref_squeeze %dma_wait3A_457 : memref<1x128xi32, #tpu.memory_space<vmem>> -> memref<128xi32, #tpu.memory_space<vmem>>
      %dma_wait3A_459 = tpu.memref_slice %arg4[%add3A_13] : memref<16384xi32, #tpu.memory_space<hbm>> -> memref<128xi32, #tpu.memory_space<hbm>>
      %dma_wait3A_460 = arith.constant 0 : i32
      %dma_wait3A_461 = tpu.memref_slice %arg10[%run_scoped3A_16, %dma_wait3A_460] : memref<4x128xi32, #tpu.memory_space<vmem>> -> memref<1x128xi32, #tpu.memory_space<vmem>>
      %dma_wait3A_462 = tpu.memref_squeeze %dma_wait3A_461 : memref<1x128xi32, #tpu.memory_space<vmem>> -> memref<128xi32, #tpu.memory_space<vmem>>
      %dma_wait3A_463 = tpu.memref_slice %arg4[%add3A_13] : memref<16384xi32, #tpu.memory_space<hbm>> -> memref<128xi32, #tpu.memory_space<hbm>>
      tpu.wait_dma2 semaphore(%run_scoped3A_447 : memref<!tpu.dma_semaphore, #tpu.memory_space<semaphore_mem>>) src(%dma_wait3A_463 : memref<128xi32, #tpu.memory_space<hbm>>) dst(%dma_wait3A_462 : memref<128xi32, #tpu.memory_space<vmem>>)
      tpu.yield
    }) : () -> ()
    %add3A_17 = arith.constant 384 : i32
    %add3A_18 = arith.addi %mul3A_2, %add3A_17 : i32
    %run_scoped3A_19 = arith.constant 3 : i32
    "tpu.region"() ({
      %run_scoped3A_447 = tpu.sem_alloc : memref<!tpu.dma_semaphore, #tpu.memory_space<semaphore_mem>>
      %dma_start3A_448 = arith.constant 0 : i32
      %dma_start3A_449 = tpu.memref_slice %arg8[%run_scoped3A_19, %dma_start3A_448] : memref<4x128xi32, #tpu.memory_space<vmem>> -> memref<1x128xi32, #tpu.memory_space<vmem>>
      %dma_start3A_450 = tpu.memref_squeeze %dma_start3A_449 : memref<1x128xi32, #tpu.memory_space<vmem>> -> memref<128xi32, #tpu.memory_space<vmem>>
      %dma_start3A_451 = tpu.memref_slice %arg2[%add3A_18] : memref<16384xi32, #tpu.memory_space<hbm>> -> memref<128xi32, #tpu.memory_space<hbm>>
      %dma_start3A_452 = arith.constant 0 : i32
      %dma_start3A_453 = tpu.memref_slice %arg8[%run_scoped3A_19, %dma_start3A_452] : memref<4x128xi32, #tpu.memory_space<vmem>> -> memref<1x128xi32, #tpu.memory_space<vmem>>
      %dma_start3A_454 = tpu.memref_squeeze %dma_start3A_453 : memref<1x128xi32, #tpu.memory_space<vmem>> -> memref<128xi32, #tpu.memory_space<vmem>>
      %dma_start3A_455 = tpu.memref_slice %arg2[%add3A_18] : memref<16384xi32, #tpu.memory_space<hbm>> -> memref<128xi32, #tpu.memory_space<hbm>>
      tpu.enqueue_dma source(%dma_start3A_455 : memref<128xi32, #tpu.memory_space<hbm>>) target(%dma_start3A_454 : memref<128xi32, #tpu.memory_space<vmem>>) target_semaphore(%run_scoped3A_447 : memref<!tpu.dma_semaphore, #tpu.memory_space<semaphore_mem>>)
      %dma_wait3A_456 = arith.constant 0 : i32
      %dma_wait3A_457 = tpu.memref_slice %arg8[%run_scoped3A_19, %dma_wait3A_456] : memref<4x128xi32, #tpu.memory_space<vmem>> -> memref<1x128xi32, #tpu.memory_space<vmem>>
      %dma_wait3A_458 = tpu.memref_squeeze %dma_wait3A_457 : memref<1x128xi32, #tpu.memory_space<vmem>> -> memref<128xi32, #tpu.memory_space<vmem>>
      %dma_wait3A_459 = tpu.memref_slice %arg2[%add3A_18] : memref<16384xi32, #tpu.memory_space<hbm>> -> memref<128xi32, #tpu.memory_space<hbm>>
      %dma_wait3A_460 = arith.constant 0 : i32
      %dma_wait3A_461 = tpu.memref_slice %arg8[%run_scoped3A_19, %dma_wait3A_460] : memref<4x128xi32, #tpu.memory_space<vmem>> -> memref<1x128xi32, #tpu.memory_space<vmem>>
      %dma_wait3A_462 = tpu.memref_squeeze %dma_wait3A_461 : memref<1x128xi32, #tpu.memory_space<vmem>> -> memref<128xi32, #tpu.memory_space<vmem>>
      %dma_wait3A_463 = tpu.memref_slice %arg2[%add3A_18] : memref<16384xi32, #tpu.memory_space<hbm>> -> memref<128xi32, #tpu.memory_space<hbm>>
      tpu.wait_dma2 semaphore(%run_scoped3A_447 : memref<!tpu.dma_semaphore, #tpu.memory_space<semaphore_mem>>) src(%dma_wait3A_463 : memref<128xi32, #tpu.memory_space<hbm>>) dst(%dma_wait3A_462 : memref<128xi32, #tpu.memory_space<vmem>>)
      tpu.yield
    }) : () -> ()
    %run_scoped3A_20 = arith.constant 3 : i32
    "tpu.region"() ({
      %run_scoped3A_447 = tpu.sem_alloc : memref<!tpu.dma_semaphore, #tpu.memory_space<semaphore_mem>>
      %dma_start3A_448 = arith.constant 0 : i32
      %dma_start3A_449 = tpu.memref_slice %arg9[%run_scoped3A_20, %dma_start3A_448] : memref<4x128xi32, #tpu.memory_space<vmem>> -> memref<1x128xi32, #tpu.memory_space<vmem>>
      %dma_start3A_450 = tpu.memref_squeeze %dma_start3A_449 : memref<1x128xi32, #tpu.memory_space<vmem>> -> memref<128xi32, #tpu.memory_space<vmem>>
      %dma_start3A_451 = tpu.memref_slice %arg3[%add3A_18] : memref<16384xi32, #tpu.memory_space<hbm>> -> memref<128xi32, #tpu.memory_space<hbm>>
      %dma_start3A_452 = arith.constant 0 : i32
      %dma_start3A_453 = tpu.memref_slice %arg9[%run_scoped3A_20, %dma_start3A_452] : memref<4x128xi32, #tpu.memory_space<vmem>> -> memref<1x128xi32, #tpu.memory_space<vmem>>
      %dma_start3A_454 = tpu.memref_squeeze %dma_start3A_453 : memref<1x128xi32, #tpu.memory_space<vmem>> -> memref<128xi32, #tpu.memory_space<vmem>>
      %dma_start3A_455 = tpu.memref_slice %arg3[%add3A_18] : memref<16384xi32, #tpu.memory_space<hbm>> -> memref<128xi32, #tpu.memory_space<hbm>>
      tpu.enqueue_dma source(%dma_start3A_455 : memref<128xi32, #tpu.memory_space<hbm>>) target(%dma_start3A_454 : memref<128xi32, #tpu.memory_space<vmem>>) target_semaphore(%run_scoped3A_447 : memref<!tpu.dma_semaphore, #tpu.memory_space<semaphore_mem>>)
      %dma_wait3A_456 = arith.constant 0 : i32
      %dma_wait3A_457 = tpu.memref_slice %arg9[%run_scoped3A_20, %dma_wait3A_456] : memref<4x128xi32, #tpu.memory_space<vmem>> -> memref<1x128xi32, #tpu.memory_space<vmem>>
      %dma_wait3A_458 = tpu.memref_squeeze %dma_wait3A_457 : memref<1x128xi32, #tpu.memory_space<vmem>> -> memref<128xi32, #tpu.memory_space<vmem>>
      %dma_wait3A_459 = tpu.memref_slice %arg3[%add3A_18] : memref<16384xi32, #tpu.memory_space<hbm>> -> memref<128xi32, #tpu.memory_space<hbm>>
      %dma_wait3A_460 = arith.constant 0 : i32
      %dma_wait3A_461 = tpu.memref_slice %arg9[%run_scoped3A_20, %dma_wait3A_460] : memref<4x128xi32, #tpu.memory_space<vmem>> -> memref<1x128xi32, #tpu.memory_space<vmem>>
      %dma_wait3A_462 = tpu.memref_squeeze %dma_wait3A_461 : memref<1x128xi32, #tpu.memory_space<vmem>> -> memref<128xi32, #tpu.memory_space<vmem>>
      %dma_wait3A_463 = tpu.memref_slice %arg3[%add3A_18] : memref<16384xi32, #tpu.memory_space<hbm>> -> memref<128xi32, #tpu.memory_space<hbm>>
      tpu.wait_dma2 semaphore(%run_scoped3A_447 : memref<!tpu.dma_semaphore, #tpu.memory_space<semaphore_mem>>) src(%dma_wait3A_463 : memref<128xi32, #tpu.memory_space<hbm>>) dst(%dma_wait3A_462 : memref<128xi32, #tpu.memory_space<vmem>>)
      tpu.yield
    }) : () -> ()
    %run_scoped3A_21 = arith.constant 3 : i32
    "tpu.region"() ({
      %run_scoped3A_447 = tpu.sem_alloc : memref<!tpu.dma_semaphore, #tpu.memory_space<semaphore_mem>>
      %dma_start3A_448 = arith.constant 0 : i32
      %dma_start3A_449 = tpu.memref_slice %arg10[%run_scoped3A_21, %dma_start3A_448] : memref<4x128xi32, #tpu.memory_space<vmem>> -> memref<1x128xi32, #tpu.memory_space<vmem>>
      %dma_start3A_450 = tpu.memref_squeeze %dma_start3A_449 : memref<1x128xi32, #tpu.memory_space<vmem>> -> memref<128xi32, #tpu.memory_space<vmem>>
      %dma_start3A_451 = tpu.memref_slice %arg4[%add3A_18] : memref<16384xi32, #tpu.memory_space<hbm>> -> memref<128xi32, #tpu.memory_space<hbm>>
      %dma_start3A_452 = arith.constant 0 : i32
      %dma_start3A_453 = tpu.memref_slice %arg10[%run_scoped3A_21, %dma_start3A_452] : memref<4x128xi32, #tpu.memory_space<vmem>> -> memref<1x128xi32, #tpu.memory_space<vmem>>
      %dma_start3A_454 = tpu.memref_squeeze %dma_start3A_453 : memref<1x128xi32, #tpu.memory_space<vmem>> -> memref<128xi32, #tpu.memory_space<vmem>>
      %dma_start3A_455 = tpu.memref_slice %arg4[%add3A_18] : memref<16384xi32, #tpu.memory_space<hbm>> -> memref<128xi32, #tpu.memory_space<hbm>>
      tpu.enqueue_dma source(%dma_start3A_455 : memref<128xi32, #tpu.memory_space<hbm>>) target(%dma_start3A_454 : memref<128xi32, #tpu.memory_space<vmem>>) target_semaphore(%run_scoped3A_447 : memref<!tpu.dma_semaphore, #tpu.memory_space<semaphore_mem>>)
      %dma_wait3A_456 = arith.constant 0 : i32
      %dma_wait3A_457 = tpu.memref_slice %arg10[%run_scoped3A_21, %dma_wait3A_456] : memref<4x128xi32, #tpu.memory_space<vmem>> -> memref<1x128xi32, #tpu.memory_space<vmem>>
      %dma_wait3A_458 = tpu.memref_squeeze %dma_wait3A_457 : memref<1x128xi32, #tpu.memory_space<vmem>> -> memref<128xi32, #tpu.memory_space<vmem>>
      %dma_wait3A_459 = tpu.memref_slice %arg4[%add3A_18] : memref<16384xi32, #tpu.memory_space<hbm>> -> memref<128xi32, #tpu.memory_space<hbm>>
      %dma_wait3A_460 = arith.constant 0 : i32
      %dma_wait3A_461 = tpu.memref_slice %arg10[%run_scoped3A_21, %dma_wait3A_460] : memref<4x128xi32, #tpu.memory_space<vmem>> -> memref<1x128xi32, #tpu.memory_space<vmem>>
      %dma_wait3A_462 = tpu.memref_squeeze %dma_wait3A_461 : memref<1x128xi32, #tpu.memory_space<vmem>> -> memref<128xi32, #tpu.memory_space<vmem>>
      %dma_wait3A_463 = tpu.memref_slice %arg4[%add3A_18] : memref<16384xi32, #tpu.memory_space<hbm>> -> memref<128xi32, #tpu.memory_space<hbm>>
      tpu.wait_dma2 semaphore(%run_scoped3A_447 : memref<!tpu.dma_semaphore, #tpu.memory_space<semaphore_mem>>) src(%dma_wait3A_463 : memref<128xi32, #tpu.memory_space<hbm>>) dst(%dma_wait3A_462 : memref<128xi32, #tpu.memory_space<vmem>>)
      tpu.yield
    }) : () -> ()
    %dma_start3A = arith.constant 0 : i32
    %dma_start3A_22 = arith.constant 0 : i32
    %dma_start3A_23 = arith.constant 0 : i32
    %dma_start3A_24 = arith.constant 0 : i32
    %dma_start3A_25 = tpu.memref_slice %arg11[%dma_start3A_22, %dma_start3A_23, %dma_start3A_24] : memref<2x128x64xf32, #tpu.memory_space<vmem>> -> memref<1x128x64xf32, #tpu.memory_space<vmem>>
    %dma_start3A_26 = tpu.memref_squeeze %dma_start3A_25 : memref<1x128x64xf32, #tpu.memory_space<vmem>> -> memref<128x64xf32, #tpu.memory_space<vmem>>
    %dma_start3A_27 = arith.constant 0 : i32
    %dma_start3A_28 = tpu.memref_slice %arg8[%dma_start3A, %dma_start3A_27] : memref<4x128xi32, #tpu.memory_space<vmem>> -> memref<1x128xi32, #tpu.memory_space<vmem>>
    %dma_start3A_29 = tpu.memref_squeeze %dma_start3A_28 : memref<1x128xi32, #tpu.memory_space<vmem>> -> memref<128xi32, #tpu.memory_space<vmem>>
    %dma_start3A_30 = arith.constant 0 : i32
    %dma_start3A_31 = arith.constant 0 : i32
    %dma_start3A_32 = tpu.memref_slice %arg5[%dma_start3A_30, %dma_start3A_31] : memref<1000000x64xf32, #tpu.memory_space<hbm>> -> memref<1000000x64xf32, #tpu.memory_space<hbm>>
    tpu.enqueue_indirect_dma source(%dma_start3A_32 : memref<1000000x64xf32, #tpu.memory_space<hbm>>) target(%dma_start3A_26 : memref<128x64xf32, #tpu.memory_space<vmem>>) offsets(%dma_start3A_29 : memref<128xi32, #tpu.memory_space<vmem>>) semaphore(%arg14 : memref<!tpu.dma_semaphore, #tpu.memory_space<semaphore_mem>>)
    %dma_start3A_33 = arith.constant 0 : i32
    %dma_start3A_34 = arith.constant 0 : i32
    %dma_start3A_35 = arith.constant 0 : i32
    %dma_start3A_36 = arith.constant 0 : i32
    %dma_start3A_37 = tpu.memref_slice %arg13[%dma_start3A_34, %dma_start3A_35, %dma_start3A_36] : memref<2x128x64xf32, #tpu.memory_space<vmem>> -> memref<1x128x64xf32, #tpu.memory_space<vmem>>
    %dma_start3A_38 = tpu.memref_squeeze %dma_start3A_37 : memref<1x128x64xf32, #tpu.memory_space<vmem>> -> memref<128x64xf32, #tpu.memory_space<vmem>>
    %dma_start3A_39 = arith.constant 0 : i32
    %dma_start3A_40 = tpu.memref_slice %arg10[%dma_start3A_33, %dma_start3A_39] : memref<4x128xi32, #tpu.memory_space<vmem>> -> memref<1x128xi32, #tpu.memory_space<vmem>>
    %dma_start3A_41 = tpu.memref_squeeze %dma_start3A_40 : memref<1x128xi32, #tpu.memory_space<vmem>> -> memref<128xi32, #tpu.memory_space<vmem>>
    %dma_start3A_42 = arith.constant 0 : i32
    %dma_start3A_43 = arith.constant 0 : i32
    %dma_start3A_44 = tpu.memref_slice %arg5[%dma_start3A_42, %dma_start3A_43] : memref<1000000x64xf32, #tpu.memory_space<hbm>> -> memref<1000000x64xf32, #tpu.memory_space<hbm>>
    tpu.enqueue_indirect_dma source(%dma_start3A_44 : memref<1000000x64xf32, #tpu.memory_space<hbm>>) target(%dma_start3A_38 : memref<128x64xf32, #tpu.memory_space<vmem>>) offsets(%dma_start3A_41 : memref<128xi32, #tpu.memory_space<vmem>>) semaphore(%arg14 : memref<!tpu.dma_semaphore, #tpu.memory_space<semaphore_mem>>)
    %dma_start3A_45 = arith.constant 0 : i32
    %dma_start3A_46 = arith.constant 0 : i32
    %dma_start3A_47 = arith.constant 0 : i32
    %dma_start3A_48 = arith.constant 0 : i32
    %dma_start3A_49 = tpu.memref_slice %arg12[%dma_start3A_46, %dma_start3A_47, %dma_start3A_48] : memref<2x128x64xf32, #tpu.memory_space<vmem>> -> memref<1x128x64xf32, #tpu.memory_space<vmem>>
    %dma_start3A_50 = tpu.memref_squeeze %dma_start3A_49 : memref<1x128x64xf32, #tpu.memory_space<vmem>> -> memref<128x64xf32, #tpu.memory_space<vmem>>
    %dma_start3A_51 = arith.constant 0 : i32
    %dma_start3A_52 = tpu.memref_slice %arg9[%dma_start3A_45, %dma_start3A_51] : memref<4x128xi32, #tpu.memory_space<vmem>> -> memref<1x128xi32, #tpu.memory_space<vmem>>
    %dma_start3A_53 = tpu.memref_squeeze %dma_start3A_52 : memref<1x128xi32, #tpu.memory_space<vmem>> -> memref<128xi32, #tpu.memory_space<vmem>>
    %dma_start3A_54 = arith.constant 0 : i32
    %dma_start3A_55 = arith.constant 0 : i32
    %dma_start3A_56 = tpu.memref_slice %arg6[%dma_start3A_54, %dma_start3A_55] : memref<1000x64xf32, #tpu.memory_space<hbm>> -> memref<1000x64xf32, #tpu.memory_space<hbm>>
    tpu.enqueue_indirect_dma source(%dma_start3A_56 : memref<1000x64xf32, #tpu.memory_space<hbm>>) target(%dma_start3A_50 : memref<128x64xf32, #tpu.memory_space<vmem>>) offsets(%dma_start3A_53 : memref<128xi32, #tpu.memory_space<vmem>>) semaphore(%arg14 : memref<!tpu.dma_semaphore, #tpu.memory_space<semaphore_mem>>)
    %dma_start3A_57 = arith.constant 1 : i32
    %dma_start3A_58 = arith.constant 1 : i32
    %dma_start3A_59 = arith.constant 0 : i32
    %dma_start3A_60 = arith.constant 0 : i32
    %dma_start3A_61 = tpu.memref_slice %arg11[%dma_start3A_58, %dma_start3A_59, %dma_start3A_60] : memref<2x128x64xf32, #tpu.memory_space<vmem>> -> memref<1x128x64xf32, #tpu.memory_space<vmem>>
    %dma_start3A_62 = tpu.memref_squeeze %dma_start3A_61 : memref<1x128x64xf32, #tpu.memory_space<vmem>> -> memref<128x64xf32, #tpu.memory_space<vmem>>
    %dma_start3A_63 = arith.constant 0 : i32
    %dma_start3A_64 = tpu.memref_slice %arg8[%dma_start3A_57, %dma_start3A_63] : memref<4x128xi32, #tpu.memory_space<vmem>> -> memref<1x128xi32, #tpu.memory_space<vmem>>
    %dma_start3A_65 = tpu.memref_squeeze %dma_start3A_64 : memref<1x128xi32, #tpu.memory_space<vmem>> -> memref<128xi32, #tpu.memory_space<vmem>>
    %dma_start3A_66 = arith.constant 0 : i32
    %dma_start3A_67 = arith.constant 0 : i32
    %dma_start3A_68 = tpu.memref_slice %arg5[%dma_start3A_66, %dma_start3A_67] : memref<1000000x64xf32, #tpu.memory_space<hbm>> -> memref<1000000x64xf32, #tpu.memory_space<hbm>>
    tpu.enqueue_indirect_dma source(%dma_start3A_68 : memref<1000000x64xf32, #tpu.memory_space<hbm>>) target(%dma_start3A_62 : memref<128x64xf32, #tpu.memory_space<vmem>>) offsets(%dma_start3A_65 : memref<128xi32, #tpu.memory_space<vmem>>) semaphore(%arg14 : memref<!tpu.dma_semaphore, #tpu.memory_space<semaphore_mem>>)
    %dma_start3A_69 = arith.constant 1 : i32
    %dma_start3A_70 = arith.constant 1 : i32
    %dma_start3A_71 = arith.constant 0 : i32
    %dma_start3A_72 = arith.constant 0 : i32
    %dma_start3A_73 = tpu.memref_slice %arg13[%dma_start3A_70, %dma_start3A_71, %dma_start3A_72] : memref<2x128x64xf32, #tpu.memory_space<vmem>> -> memref<1x128x64xf32, #tpu.memory_space<vmem>>
    %dma_start3A_74 = tpu.memref_squeeze %dma_start3A_73 : memref<1x128x64xf32, #tpu.memory_space<vmem>> -> memref<128x64xf32, #tpu.memory_space<vmem>>
    %dma_start3A_75 = arith.constant 0 : i32
    %dma_start3A_76 = tpu.memref_slice %arg10[%dma_start3A_69, %dma_start3A_75] : memref<4x128xi32, #tpu.memory_space<vmem>> -> memref<1x128xi32, #tpu.memory_space<vmem>>
    %dma_start3A_77 = tpu.memref_squeeze %dma_start3A_76 : memref<1x128xi32, #tpu.memory_space<vmem>> -> memref<128xi32, #tpu.memory_space<vmem>>
    %dma_start3A_78 = arith.constant 0 : i32
    %dma_start3A_79 = arith.constant 0 : i32
    %dma_start3A_80 = tpu.memref_slice %arg5[%dma_start3A_78, %dma_start3A_79] : memref<1000000x64xf32, #tpu.memory_space<hbm>> -> memref<1000000x64xf32, #tpu.memory_space<hbm>>
    tpu.enqueue_indirect_dma source(%dma_start3A_80 : memref<1000000x64xf32, #tpu.memory_space<hbm>>) target(%dma_start3A_74 : memref<128x64xf32, #tpu.memory_space<vmem>>) offsets(%dma_start3A_77 : memref<128xi32, #tpu.memory_space<vmem>>) semaphore(%arg14 : memref<!tpu.dma_semaphore, #tpu.memory_space<semaphore_mem>>)
    %dma_start3A_81 = arith.constant 1 : i32
    %dma_start3A_82 = arith.constant 1 : i32
    %dma_start3A_83 = arith.constant 0 : i32
    %dma_start3A_84 = arith.constant 0 : i32
    %dma_start3A_85 = tpu.memref_slice %arg12[%dma_start3A_82, %dma_start3A_83, %dma_start3A_84] : memref<2x128x64xf32, #tpu.memory_space<vmem>> -> memref<1x128x64xf32, #tpu.memory_space<vmem>>
    %dma_start3A_86 = tpu.memref_squeeze %dma_start3A_85 : memref<1x128x64xf32, #tpu.memory_space<vmem>> -> memref<128x64xf32, #tpu.memory_space<vmem>>
    %dma_start3A_87 = arith.constant 0 : i32
    %dma_start3A_88 = tpu.memref_slice %arg9[%dma_start3A_81, %dma_start3A_87] : memref<4x128xi32, #tpu.memory_space<vmem>> -> memref<1x128xi32, #tpu.memory_space<vmem>>
    %dma_start3A_89 = tpu.memref_squeeze %dma_start3A_88 : memref<1x128xi32, #tpu.memory_space<vmem>> -> memref<128xi32, #tpu.memory_space<vmem>>
    %dma_start3A_90 = arith.constant 0 : i32
    %dma_start3A_91 = arith.constant 0 : i32
    %dma_start3A_92 = tpu.memref_slice %arg6[%dma_start3A_90, %dma_start3A_91] : memref<1000x64xf32, #tpu.memory_space<hbm>> -> memref<1000x64xf32, #tpu.memory_space<hbm>>
    tpu.enqueue_indirect_dma source(%dma_start3A_92 : memref<1000x64xf32, #tpu.memory_space<hbm>>) target(%dma_start3A_86 : memref<128x64xf32, #tpu.memory_space<vmem>>) offsets(%dma_start3A_89 : memref<128xi32, #tpu.memory_space<vmem>>) semaphore(%arg14 : memref<!tpu.dma_semaphore, #tpu.memory_space<semaphore_mem>>)
    %dma_wait3A = arith.constant 0 : i32
    %dma_wait3A_93 = arith.constant 0 : i32
    %dma_wait3A_94 = arith.constant 0 : i32
    %dma_wait3A_95 = arith.constant 0 : i32
    %dma_wait3A_96 = tpu.memref_slice %arg11[%dma_wait3A_93, %dma_wait3A_94, %dma_wait3A_95] : memref<2x128x64xf32, #tpu.memory_space<vmem>> -> memref<1x128x64xf32, #tpu.memory_space<vmem>>
    %dma_wait3A_97 = tpu.memref_squeeze %dma_wait3A_96 : memref<1x128x64xf32, #tpu.memory_space<vmem>> -> memref<128x64xf32, #tpu.memory_space<vmem>>
    %dma_wait3A_98 = arith.constant 0 : i32
    %dma_wait3A_99 = tpu.memref_slice %arg8[%dma_wait3A, %dma_wait3A_98] : memref<4x128xi32, #tpu.memory_space<vmem>> -> memref<1x128xi32, #tpu.memory_space<vmem>>
    %dma_wait3A_100 = tpu.memref_squeeze %dma_wait3A_99 : memref<1x128xi32, #tpu.memory_space<vmem>> -> memref<128xi32, #tpu.memory_space<vmem>>
    %dma_wait3A_101 = arith.constant 0 : i32
    %dma_wait3A_102 = arith.constant 0 : i32
    %dma_wait3A_103 = tpu.memref_slice %arg5[%dma_wait3A_101, %dma_wait3A_102] : memref<1000000x64xf32, #tpu.memory_space<hbm>> -> memref<1000000x64xf32, #tpu.memory_space<hbm>>
    tpu.wait_indirect_dma semaphore(%arg14 : memref<!tpu.dma_semaphore, #tpu.memory_space<semaphore_mem>>) src(%dma_wait3A_103 : memref<1000000x64xf32, #tpu.memory_space<hbm>>) dst(%dma_wait3A_97 : memref<128x64xf32, #tpu.memory_space<vmem>>)
    %dma_wait3A_104 = arith.constant 0 : i32
    %dma_wait3A_105 = arith.constant 0 : i32
    %dma_wait3A_106 = arith.constant 0 : i32
    %dma_wait3A_107 = arith.constant 0 : i32
    %dma_wait3A_108 = tpu.memref_slice %arg13[%dma_wait3A_105, %dma_wait3A_106, %dma_wait3A_107] : memref<2x128x64xf32, #tpu.memory_space<vmem>> -> memref<1x128x64xf32, #tpu.memory_space<vmem>>
    %dma_wait3A_109 = tpu.memref_squeeze %dma_wait3A_108 : memref<1x128x64xf32, #tpu.memory_space<vmem>> -> memref<128x64xf32, #tpu.memory_space<vmem>>
    %dma_wait3A_110 = arith.constant 0 : i32
    %dma_wait3A_111 = tpu.memref_slice %arg10[%dma_wait3A_104, %dma_wait3A_110] : memref<4x128xi32, #tpu.memory_space<vmem>> -> memref<1x128xi32, #tpu.memory_space<vmem>>
    %dma_wait3A_112 = tpu.memref_squeeze %dma_wait3A_111 : memref<1x128xi32, #tpu.memory_space<vmem>> -> memref<128xi32, #tpu.memory_space<vmem>>
    %dma_wait3A_113 = arith.constant 0 : i32
    %dma_wait3A_114 = arith.constant 0 : i32
    %dma_wait3A_115 = tpu.memref_slice %arg5[%dma_wait3A_113, %dma_wait3A_114] : memref<1000000x64xf32, #tpu.memory_space<hbm>> -> memref<1000000x64xf32, #tpu.memory_space<hbm>>
    tpu.wait_indirect_dma semaphore(%arg14 : memref<!tpu.dma_semaphore, #tpu.memory_space<semaphore_mem>>) src(%dma_wait3A_115 : memref<1000000x64xf32, #tpu.memory_space<hbm>>) dst(%dma_wait3A_109 : memref<128x64xf32, #tpu.memory_space<vmem>>)
    %dma_wait3A_116 = arith.constant 0 : i32
    %dma_wait3A_117 = arith.constant 0 : i32
    %dma_wait3A_118 = arith.constant 0 : i32
    %dma_wait3A_119 = arith.constant 0 : i32
    %dma_wait3A_120 = tpu.memref_slice %arg12[%dma_wait3A_117, %dma_wait3A_118, %dma_wait3A_119] : memref<2x128x64xf32, #tpu.memory_space<vmem>> -> memref<1x128x64xf32, #tpu.memory_space<vmem>>
    %dma_wait3A_121 = tpu.memref_squeeze %dma_wait3A_120 : memref<1x128x64xf32, #tpu.memory_space<vmem>> -> memref<128x64xf32, #tpu.memory_space<vmem>>
    %dma_wait3A_122 = arith.constant 0 : i32
    %dma_wait3A_123 = tpu.memref_slice %arg9[%dma_wait3A_116, %dma_wait3A_122] : memref<4x128xi32, #tpu.memory_space<vmem>> -> memref<1x128xi32, #tpu.memory_space<vmem>>
    %dma_wait3A_124 = tpu.memref_squeeze %dma_wait3A_123 : memref<1x128xi32, #tpu.memory_space<vmem>> -> memref<128xi32, #tpu.memory_space<vmem>>
    %dma_wait3A_125 = arith.constant 0 : i32
    %dma_wait3A_126 = arith.constant 0 : i32
    %dma_wait3A_127 = tpu.memref_slice %arg6[%dma_wait3A_125, %dma_wait3A_126] : memref<1000x64xf32, #tpu.memory_space<hbm>> -> memref<1000x64xf32, #tpu.memory_space<hbm>>
    tpu.wait_indirect_dma semaphore(%arg14 : memref<!tpu.dma_semaphore, #tpu.memory_space<semaphore_mem>>) src(%dma_wait3A_127 : memref<1000x64xf32, #tpu.memory_space<hbm>>) dst(%dma_wait3A_121 : memref<128x64xf32, #tpu.memory_space<vmem>>)
    %scan3A = arith.constant 0 : i32
    %scan3A_128 = arith.constant 0 : i32
    %scan3A_129 = arith.constant 64 : i32
    %scan3A_130 = arith.addi %scan3A_128, %scan3A_129 : i32
    %scan3A_131 = arith.constant 1 : i32
    %scan3A_132 = scf.for %scan3A_447 = %scan3A_128 to %scan3A_130 step %scan3A_131 iter_args(%scan3A_448 = %scan3A) -> (i32)  : i32 {
      %mul3A_449 = arith.constant 2 : i32
      %mul3A_450 = arith.muli %mul3A_449, %scan3A_447 : i32
      %add3A_451 = arith.constant 0 : i32
      %add3A_452 = arith.addi %mul3A_450, %add3A_451 : i32
      %get3A = arith.constant 0 : i32
      %get3A_453 = arith.index_cast %get3A : i32 to index
      %get3A_454 = arith.index_cast %add3A_452 : i32 to index
      %get3A_455 = arith.constant 0 : index
      %get3A_456 = tpu.vector_load %arg11[%get3A_453, %get3A_454, %get3A_455] {strides = array<i32>} : memref<2x128x64xf32, #tpu.memory_space<vmem>>, vector<1x1x16xf32>,
      %get3A_457 = vector.shape_cast %get3A_456 : vector<1x1x16xf32> to vector<16xf32>
      %mul3A_458 = arith.constant 2 : i32
      %mul3A_459 = arith.muli %mul3A_458, %scan3A_447 : i32
      %add3A_460 = arith.constant 0 : i32
      %add3A_461 = arith.addi %mul3A_459, %add3A_460 : i32
      %get3A_462 = arith.constant 0 : i32
      %get3A_463 = arith.index_cast %get3A_462 : i32 to index
      %get3A_464 = arith.index_cast %add3A_461 : i32 to index
      %get3A_465 = arith.constant 0 : index
      %get3A_466 = tpu.vector_load %arg12[%get3A_463, %get3A_464, %get3A_465] {strides = array<i32>} : memref<2x128x64xf32, #tpu.memory_space<vmem>>, vector<1x1x16xf32>,
      %get3A_467 = vector.shape_cast %get3A_466 : vector<1x1x16xf32> to vector<16xf32>
      %add3A_468 = arith.addf %get3A_457, %get3A_467 : vector<16xf32>
      %mul3A_469 = arith.constant 2 : i32
      %mul3A_470 = arith.muli %mul3A_469, %scan3A_447 : i32
      %add3A_471 = arith.constant 0 : i32
      %add3A_472 = arith.addi %mul3A_470, %add3A_471 : i32
      %get3A_473 = arith.constant 0 : i32
      %get3A_474 = arith.index_cast %get3A_473 : i32 to index
      %get3A_475 = arith.index_cast %add3A_472 : i32 to index
      %get3A_476 = arith.constant 0 : index
      %get3A_477 = tpu.vector_load %arg13[%get3A_474, %get3A_475, %get3A_476] {strides = array<i32>} : memref<2x128x64xf32, #tpu.memory_space<vmem>>, vector<1x1x16xf32>,
      %get3A_478 = vector.shape_cast %get3A_477 : vector<1x1x16xf32> to vector<16xf32>
      %sub3A = arith.subf %add3A_468, %get3A_478 : vector<16xf32>
      %mul3A_479 = arith.constant 2 : i32
      %mul3A_480 = arith.muli %mul3A_479, %scan3A_447 : i32
      %add3A_481 = arith.constant 0 : i32
      %add3A_482 = arith.addi %mul3A_480, %add3A_481 : i32
      %swap3A = arith.constant 0 : i32
      %swap3A_483 = arith.index_cast %swap3A : i32 to index
      %swap3A_484 = arith.index_cast %add3A_482 : i32 to index
      %swap3A_485 = arith.constant 0 : index
      %swap3A_486 = tpu.vector_load %arg11[%swap3A_483, %swap3A_484, %swap3A_485] {strides = array<i32>} : memref<2x128x64xf32, #tpu.memory_space<vmem>>, vector<1x1x16xf32>,
      %swap3A_487 = vector.shape_cast %swap3A_486 : vector<1x1x16xf32> to vector<16xf32>
      %swap3A_488 = vector.shape_cast %sub3A : vector<16xf32> to vector<1x1x16xf32>
      tpu.vector_store %arg11[%swap3A_483, %swap3A_484, %swap3A_485], %swap3A_488 {strides = array<i32>} : memref<2x128x64xf32, #tpu.memory_space<vmem>>, vector<1x1x16xf32>,
      %mul3A_489 = arith.constant 2 : i32
      %mul3A_490 = arith.muli %mul3A_489, %scan3A_447 : i32
      %add3A_491 = arith.constant 0 : i32
      %add3A_492 = arith.addi %mul3A_490, %add3A_491 : i32
      %get3A_493 = arith.constant 0 : i32
      %get3A_494 = arith.index_cast %get3A_493 : i32 to index
      %get3A_495 = arith.index_cast %add3A_492 : i32 to index
      %get3A_496 = arith.constant 16 : index
      %get3A_497 = tpu.vector_load %arg11[%get3A_494, %get3A_495, %get3A_496] {strides = array<i32>} : memref<2x128x64xf32, #tpu.memory_space<vmem>>, vector<1x1x16xf32>,
      %get3A_498 = vector.shape_cast %get3A_497 : vector<1x1x16xf32> to vector<16xf32>
      %mul3A_499 = arith.constant 2 : i32
      %mul3A_500 = arith.muli %mul3A_499, %scan3A_447 : i32
      %add3A_501 = arith.constant 0 : i32
      %add3A_502 = arith.addi %mul3A_500, %add3A_501 : i32
      %get3A_503 = arith.constant 0 : i32
      %get3A_504 = arith.index_cast %get3A_503 : i32 to index
      %get3A_505 = arith.index_cast %add3A_502 : i32 to index
      %get3A_506 = arith.constant 16 : index
      %get3A_507 = tpu.vector_load %arg12[%get3A_504, %get3A_505, %get3A_506] {strides = array<i32>} : memref<2x128x64xf32, #tpu.memory_space<vmem>>, vector<1x1x16xf32>,
      %get3A_508 = vector.shape_cast %get3A_507 : vector<1x1x16xf32> to vector<16xf32>
      %add3A_509 = arith.addf %get3A_498, %get3A_508 : vector<16xf32>
      %mul3A_510 = arith.constant 2 : i32
      %mul3A_511 = arith.muli %mul3A_510, %scan3A_447 : i32
      %add3A_512 = arith.constant 0 : i32
      %add3A_513 = arith.addi %mul3A_511, %add3A_512 : i32
      %get3A_514 = arith.constant 0 : i32
      %get3A_515 = arith.index_cast %get3A_514 : i32 to index
      %get3A_516 = arith.index_cast %add3A_513 : i32 to index
      %get3A_517 = arith.constant 16 : index
      %get3A_518 = tpu.vector_load %arg13[%get3A_515, %get3A_516, %get3A_517] {strides = array<i32>} : memref<2x128x64xf32, #tpu.memory_space<vmem>>, vector<1x1x16xf32>,
      %get3A_519 = vector.shape_cast %get3A_518 : vector<1x1x16xf32> to vector<16xf32>
      %sub3A_520 = arith.subf %add3A_509, %get3A_519 : vector<16xf32>
      %mul3A_521 = arith.constant 2 : i32
      %mul3A_522 = arith.muli %mul3A_521, %scan3A_447 : i32
      %add3A_523 = arith.constant 0 : i32
      %add3A_524 = arith.addi %mul3A_522, %add3A_523 : i32
      %swap3A_525 = arith.constant 0 : i32
      %swap3A_526 = arith.index_cast %swap3A_525 : i32 to index
      %swap3A_527 = arith.index_cast %add3A_524 : i32 to index
      %swap3A_528 = arith.constant 16 : index
      %swap3A_529 = tpu.vector_load %arg11[%swap3A_526, %swap3A_527, %swap3A_528] {strides = array<i32>} : memref<2x128x64xf32, #tpu.memory_space<vmem>>, vector<1x1x16xf32>,
      %swap3A_530 = vector.shape_cast %swap3A_529 : vector<1x1x16xf32> to vector<16xf32>
      %swap3A_531 = vector.shape_cast %sub3A_520 : vector<16xf32> to vector<1x1x16xf32>
      tpu.vector_store %arg11[%swap3A_526, %swap3A_527, %swap3A_528], %swap3A_531 {strides = array<i32>} : memref<2x128x64xf32, #tpu.memory_space<vmem>>, vector<1x1x16xf32>,
      %mul3A_532 = arith.constant 2 : i32
      %mul3A_533 = arith.muli %mul3A_532, %scan3A_447 : i32
      %add3A_534 = arith.constant 0 : i32
      %add3A_535 = arith.addi %mul3A_533, %add3A_534 : i32
      %get3A_536 = arith.constant 0 : i32
      %get3A_537 = arith.index_cast %get3A_536 : i32 to index
      %get3A_538 = arith.index_cast %add3A_535 : i32 to index
      %get3A_539 = arith.constant 32 : index
      %get3A_540 = tpu.vector_load %arg11[%get3A_537, %get3A_538, %get3A_539] {strides = array<i32>} : memref<2x128x64xf32, #tpu.memory_space<vmem>>, vector<1x1x16xf32>,
      %get3A_541 = vector.shape_cast %get3A_540 : vector<1x1x16xf32> to vector<16xf32>
      %mul3A_542 = arith.constant 2 : i32
      %mul3A_543 = arith.muli %mul3A_542, %scan3A_447 : i32
      %add3A_544 = arith.constant 0 : i32
      %add3A_545 = arith.addi %mul3A_543, %add3A_544 : i32
      %get3A_546 = arith.constant 0 : i32
      %get3A_547 = arith.index_cast %get3A_546 : i32 to index
      %get3A_548 = arith.index_cast %add3A_545 : i32 to index
      %get3A_549 = arith.constant 32 : index
      %get3A_550 = tpu.vector_load %arg12[%get3A_547, %get3A_548, %get3A_549] {strides = array<i32>} : memref<2x128x64xf32, #tpu.memory_space<vmem>>, vector<1x1x16xf32>,
      %get3A_551 = vector.shape_cast %get3A_550 : vector<1x1x16xf32> to vector<16xf32>
      %add3A_552 = arith.addf %get3A_541, %get3A_551 : vector<16xf32>
      %mul3A_553 = arith.constant 2 : i32
      %mul3A_554 = arith.muli %mul3A_553, %scan3A_447 : i32
      %add3A_555 = arith.constant 0 : i32
      %add3A_556 = arith.addi %mul3A_554, %add3A_555 : i32
      %get3A_557 = arith.constant 0 : i32
      %get3A_558 = arith.index_cast %get3A_557 : i32 to index
      %get3A_559 = arith.index_cast %add3A_556 : i32 to index
      %get3A_560 = arith.constant 32 : index
      %get3A_561 = tpu.vector_load %arg13[%get3A_558, %get3A_559, %get3A_560] {strides = array<i32>} : memref<2x128x64xf32, #tpu.memory_space<vmem>>, vector<1x1x16xf32>,
      %get3A_562 = vector.shape_cast %get3A_561 : vector<1x1x16xf32> to vector<16xf32>
      %sub3A_563 = arith.subf %add3A_552, %get3A_562 : vector<16xf32>
      %mul3A_564 = arith.constant 2 : i32
      %mul3A_565 = arith.muli %mul3A_564, %scan3A_447 : i32
      %add3A_566 = arith.constant 0 : i32
      %add3A_567 = arith.addi %mul3A_565, %add3A_566 : i32
      %swap3A_568 = arith.constant 0 : i32
      %swap3A_569 = arith.index_cast %swap3A_568 : i32 to index
      %swap3A_570 = arith.index_cast %add3A_567 : i32 to index
      %swap3A_571 = arith.constant 32 : index
      %swap3A_572 = tpu.vector_load %arg11[%swap3A_569, %swap3A_570, %swap3A_571] {strides = array<i32>} : memref<2x128x64xf32, #tpu.memory_space<vmem>>, vector<1x1x16xf32>,
      %swap3A_573 = vector.shape_cast %swap3A_572 : vector<1x1x16xf32> to vector<16xf32>
      %swap3A_574 = vector.shape_cast %sub3A_563 : vector<16xf32> to vector<1x1x16xf32>
      tpu.vector_store %arg11[%swap3A_569, %swap3A_570, %swap3A_571], %swap3A_574 {strides = array<i32>} : memref<2x128x64xf32, #tpu.memory_space<vmem>>, vector<1x1x16xf32>,
      %mul3A_575 = arith.constant 2 : i32
      %mul3A_576 = arith.muli %mul3A_575, %scan3A_447 : i32
      %add3A_577 = arith.constant 0 : i32
      %add3A_578 = arith.addi %mul3A_576, %add3A_577 : i32
      %get3A_579 = arith.constant 0 : i32
      %get3A_580 = arith.index_cast %get3A_579 : i32 to index
      %get3A_581 = arith.index_cast %add3A_578 : i32 to index
      %get3A_582 = arith.constant 48 : index
      %get3A_583 = tpu.vector_load %arg11[%get3A_580, %get3A_581, %get3A_582] {strides = array<i32>} : memref<2x128x64xf32, #tpu.memory_space<vmem>>, vector<1x1x16xf32>,
      %get3A_584 = vector.shape_cast %get3A_583 : vector<1x1x16xf32> to vector<16xf32>
      %mul3A_585 = arith.constant 2 : i32
      %mul3A_586 = arith.muli %mul3A_585, %scan3A_447 : i32
      %add3A_587 = arith.constant 0 : i32
      %add3A_588 = arith.addi %mul3A_586, %add3A_587 : i32
      %get3A_589 = arith.constant 0 : i32
      %get3A_590 = arith.index_cast %get3A_589 : i32 to index
      %get3A_591 = arith.index_cast %add3A_588 : i32 to index
      %get3A_592 = arith.constant 48 : index
      %get3A_593 = tpu.vector_load %arg12[%get3A_590, %get3A_591, %get3A_592] {strides = array<i32>} : memref<2x128x64xf32, #tpu.memory_space<vmem>>, vector<1x1x16xf32>,
      %get3A_594 = vector.shape_cast %get3A_593 : vector<1x1x16xf32> to vector<16xf32>
      %add3A_595 = arith.addf %get3A_584, %get3A_594 : vector<16xf32>
      %mul3A_596 = arith.constant 2 : i32
      %mul3A_597 = arith.muli %mul3A_596, %scan3A_447 : i32
      %add3A_598 = arith.constant 0 : i32
      %add3A_599 = arith.addi %mul3A_597, %add3A_598 : i32
      %get3A_600 = arith.constant 0 : i32
      %get3A_601 = arith.index_cast %get3A_600 : i32 to index
      %get3A_602 = arith.index_cast %add3A_599 : i32 to index
      %get3A_603 = arith.constant 48 : index
      %get3A_604 = tpu.vector_load %arg13[%get3A_601, %get3A_602, %get3A_603] {strides = array<i32>} : memref<2x128x64xf32, #tpu.memory_space<vmem>>, vector<1x1x16xf32>,
      %get3A_605 = vector.shape_cast %get3A_604 : vector<1x1x16xf32> to vector<16xf32>
      %sub3A_606 = arith.subf %add3A_595, %get3A_605 : vector<16xf32>
      %mul3A_607 = arith.constant 2 : i32
      %mul3A_608 = arith.muli %mul3A_607, %scan3A_447 : i32
      %add3A_609 = arith.constant 0 : i32
      %add3A_610 = arith.addi %mul3A_608, %add3A_609 : i32
      %swap3A_611 = arith.constant 0 : i32
      %swap3A_612 = arith.index_cast %swap3A_611 : i32 to index
      %swap3A_613 = arith.index_cast %add3A_610 : i32 to index
      %swap3A_614 = arith.constant 48 : index
      %swap3A_615 = tpu.vector_load %arg11[%swap3A_612, %swap3A_613, %swap3A_614] {strides = array<i32>} : memref<2x128x64xf32, #tpu.memory_space<vmem>>, vector<1x1x16xf32>,
      %swap3A_616 = vector.shape_cast %swap3A_615 : vector<1x1x16xf32> to vector<16xf32>
      %swap3A_617 = vector.shape_cast %sub3A_606 : vector<16xf32> to vector<1x1x16xf32>
      tpu.vector_store %arg11[%swap3A_612, %swap3A_613, %swap3A_614], %swap3A_617 {strides = array<i32>} : memref<2x128x64xf32, #tpu.memory_space<vmem>>, vector<1x1x16xf32>,
      %mul3A_618 = arith.constant 2 : i32
      %mul3A_619 = arith.muli %mul3A_618, %scan3A_447 : i32
      %add3A_620 = arith.constant 1 : i32
      %add3A_621 = arith.addi %mul3A_619, %add3A_620 : i32
      %get3A_622 = arith.constant 0 : i32
      %get3A_623 = arith.index_cast %get3A_622 : i32 to index
      %get3A_624 = arith.index_cast %add3A_621 : i32 to index
      %get3A_625 = arith.constant 0 : index
      %get3A_626 = tpu.vector_load %arg11[%get3A_623, %get3A_624, %get3A_625] {strides = array<i32>} : memref<2x128x64xf32, #tpu.memory_space<vmem>>, vector<1x1x16xf32>,
      %get3A_627 = vector.shape_cast %get3A_626 : vector<1x1x16xf32> to vector<16xf32>
      %mul3A_628 = arith.constant 2 : i32
      %mul3A_629 = arith.muli %mul3A_628, %scan3A_447 : i32
      %add3A_630 = arith.constant 1 : i32
      %add3A_631 = arith.addi %mul3A_629, %add3A_630 : i32
      %get3A_632 = arith.constant 0 : i32
      %get3A_633 = arith.index_cast %get3A_632 : i32 to index
      %get3A_634 = arith.index_cast %add3A_631 : i32 to index
      %get3A_635 = arith.constant 0 : index
      %get3A_636 = tpu.vector_load %arg12[%get3A_633, %get3A_634, %get3A_635] {strides = array<i32>} : memref<2x128x64xf32, #tpu.memory_space<vmem>>, vector<1x1x16xf32>,
      %get3A_637 = vector.shape_cast %get3A_636 : vector<1x1x16xf32> to vector<16xf32>
      %add3A_638 = arith.addf %get3A_627, %get3A_637 : vector<16xf32>
      %mul3A_639 = arith.constant 2 : i32
      %mul3A_640 = arith.muli %mul3A_639, %scan3A_447 : i32
      %add3A_641 = arith.constant 1 : i32
      %add3A_642 = arith.addi %mul3A_640, %add3A_641 : i32
      %get3A_643 = arith.constant 0 : i32
      %get3A_644 = arith.index_cast %get3A_643 : i32 to index
      %get3A_645 = arith.index_cast %add3A_642 : i32 to index
      %get3A_646 = arith.constant 0 : index
      %get3A_647 = tpu.vector_load %arg13[%get3A_644, %get3A_645, %get3A_646] {strides = array<i32>} : memref<2x128x64xf32, #tpu.memory_space<vmem>>, vector<1x1x16xf32>,
      %get3A_648 = vector.shape_cast %get3A_647 : vector<1x1x16xf32> to vector<16xf32>
      %sub3A_649 = arith.subf %add3A_638, %get3A_648 : vector<16xf32>
      %mul3A_650 = arith.constant 2 : i32
      %mul3A_651 = arith.muli %mul3A_650, %scan3A_447 : i32
      %add3A_652 = arith.constant 1 : i32
      %add3A_653 = arith.addi %mul3A_651, %add3A_652 : i32
      %swap3A_654 = arith.constant 0 : i32
      %swap3A_655 = arith.index_cast %swap3A_654 : i32 to index
      %swap3A_656 = arith.index_cast %add3A_653 : i32 to index
      %swap3A_657 = arith.constant 0 : index
      %swap3A_658 = tpu.vector_load %arg11[%swap3A_655, %swap3A_656, %swap3A_657] {strides = array<i32>} : memref<2x128x64xf32, #tpu.memory_space<vmem>>, vector<1x1x16xf32>,
      %swap3A_659 = vector.shape_cast %swap3A_658 : vector<1x1x16xf32> to vector<16xf32>
      %swap3A_660 = vector.shape_cast %sub3A_649 : vector<16xf32> to vector<1x1x16xf32>
      tpu.vector_store %arg11[%swap3A_655, %swap3A_656, %swap3A_657], %swap3A_660 {strides = array<i32>} : memref<2x128x64xf32, #tpu.memory_space<vmem>>, vector<1x1x16xf32>,
      %mul3A_661 = arith.constant 2 : i32
      %mul3A_662 = arith.muli %mul3A_661, %scan3A_447 : i32
      %add3A_663 = arith.constant 1 : i32
      %add3A_664 = arith.addi %mul3A_662, %add3A_663 : i32
      %get3A_665 = arith.constant 0 : i32
      %get3A_666 = arith.index_cast %get3A_665 : i32 to index
      %get3A_667 = arith.index_cast %add3A_664 : i32 to index
      %get3A_668 = arith.constant 16 : index
      %get3A_669 = tpu.vector_load %arg11[%get3A_666, %get3A_667, %get3A_668] {strides = array<i32>} : memref<2x128x64xf32, #tpu.memory_space<vmem>>, vector<1x1x16xf32>,
      %get3A_670 = vector.shape_cast %get3A_669 : vector<1x1x16xf32> to vector<16xf32>
      %mul3A_671 = arith.constant 2 : i32
      %mul3A_672 = arith.muli %mul3A_671, %scan3A_447 : i32
      %add3A_673 = arith.constant 1 : i32
      %add3A_674 = arith.addi %mul3A_672, %add3A_673 : i32
      %get3A_675 = arith.constant 0 : i32
      %get3A_676 = arith.index_cast %get3A_675 : i32 to index
      %get3A_677 = arith.index_cast %add3A_674 : i32 to index
      %get3A_678 = arith.constant 16 : index
      %get3A_679 = tpu.vector_load %arg12[%get3A_676, %get3A_677, %get3A_678] {strides = array<i32>} : memref<2x128x64xf32, #tpu.memory_space<vmem>>, vector<1x1x16xf32>,
      %get3A_680 = vector.shape_cast %get3A_679 : vector<1x1x16xf32> to vector<16xf32>
      %add3A_681 = arith.addf %get3A_670, %get3A_680 : vector<16xf32>
      %mul3A_682 = arith.constant 2 : i32
      %mul3A_683 = arith.muli %mul3A_682, %scan3A_447 : i32
      %add3A_684 = arith.constant 1 : i32
      %add3A_685 = arith.addi %mul3A_683, %add3A_684 : i32
      %get3A_686 = arith.constant 0 : i32
      %get3A_687 = arith.index_cast %get3A_686 : i32 to index
      %get3A_688 = arith.index_cast %add3A_685 : i32 to index
      %get3A_689 = arith.constant 16 : index
      %get3A_690 = tpu.vector_load %arg13[%get3A_687, %get3A_688, %get3A_689] {strides = array<i32>} : memref<2x128x64xf32, #tpu.memory_space<vmem>>, vector<1x1x16xf32>,
      %get3A_691 = vector.shape_cast %get3A_690 : vector<1x1x16xf32> to vector<16xf32>
      %sub3A_692 = arith.subf %add3A_681, %get3A_691 : vector<16xf32>
      %mul3A_693 = arith.constant 2 : i32
      %mul3A_694 = arith.muli %mul3A_693, %scan3A_447 : i32
      %add3A_695 = arith.constant 1 : i32
      %add3A_696 = arith.addi %mul3A_694, %add3A_695 : i32
      %swap3A_697 = arith.constant 0 : i32
      %swap3A_698 = arith.index_cast %swap3A_697 : i32 to index
      %swap3A_699 = arith.index_cast %add3A_696 : i32 to index
      %swap3A_700 = arith.constant 16 : index
      %swap3A_701 = tpu.vector_load %arg11[%swap3A_698, %swap3A_699, %swap3A_700] {strides = array<i32>} : memref<2x128x64xf32, #tpu.memory_space<vmem>>, vector<1x1x16xf32>,
      %swap3A_702 = vector.shape_cast %swap3A_701 : vector<1x1x16xf32> to vector<16xf32>
      %swap3A_703 = vector.shape_cast %sub3A_692 : vector<16xf32> to vector<1x1x16xf32>
      tpu.vector_store %arg11[%swap3A_698, %swap3A_699, %swap3A_700], %swap3A_703 {strides = array<i32>} : memref<2x128x64xf32, #tpu.memory_space<vmem>>, vector<1x1x16xf32>,
      %mul3A_704 = arith.constant 2 : i32
      %mul3A_705 = arith.muli %mul3A_704, %scan3A_447 : i32
      %add3A_706 = arith.constant 1 : i32
      %add3A_707 = arith.addi %mul3A_705, %add3A_706 : i32
      %get3A_708 = arith.constant 0 : i32
      %get3A_709 = arith.index_cast %get3A_708 : i32 to index
      %get3A_710 = arith.index_cast %add3A_707 : i32 to index
      %get3A_711 = arith.constant 32 : index
      %get3A_712 = tpu.vector_load %arg11[%get3A_709, %get3A_710, %get3A_711] {strides = array<i32>} : memref<2x128x64xf32, #tpu.memory_space<vmem>>, vector<1x1x16xf32>,
      %get3A_713 = vector.shape_cast %get3A_712 : vector<1x1x16xf32> to vector<16xf32>
      %mul3A_714 = arith.constant 2 : i32
      %mul3A_715 = arith.muli %mul3A_714, %scan3A_447 : i32
      %add3A_716 = arith.constant 1 : i32
      %add3A_717 = arith.addi %mul3A_715, %add3A_716 : i32
      %get3A_718 = arith.constant 0 : i32
      %get3A_719 = arith.index_cast %get3A_718 : i32 to index
      %get3A_720 = arith.index_cast %add3A_717 : i32 to index
      %get3A_721 = arith.constant 32 : index
      %get3A_722 = tpu.vector_load %arg12[%get3A_719, %get3A_720, %get3A_721] {strides = array<i32>} : memref<2x128x64xf32, #tpu.memory_space<vmem>>, vector<1x1x16xf32>,
      %get3A_723 = vector.shape_cast %get3A_722 : vector<1x1x16xf32> to vector<16xf32>
      %add3A_724 = arith.addf %get3A_713, %get3A_723 : vector<16xf32>
      %mul3A_725 = arith.constant 2 : i32
      %mul3A_726 = arith.muli %mul3A_725, %scan3A_447 : i32
      %add3A_727 = arith.constant 1 : i32
      %add3A_728 = arith.addi %mul3A_726, %add3A_727 : i32
      %get3A_729 = arith.constant 0 : i32
      %get3A_730 = arith.index_cast %get3A_729 : i32 to index
      %get3A_731 = arith.index_cast %add3A_728 : i32 to index
      %get3A_732 = arith.constant 32 : index
      %get3A_733 = tpu.vector_load %arg13[%get3A_730, %get3A_731, %get3A_732] {strides = array<i32>} : memref<2x128x64xf32, #tpu.memory_space<vmem>>, vector<1x1x16xf32>,
      %get3A_734 = vector.shape_cast %get3A_733 : vector<1x1x16xf32> to vector<16xf32>
      %sub3A_735 = arith.subf %add3A_724, %get3A_734 : vector<16xf32>
      %mul3A_736 = arith.constant 2 : i32
      %mul3A_737 = arith.muli %mul3A_736, %scan3A_447 : i32
      %add3A_738 = arith.constant 1 : i32
      %add3A_739 = arith.addi %mul3A_737, %add3A_738 : i32
      %swap3A_740 = arith.constant 0 : i32
      %swap3A_741 = arith.index_cast %swap3A_740 : i32 to index
      %swap3A_742 = arith.index_cast %add3A_739 : i32 to index
      %swap3A_743 = arith.constant 32 : index
      %swap3A_744 = tpu.vector_load %arg11[%swap3A_741, %swap3A_742, %swap3A_743] {strides = array<i32>} : memref<2x128x64xf32, #tpu.memory_space<vmem>>, vector<1x1x16xf32>,
      %swap3A_745 = vector.shape_cast %swap3A_744 : vector<1x1x16xf32> to vector<16xf32>
      %swap3A_746 = vector.shape_cast %sub3A_735 : vector<16xf32> to vector<1x1x16xf32>
      tpu.vector_store %arg11[%swap3A_741, %swap3A_742, %swap3A_743], %swap3A_746 {strides = array<i32>} : memref<2x128x64xf32, #tpu.memory_space<vmem>>, vector<1x1x16xf32>,
      %mul3A_747 = arith.constant 2 : i32
      %mul3A_748 = arith.muli %mul3A_747, %scan3A_447 : i32
      %add3A_749 = arith.constant 1 : i32
      %add3A_750 = arith.addi %mul3A_748, %add3A_749 : i32
      %get3A_751 = arith.constant 0 : i32
      %get3A_752 = arith.index_cast %get3A_751 : i32 to index
      %get3A_753 = arith.index_cast %add3A_750 : i32 to index
      %get3A_754 = arith.constant 48 : index
      %get3A_755 = tpu.vector_load %arg11[%get3A_752, %get3A_753, %get3A_754] {strides = array<i32>} : memref<2x128x64xf32, #tpu.memory_space<vmem>>, vector<1x1x16xf32>,
      %get3A_756 = vector.shape_cast %get3A_755 : vector<1x1x16xf32> to vector<16xf32>
      %mul3A_757 = arith.constant 2 : i32
      %mul3A_758 = arith.muli %mul3A_757, %scan3A_447 : i32
      %add3A_759 = arith.constant 1 : i32
      %add3A_760 = arith.addi %mul3A_758, %add3A_759 : i32
      %get3A_761 = arith.constant 0 : i32
      %get3A_762 = arith.index_cast %get3A_761 : i32 to index
      %get3A_763 = arith.index_cast %add3A_760 : i32 to index
      %get3A_764 = arith.constant 48 : index
      %get3A_765 = tpu.vector_load %arg12[%get3A_762, %get3A_763, %get3A_764] {strides = array<i32>} : memref<2x128x64xf32, #tpu.memory_space<vmem>>, vector<1x1x16xf32>,
      %get3A_766 = vector.shape_cast %get3A_765 : vector<1x1x16xf32> to vector<16xf32>
      %add3A_767 = arith.addf %get3A_756, %get3A_766 : vector<16xf32>
      %mul3A_768 = arith.constant 2 : i32
      %mul3A_769 = arith.muli %mul3A_768, %scan3A_447 : i32
      %add3A_770 = arith.constant 1 : i32
      %add3A_771 = arith.addi %mul3A_769, %add3A_770 : i32
      %get3A_772 = arith.constant 0 : i32
      %get3A_773 = arith.index_cast %get3A_772 : i32 to index
      %get3A_774 = arith.index_cast %add3A_771 : i32 to index
      %get3A_775 = arith.constant 48 : index
      %get3A_776 = tpu.vector_load %arg13[%get3A_773, %get3A_774, %get3A_775] {strides = array<i32>} : memref<2x128x64xf32, #tpu.memory_space<vmem>>, vector<1x1x16xf32>,
      %get3A_777 = vector.shape_cast %get3A_776 : vector<1x1x16xf32> to vector<16xf32>
      %sub3A_778 = arith.subf %add3A_767, %get3A_777 : vector<16xf32>
      %mul3A_779 = arith.constant 2 : i32
      %mul3A_780 = arith.muli %mul3A_779, %scan3A_447 : i32
      %add3A_781 = arith.constant 1 : i32
      %add3A_782 = arith.addi %mul3A_780, %add3A_781 : i32
      %swap3A_783 = arith.constant 0 : i32
      %swap3A_784 = arith.index_cast %swap3A_783 : i32 to index
      %swap3A_785 = arith.index_cast %add3A_782 : i32 to index
      %swap3A_786 = arith.constant 48 : index
      %swap3A_787 = tpu.vector_load %arg11[%swap3A_784, %swap3A_785, %swap3A_786] {strides = array<i32>} : memref<2x128x64xf32, #tpu.memory_space<vmem>>, vector<1x1x16xf32>,
      %swap3A_788 = vector.shape_cast %swap3A_787 : vector<1x1x16xf32> to vector<16xf32>
      %swap3A_789 = vector.shape_cast %sub3A_778 : vector<16xf32> to vector<1x1x16xf32>
      tpu.vector_store %arg11[%swap3A_784, %swap3A_785, %swap3A_786], %swap3A_789 {strides = array<i32>} : memref<2x128x64xf32, #tpu.memory_space<vmem>>, vector<1x1x16xf32>,
      %scan3A_790 = arith.constant 0 : i32
      scf.yield %scan3A_790 : i32
    }
    %scan3A_133 = arith.constant 64 : i32
    %add3A_134 = arith.constant 0 : i32
    %add3A_135 = arith.addi %mul3A_2, %add3A_134 : i32
    %dma_start3A_136 = arith.constant 0 : i32
    %dma_start3A_137 = arith.constant 0 : i32
    %dma_start3A_138 = arith.constant 0 : i32
    %dma_start3A_139 = tpu.memref_slice %arg11[%dma_start3A_136, %dma_start3A_137, %dma_start3A_138] : memref<2x128x64xf32, #tpu.memory_space<vmem>> -> memref<1x128x64xf32, #tpu.memory_space<vmem>>
    %dma_start3A_140 = tpu.memref_squeeze %dma_start3A_139 : memref<1x128x64xf32, #tpu.memory_space<vmem>> -> memref<128x64xf32, #tpu.memory_space<vmem>>
    %dma_start3A_141 = arith.constant 0 : i32
    %dma_start3A_142 = tpu.memref_slice %arg7[%add3A_135, %dma_start3A_141] : memref<16384x64xf32, #tpu.memory_space<hbm>> -> memref<128x64xf32, #tpu.memory_space<hbm>>
    %dma_start3A_143 = arith.constant 0 : i32
    %dma_start3A_144 = tpu.memref_slice %arg7[%add3A_135, %dma_start3A_143] : memref<16384x64xf32, #tpu.memory_space<hbm>> -> memref<128x64xf32, #tpu.memory_space<hbm>>
    %dma_start3A_145 = arith.constant 0 : i32
    %dma_start3A_146 = arith.constant 0 : i32
    %dma_start3A_147 = tpu.memref_slice %arg11[%dma_start3A_136, %dma_start3A_145, %dma_start3A_146] : memref<2x128x64xf32, #tpu.memory_space<vmem>> -> memref<1x128x64xf32, #tpu.memory_space<vmem>>
    %dma_start3A_148 = tpu.memref_squeeze %dma_start3A_147 : memref<1x128x64xf32, #tpu.memory_space<vmem>> -> memref<128x64xf32, #tpu.memory_space<vmem>>
    tpu.enqueue_dma source(%dma_start3A_148 : memref<128x64xf32, #tpu.memory_space<vmem>>) target(%dma_start3A_144 : memref<128x64xf32, #tpu.memory_space<hbm>>) target_semaphore(%arg15 : memref<!tpu.dma_semaphore, #tpu.memory_space<semaphore_mem>>)
    %dma_wait3A_149 = arith.constant 0 : i32
    %dma_wait3A_150 = arith.constant 0 : i32
    %dma_wait3A_151 = arith.constant 0 : i32
    %dma_wait3A_152 = tpu.memref_slice %arg11[%dma_wait3A_149, %dma_wait3A_150, %dma_wait3A_151] : memref<2x128x64xf32, #tpu.memory_space<vmem>> -> memref<1x128x64xf32, #tpu.memory_space<vmem>>
    %dma_wait3A_153 = tpu.memref_squeeze %dma_wait3A_152 : memref<1x128x64xf32, #tpu.memory_space<vmem>> -> memref<128x64xf32, #tpu.memory_space<vmem>>
    %dma_wait3A_154 = arith.constant 0 : i32
    %dma_wait3A_155 = tpu.memref_slice %arg7[%add3A_135, %dma_wait3A_154] : memref<16384x64xf32, #tpu.memory_space<hbm>> -> memref<128x64xf32, #tpu.memory_space<hbm>>
    %dma_wait3A_156 = arith.constant 0 : i32
    %dma_wait3A_157 = tpu.memref_slice %arg7[%add3A_135, %dma_wait3A_156] : memref<16384x64xf32, #tpu.memory_space<hbm>> -> memref<128x64xf32, #tpu.memory_space<hbm>>
    %dma_wait3A_158 = arith.constant 0 : i32
    %dma_wait3A_159 = arith.constant 0 : i32
    %dma_wait3A_160 = tpu.memref_slice %arg11[%dma_wait3A_149, %dma_wait3A_158, %dma_wait3A_159] : memref<2x128x64xf32, #tpu.memory_space<vmem>> -> memref<1x128x64xf32, #tpu.memory_space<vmem>>
    %dma_wait3A_161 = tpu.memref_squeeze %dma_wait3A_160 : memref<1x128x64xf32, #tpu.memory_space<vmem>> -> memref<128x64xf32, #tpu.memory_space<vmem>>
    tpu.wait_dma2 semaphore(%arg15 : memref<!tpu.dma_semaphore, #tpu.memory_space<semaphore_mem>>) src(%dma_wait3A_161 : memref<128x64xf32, #tpu.memory_space<vmem>>) dst(%dma_wait3A_157 : memref<128x64xf32, #tpu.memory_space<hbm>>)
    %dma_start3A_162 = arith.constant 2 : i32
    %dma_start3A_163 = arith.constant 0 : i32
    %dma_start3A_164 = arith.constant 0 : i32
    %dma_start3A_165 = arith.constant 0 : i32
    %dma_start3A_166 = tpu.memref_slice %arg11[%dma_start3A_163, %dma_start3A_164, %dma_start3A_165] : memref<2x128x64xf32, #tpu.memory_space<vmem>> -> memref<1x128x64xf32, #tpu.memory_space<vmem>>
    %dma_start3A_167 = tpu.memref_squeeze %dma_start3A_166 : memref<1x128x64xf32, #tpu.memory_space<vmem>> -> memref<128x64xf32, #tpu.memory_space<vmem>>
    %dma_start3A_168 = arith.constant 0 : i32
    %dma_start3A_169 = tpu.memref_slice %arg8[%dma_start3A_162, %dma_start3A_168] : memref<4x128xi32, #tpu.memory_space<vmem>> -> memref<1x128xi32, #tpu.memory_space<vmem>>
    %dma_start3A_170 = tpu.memref_squeeze %dma_start3A_169 : memref<1x128xi32, #tpu.memory_space<vmem>> -> memref<128xi32, #tpu.memory_space<vmem>>
    %dma_start3A_171 = arith.constant 0 : i32
    %dma_start3A_172 = arith.constant 0 : i32
    %dma_start3A_173 = tpu.memref_slice %arg5[%dma_start3A_171, %dma_start3A_172] : memref<1000000x64xf32, #tpu.memory_space<hbm>> -> memref<1000000x64xf32, #tpu.memory_space<hbm>>
    tpu.enqueue_indirect_dma source(%dma_start3A_173 : memref<1000000x64xf32, #tpu.memory_space<hbm>>) target(%dma_start3A_167 : memref<128x64xf32, #tpu.memory_space<vmem>>) offsets(%dma_start3A_170 : memref<128xi32, #tpu.memory_space<vmem>>) semaphore(%arg14 : memref<!tpu.dma_semaphore, #tpu.memory_space<semaphore_mem>>)
    %dma_start3A_174 = arith.constant 2 : i32
    %dma_start3A_175 = arith.constant 0 : i32
    %dma_start3A_176 = arith.constant 0 : i32
    %dma_start3A_177 = arith.constant 0 : i32
    %dma_start3A_178 = tpu.memref_slice %arg13[%dma_start3A_175, %dma_start3A_176, %dma_start3A_177] : memref<2x128x64xf32, #tpu.memory_space<vmem>> -> memref<1x128x64xf32, #tpu.memory_space<vmem>>
    %dma_start3A_179 = tpu.memref_squeeze %dma_start3A_178 : memref<1x128x64xf32, #tpu.memory_space<vmem>> -> memref<128x64xf32, #tpu.memory_space<vmem>>
    %dma_start3A_180 = arith.constant 0 : i32
    %dma_start3A_181 = tpu.memref_slice %arg10[%dma_start3A_174, %dma_start3A_180] : memref<4x128xi32, #tpu.memory_space<vmem>> -> memref<1x128xi32, #tpu.memory_space<vmem>>
    %dma_start3A_182 = tpu.memref_squeeze %dma_start3A_181 : memref<1x128xi32, #tpu.memory_space<vmem>> -> memref<128xi32, #tpu.memory_space<vmem>>
    %dma_start3A_183 = arith.constant 0 : i32
    %dma_start3A_184 = arith.constant 0 : i32
    %dma_start3A_185 = tpu.memref_slice %arg5[%dma_start3A_183, %dma_start3A_184] : memref<1000000x64xf32, #tpu.memory_space<hbm>> -> memref<1000000x64xf32, #tpu.memory_space<hbm>>
    tpu.enqueue_indirect_dma source(%dma_start3A_185 : memref<1000000x64xf32, #tpu.memory_space<hbm>>) target(%dma_start3A_179 : memref<128x64xf32, #tpu.memory_space<vmem>>) offsets(%dma_start3A_182 : memref<128xi32, #tpu.memory_space<vmem>>) semaphore(%arg14 : memref<!tpu.dma_semaphore, #tpu.memory_space<semaphore_mem>>)
    %dma_start3A_186 = arith.constant 2 : i32
    %dma_start3A_187 = arith.constant 0 : i32
    %dma_start3A_188 = arith.constant 0 : i32
    %dma_start3A_189 = arith.constant 0 : i32
    %dma_start3A_190 = tpu.memref_slice %arg12[%dma_start3A_187, %dma_start3A_188, %dma_start3A_189] : memref<2x128x64xf32, #tpu.memory_space<vmem>> -> memref<1x128x64xf32, #tpu.memory_space<vmem>>
    %dma_start3A_191 = tpu.memref_squeeze %dma_start3A_190 : memref<1x128x64xf32, #tpu.memory_space<vmem>> -> memref<128x64xf32, #tpu.memory_space<vmem>>
    %dma_start3A_192 = arith.constant 0 : i32
    %dma_start3A_193 = tpu.memref_slice %arg9[%dma_start3A_186, %dma_start3A_192] : memref<4x128xi32, #tpu.memory_space<vmem>> -> memref<1x128xi32, #tpu.memory_space<vmem>>
    %dma_start3A_194 = tpu.memref_squeeze %dma_start3A_193 : memref<1x128xi32, #tpu.memory_space<vmem>> -> memref<128xi32, #tpu.memory_space<vmem>>
    %dma_start3A_195 = arith.constant 0 : i32
    %dma_start3A_196 = arith.constant 0 : i32
    %dma_start3A_197 = tpu.memref_slice %arg6[%dma_start3A_195, %dma_start3A_196] : memref<1000x64xf32, #tpu.memory_space<hbm>> -> memref<1000x64xf32, #tpu.memory_space<hbm>>
    tpu.enqueue_indirect_dma source(%dma_start3A_197 : memref<1000x64xf32, #tpu.memory_space<hbm>>) target(%dma_start3A_191 : memref<128x64xf32, #tpu.memory_space<vmem>>) offsets(%dma_start3A_194 : memref<128xi32, #tpu.memory_space<vmem>>) semaphore(%arg14 : memref<!tpu.dma_semaphore, #tpu.memory_space<semaphore_mem>>)
    %dma_wait3A_198 = arith.constant 1 : i32
    %dma_wait3A_199 = arith.constant 1 : i32
    %dma_wait3A_200 = arith.constant 0 : i32
    %dma_wait3A_201 = arith.constant 0 : i32
    %dma_wait3A_202 = tpu.memref_slice %arg11[%dma_wait3A_199, %dma_wait3A_200, %dma_wait3A_201] : memref<2x128x64xf32, #tpu.memory_space<vmem>> -> memref<1x128x64xf32, #tpu.memory_space<vmem>>
    %dma_wait3A_203 = tpu.memref_squeeze %dma_wait3A_202 : memref<1x128x64xf32, #tpu.memory_space<vmem>> -> memref<128x64xf32, #tpu.memory_space<vmem>>
    %dma_wait3A_204 = arith.constant 0 : i32
    %dma_wait3A_205 = tpu.memref_slice %arg8[%dma_wait3A_198, %dma_wait3A_204] : memref<4x128xi32, #tpu.memory_space<vmem>> -> memref<1x128xi32, #tpu.memory_space<vmem>>
    %dma_wait3A_206 = tpu.memref_squeeze %dma_wait3A_205 : memref<1x128xi32, #tpu.memory_space<vmem>> -> memref<128xi32, #tpu.memory_space<vmem>>
    %dma_wait3A_207 = arith.constant 0 : i32
    %dma_wait3A_208 = arith.constant 0 : i32
    %dma_wait3A_209 = tpu.memref_slice %arg5[%dma_wait3A_207, %dma_wait3A_208] : memref<1000000x64xf32, #tpu.memory_space<hbm>> -> memref<1000000x64xf32, #tpu.memory_space<hbm>>
    tpu.wait_indirect_dma semaphore(%arg14 : memref<!tpu.dma_semaphore, #tpu.memory_space<semaphore_mem>>) src(%dma_wait3A_209 : memref<1000000x64xf32, #tpu.memory_space<hbm>>) dst(%dma_wait3A_203 : memref<128x64xf32, #tpu.memory_space<vmem>>)
    %dma_wait3A_210 = arith.constant 1 : i32
    %dma_wait3A_211 = arith.constant 1 : i32
    %dma_wait3A_212 = arith.constant 0 : i32
    %dma_wait3A_213 = arith.constant 0 : i32
    %dma_wait3A_214 = tpu.memref_slice %arg13[%dma_wait3A_211, %dma_wait3A_212, %dma_wait3A_213] : memref<2x128x64xf32, #tpu.memory_space<vmem>> -> memref<1x128x64xf32, #tpu.memory_space<vmem>>
    %dma_wait3A_215 = tpu.memref_squeeze %dma_wait3A_214 : memref<1x128x64xf32, #tpu.memory_space<vmem>> -> memref<128x64xf32, #tpu.memory_space<vmem>>
    %dma_wait3A_216 = arith.constant 0 : i32
    %dma_wait3A_217 = tpu.memref_slice %arg10[%dma_wait3A_210, %dma_wait3A_216] : memref<4x128xi32, #tpu.memory_space<vmem>> -> memref<1x128xi32, #tpu.memory_space<vmem>>
    %dma_wait3A_218 = tpu.memref_squeeze %dma_wait3A_217 : memref<1x128xi32, #tpu.memory_space<vmem>> -> memref<128xi32, #tpu.memory_space<vmem>>
    %dma_wait3A_219 = arith.constant 0 : i32
    %dma_wait3A_220 = arith.constant 0 : i32
    %dma_wait3A_221 = tpu.memref_slice %arg5[%dma_wait3A_219, %dma_wait3A_220] : memref<1000000x64xf32, #tpu.memory_space<hbm>> -> memref<1000000x64xf32, #tpu.memory_space<hbm>>
    tpu.wait_indirect_dma semaphore(%arg14 : memref<!tpu.dma_semaphore, #tpu.memory_space<semaphore_mem>>) src(%dma_wait3A_221 : memref<1000000x64xf32, #tpu.memory_space<hbm>>) dst(%dma_wait3A_215 : memref<128x64xf32, #tpu.memory_space<vmem>>)
    %dma_wait3A_222 = arith.constant 1 : i32
    %dma_wait3A_223 = arith.constant 1 : i32
    %dma_wait3A_224 = arith.constant 0 : i32
    %dma_wait3A_225 = arith.constant 0 : i32
    %dma_wait3A_226 = tpu.memref_slice %arg12[%dma_wait3A_223, %dma_wait3A_224, %dma_wait3A_225] : memref<2x128x64xf32, #tpu.memory_space<vmem>> -> memref<1x128x64xf32, #tpu.memory_space<vmem>>
    %dma_wait3A_227 = tpu.memref_squeeze %dma_wait3A_226 : memref<1x128x64xf32, #tpu.memory_space<vmem>> -> memref<128x64xf32, #tpu.memory_space<vmem>>
    %dma_wait3A_228 = arith.constant 0 : i32
    %dma_wait3A_229 = tpu.memref_slice %arg9[%dma_wait3A_222, %dma_wait3A_228] : memref<4x128xi32, #tpu.memory_space<vmem>> -> memref<1x128xi32, #tpu.memory_space<vmem>>
    %dma_wait3A_230 = tpu.memref_squeeze %dma_wait3A_229 : memref<1x128xi32, #tpu.memory_space<vmem>> -> memref<128xi32, #tpu.memory_space<vmem>>
    %dma_wait3A_231 = arith.constant 0 : i32
    %dma_wait3A_232 = arith.constant 0 : i32
    %dma_wait3A_233 = tpu.memref_slice %arg6[%dma_wait3A_231, %dma_wait3A_232] : memref<1000x64xf32, #tpu.memory_space<hbm>> -> memref<1000x64xf32, #tpu.memory_space<hbm>>
    tpu.wait_indirect_dma semaphore(%arg14 : memref<!tpu.dma_semaphore, #tpu.memory_space<semaphore_mem>>) src(%dma_wait3A_233 : memref<1000x64xf32, #tpu.memory_space<hbm>>) dst(%dma_wait3A_227 : memref<128x64xf32, #tpu.memory_space<vmem>>)
    %scan3A_234 = arith.constant 0 : i32
    %scan3A_235 = arith.constant 0 : i32
    %scan3A_236 = arith.constant 64 : i32
    %scan3A_237 = arith.addi %scan3A_235, %scan3A_236 : i32
    %scan3A_238 = arith.constant 1 : i32
    %scan3A_239 = scf.for %scan3A_447 = %scan3A_235 to %scan3A_237 step %scan3A_238 iter_args(%scan3A_448 = %scan3A_234) -> (i32)  : i32 {
      %mul3A_449 = arith.constant 2 : i32
      %mul3A_450 = arith.muli %mul3A_449, %scan3A_447 : i32
      %add3A_451 = arith.constant 0 : i32
      %add3A_452 = arith.addi %mul3A_450, %add3A_451 : i32
      %get3A = arith.constant 1 : i32
      %get3A_453 = arith.index_cast %get3A : i32 to index
      %get3A_454 = arith.index_cast %add3A_452 : i32 to index
      %get3A_455 = arith.constant 0 : index
      %get3A_456 = tpu.vector_load %arg11[%get3A_453, %get3A_454, %get3A_455] {strides = array<i32>} : memref<2x128x64xf32, #tpu.memory_space<vmem>>, vector<1x1x16xf32>,
      %get3A_457 = vector.shape_cast %get3A_456 : vector<1x1x16xf32> to vector<16xf32>
      %mul3A_458 = arith.constant 2 : i32
      %mul3A_459 = arith.muli %mul3A_458, %scan3A_447 : i32
      %add3A_460 = arith.constant 0 : i32
      %add3A_461 = arith.addi %mul3A_459, %add3A_460 : i32
      %get3A_462 = arith.constant 1 : i32
      %get3A_463 = arith.index_cast %get3A_462 : i32 to index
      %get3A_464 = arith.index_cast %add3A_461 : i32 to index
      %get3A_465 = arith.constant 0 : index
      %get3A_466 = tpu.vector_load %arg12[%get3A_463, %get3A_464, %get3A_465] {strides = array<i32>} : memref<2x128x64xf32, #tpu.memory_space<vmem>>, vector<1x1x16xf32>,
      %get3A_467 = vector.shape_cast %get3A_466 : vector<1x1x16xf32> to vector<16xf32>
      %add3A_468 = arith.addf %get3A_457, %get3A_467 : vector<16xf32>
      %mul3A_469 = arith.constant 2 : i32
      %mul3A_470 = arith.muli %mul3A_469, %scan3A_447 : i32
      %add3A_471 = arith.constant 0 : i32
      %add3A_472 = arith.addi %mul3A_470, %add3A_471 : i32
      %get3A_473 = arith.constant 1 : i32
      %get3A_474 = arith.index_cast %get3A_473 : i32 to index
      %get3A_475 = arith.index_cast %add3A_472 : i32 to index
      %get3A_476 = arith.constant 0 : index
      %get3A_477 = tpu.vector_load %arg13[%get3A_474, %get3A_475, %get3A_476] {strides = array<i32>} : memref<2x128x64xf32, #tpu.memory_space<vmem>>, vector<1x1x16xf32>,
      %get3A_478 = vector.shape_cast %get3A_477 : vector<1x1x16xf32> to vector<16xf32>
      %sub3A = arith.subf %add3A_468, %get3A_478 : vector<16xf32>
      %mul3A_479 = arith.constant 2 : i32
      %mul3A_480 = arith.muli %mul3A_479, %scan3A_447 : i32
      %add3A_481 = arith.constant 0 : i32
      %add3A_482 = arith.addi %mul3A_480, %add3A_481 : i32
      %swap3A = arith.constant 1 : i32
      %swap3A_483 = arith.index_cast %swap3A : i32 to index
      %swap3A_484 = arith.index_cast %add3A_482 : i32 to index
      %swap3A_485 = arith.constant 0 : index
      %swap3A_486 = tpu.vector_load %arg11[%swap3A_483, %swap3A_484, %swap3A_485] {strides = array<i32>} : memref<2x128x64xf32, #tpu.memory_space<vmem>>, vector<1x1x16xf32>,
      %swap3A_487 = vector.shape_cast %swap3A_486 : vector<1x1x16xf32> to vector<16xf32>
      %swap3A_488 = vector.shape_cast %sub3A : vector<16xf32> to vector<1x1x16xf32>
      tpu.vector_store %arg11[%swap3A_483, %swap3A_484, %swap3A_485], %swap3A_488 {strides = array<i32>} : memref<2x128x64xf32, #tpu.memory_space<vmem>>, vector<1x1x16xf32>,
      %mul3A_489 = arith.constant 2 : i32
      %mul3A_490 = arith.muli %mul3A_489, %scan3A_447 : i32
      %add3A_491 = arith.constant 0 : i32
      %add3A_492 = arith.addi %mul3A_490, %add3A_491 : i32
      %get3A_493 = arith.constant 1 : i32
      %get3A_494 = arith.index_cast %get3A_493 : i32 to index
      %get3A_495 = arith.index_cast %add3A_492 : i32 to index
      %get3A_496 = arith.constant 16 : index
      %get3A_497 = tpu.vector_load %arg11[%get3A_494, %get3A_495, %get3A_496] {strides = array<i32>} : memref<2x128x64xf32, #tpu.memory_space<vmem>>, vector<1x1x16xf32>,
      %get3A_498 = vector.shape_cast %get3A_497 : vector<1x1x16xf32> to vector<16xf32>
      %mul3A_499 = arith.constant 2 : i32
      %mul3A_500 = arith.muli %mul3A_499, %scan3A_447 : i32
      %add3A_501 = arith.constant 0 : i32
      %add3A_502 = arith.addi %mul3A_500, %add3A_501 : i32
      %get3A_503 = arith.constant 1 : i32
      %get3A_504 = arith.index_cast %get3A_503 : i32 to index
      %get3A_505 = arith.index_cast %add3A_502 : i32 to index
      %get3A_506 = arith.constant 16 : index
      %get3A_507 = tpu.vector_load %arg12[%get3A_504, %get3A_505, %get3A_506] {strides = array<i32>} : memref<2x128x64xf32, #tpu.memory_space<vmem>>, vector<1x1x16xf32>,
      %get3A_508 = vector.shape_cast %get3A_507 : vector<1x1x16xf32> to vector<16xf32>
      %add3A_509 = arith.addf %get3A_498, %get3A_508 : vector<16xf32>
      %mul3A_510 = arith.constant 2 : i32
      %mul3A_511 = arith.muli %mul3A_510, %scan3A_447 : i32
      %add3A_512 = arith.constant 0 : i32
      %add3A_513 = arith.addi %mul3A_511, %add3A_512 : i32
      %get3A_514 = arith.constant 1 : i32
      %get3A_515 = arith.index_cast %get3A_514 : i32 to index
      %get3A_516 = arith.index_cast %add3A_513 : i32 to index
      %get3A_517 = arith.constant 16 : index
      %get3A_518 = tpu.vector_load %arg13[%get3A_515, %get3A_516, %get3A_517] {strides = array<i32>} : memref<2x128x64xf32, #tpu.memory_space<vmem>>, vector<1x1x16xf32>,
      %get3A_519 = vector.shape_cast %get3A_518 : vector<1x1x16xf32> to vector<16xf32>
      %sub3A_520 = arith.subf %add3A_509, %get3A_519 : vector<16xf32>
      %mul3A_521 = arith.constant 2 : i32
      %mul3A_522 = arith.muli %mul3A_521, %scan3A_447 : i32
      %add3A_523 = arith.constant 0 : i32
      %add3A_524 = arith.addi %mul3A_522, %add3A_523 : i32
      %swap3A_525 = arith.constant 1 : i32
      %swap3A_526 = arith.index_cast %swap3A_525 : i32 to index
      %swap3A_527 = arith.index_cast %add3A_524 : i32 to index
      %swap3A_528 = arith.constant 16 : index
      %swap3A_529 = tpu.vector_load %arg11[%swap3A_526, %swap3A_527, %swap3A_528] {strides = array<i32>} : memref<2x128x64xf32, #tpu.memory_space<vmem>>, vector<1x1x16xf32>,
      %swap3A_530 = vector.shape_cast %swap3A_529 : vector<1x1x16xf32> to vector<16xf32>
      %swap3A_531 = vector.shape_cast %sub3A_520 : vector<16xf32> to vector<1x1x16xf32>
      tpu.vector_store %arg11[%swap3A_526, %swap3A_527, %swap3A_528], %swap3A_531 {strides = array<i32>} : memref<2x128x64xf32, #tpu.memory_space<vmem>>, vector<1x1x16xf32>,
      %mul3A_532 = arith.constant 2 : i32
      %mul3A_533 = arith.muli %mul3A_532, %scan3A_447 : i32
      %add3A_534 = arith.constant 0 : i32
      %add3A_535 = arith.addi %mul3A_533, %add3A_534 : i32
      %get3A_536 = arith.constant 1 : i32
      %get3A_537 = arith.index_cast %get3A_536 : i32 to index
      %get3A_538 = arith.index_cast %add3A_535 : i32 to index
      %get3A_539 = arith.constant 32 : index
      %get3A_540 = tpu.vector_load %arg11[%get3A_537, %get3A_538, %get3A_539] {strides = array<i32>} : memref<2x128x64xf32, #tpu.memory_space<vmem>>, vector<1x1x16xf32>,
      %get3A_541 = vector.shape_cast %get3A_540 : vector<1x1x16xf32> to vector<16xf32>
      %mul3A_542 = arith.constant 2 : i32
      %mul3A_543 = arith.muli %mul3A_542, %scan3A_447 : i32
      %add3A_544 = arith.constant 0 : i32
      %add3A_545 = arith.addi %mul3A_543, %add3A_544 : i32
      %get3A_546 = arith.constant 1 : i32
      %get3A_547 = arith.index_cast %get3A_546 : i32 to index
      %get3A_548 = arith.index_cast %add3A_545 : i32 to index
      %get3A_549 = arith.constant 32 : index
      %get3A_550 = tpu.vector_load %arg12[%get3A_547, %get3A_548, %get3A_549] {strides = array<i32>} : memref<2x128x64xf32, #tpu.memory_space<vmem>>, vector<1x1x16xf32>,
      %get3A_551 = vector.shape_cast %get3A_550 : vector<1x1x16xf32> to vector<16xf32>
      %add3A_552 = arith.addf %get3A_541, %get3A_551 : vector<16xf32>
      %mul3A_553 = arith.constant 2 : i32
      %mul3A_554 = arith.muli %mul3A_553, %scan3A_447 : i32
      %add3A_555 = arith.constant 0 : i32
      %add3A_556 = arith.addi %mul3A_554, %add3A_555 : i32
      %get3A_557 = arith.constant 1 : i32
      %get3A_558 = arith.index_cast %get3A_557 : i32 to index
      %get3A_559 = arith.index_cast %add3A_556 : i32 to index
      %get3A_560 = arith.constant 32 : index
      %get3A_561 = tpu.vector_load %arg13[%get3A_558, %get3A_559, %get3A_560] {strides = array<i32>} : memref<2x128x64xf32, #tpu.memory_space<vmem>>, vector<1x1x16xf32>,
      %get3A_562 = vector.shape_cast %get3A_561 : vector<1x1x16xf32> to vector<16xf32>
      %sub3A_563 = arith.subf %add3A_552, %get3A_562 : vector<16xf32>
      %mul3A_564 = arith.constant 2 : i32
      %mul3A_565 = arith.muli %mul3A_564, %scan3A_447 : i32
      %add3A_566 = arith.constant 0 : i32
      %add3A_567 = arith.addi %mul3A_565, %add3A_566 : i32
      %swap3A_568 = arith.constant 1 : i32
      %swap3A_569 = arith.index_cast %swap3A_568 : i32 to index
      %swap3A_570 = arith.index_cast %add3A_567 : i32 to index
      %swap3A_571 = arith.constant 32 : index
      %swap3A_572 = tpu.vector_load %arg11[%swap3A_569, %swap3A_570, %swap3A_571] {strides = array<i32>} : memref<2x128x64xf32, #tpu.memory_space<vmem>>, vector<1x1x16xf32>,
      %swap3A_573 = vector.shape_cast %swap3A_572 : vector<1x1x16xf32> to vector<16xf32>
      %swap3A_574 = vector.shape_cast %sub3A_563 : vector<16xf32> to vector<1x1x16xf32>
      tpu.vector_store %arg11[%swap3A_569, %swap3A_570, %swap3A_571], %swap3A_574 {strides = array<i32>} : memref<2x128x64xf32, #tpu.memory_space<vmem>>, vector<1x1x16xf32>,
      %mul3A_575 = arith.constant 2 : i32
      %mul3A_576 = arith.muli %mul3A_575, %scan3A_447 : i32
      %add3A_577 = arith.constant 0 : i32
      %add3A_578 = arith.addi %mul3A_576, %add3A_577 : i32
      %get3A_579 = arith.constant 1 : i32
      %get3A_580 = arith.index_cast %get3A_579 : i32 to index
      %get3A_581 = arith.index_cast %add3A_578 : i32 to index
      %get3A_582 = arith.constant 48 : index
      %get3A_583 = tpu.vector_load %arg11[%get3A_580, %get3A_581, %get3A_582] {strides = array<i32>} : memref<2x128x64xf32, #tpu.memory_space<vmem>>, vector<1x1x16xf32>,
      %get3A_584 = vector.shape_cast %get3A_583 : vector<1x1x16xf32> to vector<16xf32>
      %mul3A_585 = arith.constant 2 : i32
      %mul3A_586 = arith.muli %mul3A_585, %scan3A_447 : i32
      %add3A_587 = arith.constant 0 : i32
      %add3A_588 = arith.addi %mul3A_586, %add3A_587 : i32
      %get3A_589 = arith.constant 1 : i32
      %get3A_590 = arith.index_cast %get3A_589 : i32 to index
      %get3A_591 = arith.index_cast %add3A_588 : i32 to index
      %get3A_592 = arith.constant 48 : index
      %get3A_593 = tpu.vector_load %arg12[%get3A_590, %get3A_591, %get3A_592] {strides = array<i32>} : memref<2x128x64xf32, #tpu.memory_space<vmem>>, vector<1x1x16xf32>,
      %get3A_594 = vector.shape_cast %get3A_593 : vector<1x1x16xf32> to vector<16xf32>
      %add3A_595 = arith.addf %get3A_584, %get3A_594 : vector<16xf32>
      %mul3A_596 = arith.constant 2 : i32
      %mul3A_597 = arith.muli %mul3A_596, %scan3A_447 : i32
      %add3A_598 = arith.constant 0 : i32
      %add3A_599 = arith.addi %mul3A_597, %add3A_598 : i32
      %get3A_600 = arith.constant 1 : i32
      %get3A_601 = arith.index_cast %get3A_600 : i32 to index
      %get3A_602 = arith.index_cast %add3A_599 : i32 to index
      %get3A_603 = arith.constant 48 : index
      %get3A_604 = tpu.vector_load %arg13[%get3A_601, %get3A_602, %get3A_603] {strides = array<i32>} : memref<2x128x64xf32, #tpu.memory_space<vmem>>, vector<1x1x16xf32>,
      %get3A_605 = vector.shape_cast %get3A_604 : vector<1x1x16xf32> to vector<16xf32>
      %sub3A_606 = arith.subf %add3A_595, %get3A_605 : vector<16xf32>
      %mul3A_607 = arith.constant 2 : i32
      %mul3A_608 = arith.muli %mul3A_607, %scan3A_447 : i32
      %add3A_609 = arith.constant 0 : i32
      %add3A_610 = arith.addi %mul3A_608, %add3A_609 : i32
      %swap3A_611 = arith.constant 1 : i32
      %swap3A_612 = arith.index_cast %swap3A_611 : i32 to index
      %swap3A_613 = arith.index_cast %add3A_610 : i32 to index
      %swap3A_614 = arith.constant 48 : index
      %swap3A_615 = tpu.vector_load %arg11[%swap3A_612, %swap3A_613, %swap3A_614] {strides = array<i32>} : memref<2x128x64xf32, #tpu.memory_space<vmem>>, vector<1x1x16xf32>,
      %swap3A_616 = vector.shape_cast %swap3A_615 : vector<1x1x16xf32> to vector<16xf32>
      %swap3A_617 = vector.shape_cast %sub3A_606 : vector<16xf32> to vector<1x1x16xf32>
      tpu.vector_store %arg11[%swap3A_612, %swap3A_613, %swap3A_614], %swap3A_617 {strides = array<i32>} : memref<2x128x64xf32, #tpu.memory_space<vmem>>, vector<1x1x16xf32>,
      %mul3A_618 = arith.constant 2 : i32
      %mul3A_619 = arith.muli %mul3A_618, %scan3A_447 : i32
      %add3A_620 = arith.constant 1 : i32
      %add3A_621 = arith.addi %mul3A_619, %add3A_620 : i32
      %get3A_622 = arith.constant 1 : i32
      %get3A_623 = arith.index_cast %get3A_622 : i32 to index
      %get3A_624 = arith.index_cast %add3A_621 : i32 to index
      %get3A_625 = arith.constant 0 : index
      %get3A_626 = tpu.vector_load %arg11[%get3A_623, %get3A_624, %get3A_625] {strides = array<i32>} : memref<2x128x64xf32, #tpu.memory_space<vmem>>, vector<1x1x16xf32>,
      %get3A_627 = vector.shape_cast %get3A_626 : vector<1x1x16xf32> to vector<16xf32>
      %mul3A_628 = arith.constant 2 : i32
      %mul3A_629 = arith.muli %mul3A_628, %scan3A_447 : i32
      %add3A_630 = arith.constant 1 : i32
      %add3A_631 = arith.addi %mul3A_629, %add3A_630 : i32
      %get3A_632 = arith.constant 1 : i32
      %get3A_633 = arith.index_cast %get3A_632 : i32 to index
      %get3A_634 = arith.index_cast %add3A_631 : i32 to index
      %get3A_635 = arith.constant 0 : index
      %get3A_636 = tpu.vector_load %arg12[%get3A_633, %get3A_634, %get3A_635] {strides = array<i32>} : memref<2x128x64xf32, #tpu.memory_space<vmem>>, vector<1x1x16xf32>,
      %get3A_637 = vector.shape_cast %get3A_636 : vector<1x1x16xf32> to vector<16xf32>
      %add3A_638 = arith.addf %get3A_627, %get3A_637 : vector<16xf32>
      %mul3A_639 = arith.constant 2 : i32
      %mul3A_640 = arith.muli %mul3A_639, %scan3A_447 : i32
      %add3A_641 = arith.constant 1 : i32
      %add3A_642 = arith.addi %mul3A_640, %add3A_641 : i32
      %get3A_643 = arith.constant 1 : i32
      %get3A_644 = arith.index_cast %get3A_643 : i32 to index
      %get3A_645 = arith.index_cast %add3A_642 : i32 to index
      %get3A_646 = arith.constant 0 : index
      %get3A_647 = tpu.vector_load %arg13[%get3A_644, %get3A_645, %get3A_646] {strides = array<i32>} : memref<2x128x64xf32, #tpu.memory_space<vmem>>, vector<1x1x16xf32>,
      %get3A_648 = vector.shape_cast %get3A_647 : vector<1x1x16xf32> to vector<16xf32>
      %sub3A_649 = arith.subf %add3A_638, %get3A_648 : vector<16xf32>
      %mul3A_650 = arith.constant 2 : i32
      %mul3A_651 = arith.muli %mul3A_650, %scan3A_447 : i32
      %add3A_652 = arith.constant 1 : i32
      %add3A_653 = arith.addi %mul3A_651, %add3A_652 : i32
      %swap3A_654 = arith.constant 1 : i32
      %swap3A_655 = arith.index_cast %swap3A_654 : i32 to index
      %swap3A_656 = arith.index_cast %add3A_653 : i32 to index
      %swap3A_657 = arith.constant 0 : index
      %swap3A_658 = tpu.vector_load %arg11[%swap3A_655, %swap3A_656, %swap3A_657] {strides = array<i32>} : memref<2x128x64xf32, #tpu.memory_space<vmem>>, vector<1x1x16xf32>,
      %swap3A_659 = vector.shape_cast %swap3A_658 : vector<1x1x16xf32> to vector<16xf32>
      %swap3A_660 = vector.shape_cast %sub3A_649 : vector<16xf32> to vector<1x1x16xf32>
      tpu.vector_store %arg11[%swap3A_655, %swap3A_656, %swap3A_657], %swap3A_660 {strides = array<i32>} : memref<2x128x64xf32, #tpu.memory_space<vmem>>, vector<1x1x16xf32>,
      %mul3A_661 = arith.constant 2 : i32
      %mul3A_662 = arith.muli %mul3A_661, %scan3A_447 : i32
      %add3A_663 = arith.constant 1 : i32
      %add3A_664 = arith.addi %mul3A_662, %add3A_663 : i32
      %get3A_665 = arith.constant 1 : i32
      %get3A_666 = arith.index_cast %get3A_665 : i32 to index
      %get3A_667 = arith.index_cast %add3A_664 : i32 to index
      %get3A_668 = arith.constant 16 : index
      %get3A_669 = tpu.vector_load %arg11[%get3A_666, %get3A_667, %get3A_668] {strides = array<i32>} : memref<2x128x64xf32, #tpu.memory_space<vmem>>, vector<1x1x16xf32>,
      %get3A_670 = vector.shape_cast %get3A_669 : vector<1x1x16xf32> to vector<16xf32>
      %mul3A_671 = arith.constant 2 : i32
      %mul3A_672 = arith.muli %mul3A_671, %scan3A_447 : i32
      %add3A_673 = arith.constant 1 : i32
      %add3A_674 = arith.addi %mul3A_672, %add3A_673 : i32
      %get3A_675 = arith.constant 1 : i32
      %get3A_676 = arith.index_cast %get3A_675 : i32 to index
      %get3A_677 = arith.index_cast %add3A_674 : i32 to index
      %get3A_678 = arith.constant 16 : index
      %get3A_679 = tpu.vector_load %arg12[%get3A_676, %get3A_677, %get3A_678] {strides = array<i32>} : memref<2x128x64xf32, #tpu.memory_space<vmem>>, vector<1x1x16xf32>,
      %get3A_680 = vector.shape_cast %get3A_679 : vector<1x1x16xf32> to vector<16xf32>
      %add3A_681 = arith.addf %get3A_670, %get3A_680 : vector<16xf32>
      %mul3A_682 = arith.constant 2 : i32
      %mul3A_683 = arith.muli %mul3A_682, %scan3A_447 : i32
      %add3A_684 = arith.constant 1 : i32
      %add3A_685 = arith.addi %mul3A_683, %add3A_684 : i32
      %get3A_686 = arith.constant 1 : i32
      %get3A_687 = arith.index_cast %get3A_686 : i32 to index
      %get3A_688 = arith.index_cast %add3A_685 : i32 to index
      %get3A_689 = arith.constant 16 : index
      %get3A_690 = tpu.vector_load %arg13[%get3A_687, %get3A_688, %get3A_689] {strides = array<i32>} : memref<2x128x64xf32, #tpu.memory_space<vmem>>, vector<1x1x16xf32>,
      %get3A_691 = vector.shape_cast %get3A_690 : vector<1x1x16xf32> to vector<16xf32>
      %sub3A_692 = arith.subf %add3A_681, %get3A_691 : vector<16xf32>
      %mul3A_693 = arith.constant 2 : i32
      %mul3A_694 = arith.muli %mul3A_693, %scan3A_447 : i32
      %add3A_695 = arith.constant 1 : i32
      %add3A_696 = arith.addi %mul3A_694, %add3A_695 : i32
      %swap3A_697 = arith.constant 1 : i32
      %swap3A_698 = arith.index_cast %swap3A_697 : i32 to index
      %swap3A_699 = arith.index_cast %add3A_696 : i32 to index
      %swap3A_700 = arith.constant 16 : index
      %swap3A_701 = tpu.vector_load %arg11[%swap3A_698, %swap3A_699, %swap3A_700] {strides = array<i32>} : memref<2x128x64xf32, #tpu.memory_space<vmem>>, vector<1x1x16xf32>,
      %swap3A_702 = vector.shape_cast %swap3A_701 : vector<1x1x16xf32> to vector<16xf32>
      %swap3A_703 = vector.shape_cast %sub3A_692 : vector<16xf32> to vector<1x1x16xf32>
      tpu.vector_store %arg11[%swap3A_698, %swap3A_699, %swap3A_700], %swap3A_703 {strides = array<i32>} : memref<2x128x64xf32, #tpu.memory_space<vmem>>, vector<1x1x16xf32>,
      %mul3A_704 = arith.constant 2 : i32
      %mul3A_705 = arith.muli %mul3A_704, %scan3A_447 : i32
      %add3A_706 = arith.constant 1 : i32
      %add3A_707 = arith.addi %mul3A_705, %add3A_706 : i32
      %get3A_708 = arith.constant 1 : i32
      %get3A_709 = arith.index_cast %get3A_708 : i32 to index
      %get3A_710 = arith.index_cast %add3A_707 : i32 to index
      %get3A_711 = arith.constant 32 : index
      %get3A_712 = tpu.vector_load %arg11[%get3A_709, %get3A_710, %get3A_711] {strides = array<i32>} : memref<2x128x64xf32, #tpu.memory_space<vmem>>, vector<1x1x16xf32>,
      %get3A_713 = vector.shape_cast %get3A_712 : vector<1x1x16xf32> to vector<16xf32>
      %mul3A_714 = arith.constant 2 : i32
      %mul3A_715 = arith.muli %mul3A_714, %scan3A_447 : i32
      %add3A_716 = arith.constant 1 : i32
      %add3A_717 = arith.addi %mul3A_715, %add3A_716 : i32
      %get3A_718 = arith.constant 1 : i32
      %get3A_719 = arith.index_cast %get3A_718 : i32 to index
      %get3A_720 = arith.index_cast %add3A_717 : i32 to index
      %get3A_721 = arith.constant 32 : index
      %get3A_722 = tpu.vector_load %arg12[%get3A_719, %get3A_720, %get3A_721] {strides = array<i32>} : memref<2x128x64xf32, #tpu.memory_space<vmem>>, vector<1x1x16xf32>,
      %get3A_723 = vector.shape_cast %get3A_722 : vector<1x1x16xf32> to vector<16xf32>
      %add3A_724 = arith.addf %get3A_713, %get3A_723 : vector<16xf32>
      %mul3A_725 = arith.constant 2 : i32
      %mul3A_726 = arith.muli %mul3A_725, %scan3A_447 : i32
      %add3A_727 = arith.constant 1 : i32
      %add3A_728 = arith.addi %mul3A_726, %add3A_727 : i32
      %get3A_729 = arith.constant 1 : i32
      %get3A_730 = arith.index_cast %get3A_729 : i32 to index
      %get3A_731 = arith.index_cast %add3A_728 : i32 to index
      %get3A_732 = arith.constant 32 : index
      %get3A_733 = tpu.vector_load %arg13[%get3A_730, %get3A_731, %get3A_732] {strides = array<i32>} : memref<2x128x64xf32, #tpu.memory_space<vmem>>, vector<1x1x16xf32>,
      %get3A_734 = vector.shape_cast %get3A_733 : vector<1x1x16xf32> to vector<16xf32>
      %sub3A_735 = arith.subf %add3A_724, %get3A_734 : vector<16xf32>
      %mul3A_736 = arith.constant 2 : i32
      %mul3A_737 = arith.muli %mul3A_736, %scan3A_447 : i32
      %add3A_738 = arith.constant 1 : i32
      %add3A_739 = arith.addi %mul3A_737, %add3A_738 : i32
      %swap3A_740 = arith.constant 1 : i32
      %swap3A_741 = arith.index_cast %swap3A_740 : i32 to index
      %swap3A_742 = arith.index_cast %add3A_739 : i32 to index
      %swap3A_743 = arith.constant 32 : index
      %swap3A_744 = tpu.vector_load %arg11[%swap3A_741, %swap3A_742, %swap3A_743] {strides = array<i32>} : memref<2x128x64xf32, #tpu.memory_space<vmem>>, vector<1x1x16xf32>,
      %swap3A_745 = vector.shape_cast %swap3A_744 : vector<1x1x16xf32> to vector<16xf32>
      %swap3A_746 = vector.shape_cast %sub3A_735 : vector<16xf32> to vector<1x1x16xf32>
      tpu.vector_store %arg11[%swap3A_741, %swap3A_742, %swap3A_743], %swap3A_746 {strides = array<i32>} : memref<2x128x64xf32, #tpu.memory_space<vmem>>, vector<1x1x16xf32>,
      %mul3A_747 = arith.constant 2 : i32
      %mul3A_748 = arith.muli %mul3A_747, %scan3A_447 : i32
      %add3A_749 = arith.constant 1 : i32
      %add3A_750 = arith.addi %mul3A_748, %add3A_749 : i32
      %get3A_751 = arith.constant 1 : i32
      %get3A_752 = arith.index_cast %get3A_751 : i32 to index
      %get3A_753 = arith.index_cast %add3A_750 : i32 to index
      %get3A_754 = arith.constant 48 : index
      %get3A_755 = tpu.vector_load %arg11[%get3A_752, %get3A_753, %get3A_754] {strides = array<i32>} : memref<2x128x64xf32, #tpu.memory_space<vmem>>, vector<1x1x16xf32>,
      %get3A_756 = vector.shape_cast %get3A_755 : vector<1x1x16xf32> to vector<16xf32>
      %mul3A_757 = arith.constant 2 : i32
      %mul3A_758 = arith.muli %mul3A_757, %scan3A_447 : i32
      %add3A_759 = arith.constant 1 : i32
      %add3A_760 = arith.addi %mul3A_758, %add3A_759 : i32
      %get3A_761 = arith.constant 1 : i32
      %get3A_762 = arith.index_cast %get3A_761 : i32 to index
      %get3A_763 = arith.index_cast %add3A_760 : i32 to index
      %get3A_764 = arith.constant 48 : index
      %get3A_765 = tpu.vector_load %arg12[%get3A_762, %get3A_763, %get3A_764] {strides = array<i32>} : memref<2x128x64xf32, #tpu.memory_space<vmem>>, vector<1x1x16xf32>,
      %get3A_766 = vector.shape_cast %get3A_765 : vector<1x1x16xf32> to vector<16xf32>
      %add3A_767 = arith.addf %get3A_756, %get3A_766 : vector<16xf32>
      %mul3A_768 = arith.constant 2 : i32
      %mul3A_769 = arith.muli %mul3A_768, %scan3A_447 : i32
      %add3A_770 = arith.constant 1 : i32
      %add3A_771 = arith.addi %mul3A_769, %add3A_770 : i32
      %get3A_772 = arith.constant 1 : i32
      %get3A_773 = arith.index_cast %get3A_772 : i32 to index
      %get3A_774 = arith.index_cast %add3A_771 : i32 to index
      %get3A_775 = arith.constant 48 : index
      %get3A_776 = tpu.vector_load %arg13[%get3A_773, %get3A_774, %get3A_775] {strides = array<i32>} : memref<2x128x64xf32, #tpu.memory_space<vmem>>, vector<1x1x16xf32>,
      %get3A_777 = vector.shape_cast %get3A_776 : vector<1x1x16xf32> to vector<16xf32>
      %sub3A_778 = arith.subf %add3A_767, %get3A_777 : vector<16xf32>
      %mul3A_779 = arith.constant 2 : i32
      %mul3A_780 = arith.muli %mul3A_779, %scan3A_447 : i32
      %add3A_781 = arith.constant 1 : i32
      %add3A_782 = arith.addi %mul3A_780, %add3A_781 : i32
      %swap3A_783 = arith.constant 1 : i32
      %swap3A_784 = arith.index_cast %swap3A_783 : i32 to index
      %swap3A_785 = arith.index_cast %add3A_782 : i32 to index
      %swap3A_786 = arith.constant 48 : index
      %swap3A_787 = tpu.vector_load %arg11[%swap3A_784, %swap3A_785, %swap3A_786] {strides = array<i32>} : memref<2x128x64xf32, #tpu.memory_space<vmem>>, vector<1x1x16xf32>,
      %swap3A_788 = vector.shape_cast %swap3A_787 : vector<1x1x16xf32> to vector<16xf32>
      %swap3A_789 = vector.shape_cast %sub3A_778 : vector<16xf32> to vector<1x1x16xf32>
      tpu.vector_store %arg11[%swap3A_784, %swap3A_785, %swap3A_786], %swap3A_789 {strides = array<i32>} : memref<2x128x64xf32, #tpu.memory_space<vmem>>, vector<1x1x16xf32>,
      %scan3A_790 = arith.constant 0 : i32
      scf.yield %scan3A_790 : i32
    }
    %scan3A_240 = arith.constant 64 : i32
    %add3A_241 = arith.constant 128 : i32
    %add3A_242 = arith.addi %mul3A_2, %add3A_241 : i32
    %dma_start3A_243 = arith.constant 1 : i32
    %dma_start3A_244 = arith.constant 0 : i32
    %dma_start3A_245 = arith.constant 0 : i32
    %dma_start3A_246 = tpu.memref_slice %arg11[%dma_start3A_243, %dma_start3A_244, %dma_start3A_245] : memref<2x128x64xf32, #tpu.memory_space<vmem>> -> memref<1x128x64xf32, #tpu.memory_space<vmem>>
    %dma_start3A_247 = tpu.memref_squeeze %dma_start3A_246 : memref<1x128x64xf32, #tpu.memory_space<vmem>> -> memref<128x64xf32, #tpu.memory_space<vmem>>
    %dma_start3A_248 = arith.constant 0 : i32
    %dma_start3A_249 = tpu.memref_slice %arg7[%add3A_242, %dma_start3A_248] : memref<16384x64xf32, #tpu.memory_space<hbm>> -> memref<128x64xf32, #tpu.memory_space<hbm>>
    %dma_start3A_250 = arith.constant 0 : i32
    %dma_start3A_251 = tpu.memref_slice %arg7[%add3A_242, %dma_start3A_250] : memref<16384x64xf32, #tpu.memory_space<hbm>> -> memref<128x64xf32, #tpu.memory_space<hbm>>
    %dma_start3A_252 = arith.constant 0 : i32
    %dma_start3A_253 = arith.constant 0 : i32
    %dma_start3A_254 = tpu.memref_slice %arg11[%dma_start3A_243, %dma_start3A_252, %dma_start3A_253] : memref<2x128x64xf32, #tpu.memory_space<vmem>> -> memref<1x128x64xf32, #tpu.memory_space<vmem>>
    %dma_start3A_255 = tpu.memref_squeeze %dma_start3A_254 : memref<1x128x64xf32, #tpu.memory_space<vmem>> -> memref<128x64xf32, #tpu.memory_space<vmem>>
    tpu.enqueue_dma source(%dma_start3A_255 : memref<128x64xf32, #tpu.memory_space<vmem>>) target(%dma_start3A_251 : memref<128x64xf32, #tpu.memory_space<hbm>>) target_semaphore(%arg15 : memref<!tpu.dma_semaphore, #tpu.memory_space<semaphore_mem>>)
    %dma_wait3A_256 = arith.constant 1 : i32
    %dma_wait3A_257 = arith.constant 0 : i32
    %dma_wait3A_258 = arith.constant 0 : i32
    %dma_wait3A_259 = tpu.memref_slice %arg11[%dma_wait3A_256, %dma_wait3A_257, %dma_wait3A_258] : memref<2x128x64xf32, #tpu.memory_space<vmem>> -> memref<1x128x64xf32, #tpu.memory_space<vmem>>
    %dma_wait3A_260 = tpu.memref_squeeze %dma_wait3A_259 : memref<1x128x64xf32, #tpu.memory_space<vmem>> -> memref<128x64xf32, #tpu.memory_space<vmem>>
    %dma_wait3A_261 = arith.constant 0 : i32
    %dma_wait3A_262 = tpu.memref_slice %arg7[%add3A_242, %dma_wait3A_261] : memref<16384x64xf32, #tpu.memory_space<hbm>> -> memref<128x64xf32, #tpu.memory_space<hbm>>
    %dma_wait3A_263 = arith.constant 0 : i32
    %dma_wait3A_264 = tpu.memref_slice %arg7[%add3A_242, %dma_wait3A_263] : memref<16384x64xf32, #tpu.memory_space<hbm>> -> memref<128x64xf32, #tpu.memory_space<hbm>>
    %dma_wait3A_265 = arith.constant 0 : i32
    %dma_wait3A_266 = arith.constant 0 : i32
    %dma_wait3A_267 = tpu.memref_slice %arg11[%dma_wait3A_256, %dma_wait3A_265, %dma_wait3A_266] : memref<2x128x64xf32, #tpu.memory_space<vmem>> -> memref<1x128x64xf32, #tpu.memory_space<vmem>>
    %dma_wait3A_268 = tpu.memref_squeeze %dma_wait3A_267 : memref<1x128x64xf32, #tpu.memory_space<vmem>> -> memref<128x64xf32, #tpu.memory_space<vmem>>
    tpu.wait_dma2 semaphore(%arg15 : memref<!tpu.dma_semaphore, #tpu.memory_space<semaphore_mem>>) src(%dma_wait3A_268 : memref<128x64xf32, #tpu.memory_space<vmem>>) dst(%dma_wait3A_264 : memref<128x64xf32, #tpu.memory_space<hbm>>)
    %dma_start3A_269 = arith.constant 3 : i32
    %dma_start3A_270 = arith.constant 1 : i32
    %dma_start3A_271 = arith.constant 0 : i32
    %dma_start3A_272 = arith.constant 0 : i32
    %dma_start3A_273 = tpu.memref_slice %arg11[%dma_start3A_270, %dma_start3A_271, %dma_start3A_272] : memref<2x128x64xf32, #tpu.memory_space<vmem>> -> memref<1x128x64xf32, #tpu.memory_space<vmem>>
    %dma_start3A_274 = tpu.memref_squeeze %dma_start3A_273 : memref<1x128x64xf32, #tpu.memory_space<vmem>> -> memref<128x64xf32, #tpu.memory_space<vmem>>
    %dma_start3A_275 = arith.constant 0 : i32
    %dma_start3A_276 = tpu.memref_slice %arg8[%dma_start3A_269, %dma_start3A_275] : memref<4x128xi32, #tpu.memory_space<vmem>> -> memref<1x128xi32, #tpu.memory_space<vmem>>
    %dma_start3A_277 = tpu.memref_squeeze %dma_start3A_276 : memref<1x128xi32, #tpu.memory_space<vmem>> -> memref<128xi32, #tpu.memory_space<vmem>>
    %dma_start3A_278 = arith.constant 0 : i32
    %dma_start3A_279 = arith.constant 0 : i32
    %dma_start3A_280 = tpu.memref_slice %arg5[%dma_start3A_278, %dma_start3A_279] : memref<1000000x64xf32, #tpu.memory_space<hbm>> -> memref<1000000x64xf32, #tpu.memory_space<hbm>>
    tpu.enqueue_indirect_dma source(%dma_start3A_280 : memref<1000000x64xf32, #tpu.memory_space<hbm>>) target(%dma_start3A_274 : memref<128x64xf32, #tpu.memory_space<vmem>>) offsets(%dma_start3A_277 : memref<128xi32, #tpu.memory_space<vmem>>) semaphore(%arg14 : memref<!tpu.dma_semaphore, #tpu.memory_space<semaphore_mem>>)
    %dma_start3A_281 = arith.constant 3 : i32
    %dma_start3A_282 = arith.constant 1 : i32
    %dma_start3A_283 = arith.constant 0 : i32
    %dma_start3A_284 = arith.constant 0 : i32
    %dma_start3A_285 = tpu.memref_slice %arg13[%dma_start3A_282, %dma_start3A_283, %dma_start3A_284] : memref<2x128x64xf32, #tpu.memory_space<vmem>> -> memref<1x128x64xf32, #tpu.memory_space<vmem>>
    %dma_start3A_286 = tpu.memref_squeeze %dma_start3A_285 : memref<1x128x64xf32, #tpu.memory_space<vmem>> -> memref<128x64xf32, #tpu.memory_space<vmem>>
    %dma_start3A_287 = arith.constant 0 : i32
    %dma_start3A_288 = tpu.memref_slice %arg10[%dma_start3A_281, %dma_start3A_287] : memref<4x128xi32, #tpu.memory_space<vmem>> -> memref<1x128xi32, #tpu.memory_space<vmem>>
    %dma_start3A_289 = tpu.memref_squeeze %dma_start3A_288 : memref<1x128xi32, #tpu.memory_space<vmem>> -> memref<128xi32, #tpu.memory_space<vmem>>
    %dma_start3A_290 = arith.constant 0 : i32
    %dma_start3A_291 = arith.constant 0 : i32
    %dma_start3A_292 = tpu.memref_slice %arg5[%dma_start3A_290, %dma_start3A_291] : memref<1000000x64xf32, #tpu.memory_space<hbm>> -> memref<1000000x64xf32, #tpu.memory_space<hbm>>
    tpu.enqueue_indirect_dma source(%dma_start3A_292 : memref<1000000x64xf32, #tpu.memory_space<hbm>>) target(%dma_start3A_286 : memref<128x64xf32, #tpu.memory_space<vmem>>) offsets(%dma_start3A_289 : memref<128xi32, #tpu.memory_space<vmem>>) semaphore(%arg14 : memref<!tpu.dma_semaphore, #tpu.memory_space<semaphore_mem>>)
    %dma_start3A_293 = arith.constant 3 : i32
    %dma_start3A_294 = arith.constant 1 : i32
    %dma_start3A_295 = arith.constant 0 : i32
    %dma_start3A_296 = arith.constant 0 : i32
    %dma_start3A_297 = tpu.memref_slice %arg12[%dma_start3A_294, %dma_start3A_295, %dma_start3A_296] : memref<2x128x64xf32, #tpu.memory_space<vmem>> -> memref<1x128x64xf32, #tpu.memory_space<vmem>>
    %dma_start3A_298 = tpu.memref_squeeze %dma_start3A_297 : memref<1x128x64xf32, #tpu.memory_space<vmem>> -> memref<128x64xf32, #tpu.memory_space<vmem>>
    %dma_start3A_299 = arith.constant 0 : i32
    %dma_start3A_300 = tpu.memref_slice %arg9[%dma_start3A_293, %dma_start3A_299] : memref<4x128xi32, #tpu.memory_space<vmem>> -> memref<1x128xi32, #tpu.memory_space<vmem>>
    %dma_start3A_301 = tpu.memref_squeeze %dma_start3A_300 : memref<1x128xi32, #tpu.memory_space<vmem>> -> memref<128xi32, #tpu.memory_space<vmem>>
    %dma_start3A_302 = arith.constant 0 : i32
    %dma_start3A_303 = arith.constant 0 : i32
    %dma_start3A_304 = tpu.memref_slice %arg6[%dma_start3A_302, %dma_start3A_303] : memref<1000x64xf32, #tpu.memory_space<hbm>> -> memref<1000x64xf32, #tpu.memory_space<hbm>>
    tpu.enqueue_indirect_dma source(%dma_start3A_304 : memref<1000x64xf32, #tpu.memory_space<hbm>>) target(%dma_start3A_298 : memref<128x64xf32, #tpu.memory_space<vmem>>) offsets(%dma_start3A_301 : memref<128xi32, #tpu.memory_space<vmem>>) semaphore(%arg14 : memref<!tpu.dma_semaphore, #tpu.memory_space<semaphore_mem>>)
    %dma_wait3A_305 = arith.constant 2 : i32
    %dma_wait3A_306 = arith.constant 0 : i32
    %dma_wait3A_307 = arith.constant 0 : i32
    %dma_wait3A_308 = arith.constant 0 : i32
    %dma_wait3A_309 = tpu.memref_slice %arg11[%dma_wait3A_306, %dma_wait3A_307, %dma_wait3A_308] : memref<2x128x64xf32, #tpu.memory_space<vmem>> -> memref<1x128x64xf32, #tpu.memory_space<vmem>>
    %dma_wait3A_310 = tpu.memref_squeeze %dma_wait3A_309 : memref<1x128x64xf32, #tpu.memory_space<vmem>> -> memref<128x64xf32, #tpu.memory_space<vmem>>
    %dma_wait3A_311 = arith.constant 0 : i32
    %dma_wait3A_312 = tpu.memref_slice %arg8[%dma_wait3A_305, %dma_wait3A_311] : memref<4x128xi32, #tpu.memory_space<vmem>> -> memref<1x128xi32, #tpu.memory_space<vmem>>
    %dma_wait3A_313 = tpu.memref_squeeze %dma_wait3A_312 : memref<1x128xi32, #tpu.memory_space<vmem>> -> memref<128xi32, #tpu.memory_space<vmem>>
    %dma_wait3A_314 = arith.constant 0 : i32
    %dma_wait3A_315 = arith.constant 0 : i32
    %dma_wait3A_316 = tpu.memref_slice %arg5[%dma_wait3A_314, %dma_wait3A_315] : memref<1000000x64xf32, #tpu.memory_space<hbm>> -> memref<1000000x64xf32, #tpu.memory_space<hbm>>
    tpu.wait_indirect_dma semaphore(%arg14 : memref<!tpu.dma_semaphore, #tpu.memory_space<semaphore_mem>>) src(%dma_wait3A_316 : memref<1000000x64xf32, #tpu.memory_space<hbm>>) dst(%dma_wait3A_310 : memref<128x64xf32, #tpu.memory_space<vmem>>)
    %dma_wait3A_317 = arith.constant 2 : i32
    %dma_wait3A_318 = arith.constant 0 : i32
    %dma_wait3A_319 = arith.constant 0 : i32
    %dma_wait3A_320 = arith.constant 0 : i32
    %dma_wait3A_321 = tpu.memref_slice %arg13[%dma_wait3A_318, %dma_wait3A_319, %dma_wait3A_320] : memref<2x128x64xf32, #tpu.memory_space<vmem>> -> memref<1x128x64xf32, #tpu.memory_space<vmem>>
    %dma_wait3A_322 = tpu.memref_squeeze %dma_wait3A_321 : memref<1x128x64xf32, #tpu.memory_space<vmem>> -> memref<128x64xf32, #tpu.memory_space<vmem>>
    %dma_wait3A_323 = arith.constant 0 : i32
    %dma_wait3A_324 = tpu.memref_slice %arg10[%dma_wait3A_317, %dma_wait3A_323] : memref<4x128xi32, #tpu.memory_space<vmem>> -> memref<1x128xi32, #tpu.memory_space<vmem>>
    %dma_wait3A_325 = tpu.memref_squeeze %dma_wait3A_324 : memref<1x128xi32, #tpu.memory_space<vmem>> -> memref<128xi32, #tpu.memory_space<vmem>>
    %dma_wait3A_326 = arith.constant 0 : i32
    %dma_wait3A_327 = arith.constant 0 : i32
    %dma_wait3A_328 = tpu.memref_slice %arg5[%dma_wait3A_326, %dma_wait3A_327] : memref<1000000x64xf32, #tpu.memory_space<hbm>> -> memref<1000000x64xf32, #tpu.memory_space<hbm>>
    tpu.wait_indirect_dma semaphore(%arg14 : memref<!tpu.dma_semaphore, #tpu.memory_space<semaphore_mem>>) src(%dma_wait3A_328 : memref<1000000x64xf32, #tpu.memory_space<hbm>>) dst(%dma_wait3A_322 : memref<128x64xf32, #tpu.memory_space<vmem>>)
    %dma_wait3A_329 = arith.constant 2 : i32
    %dma_wait3A_330 = arith.constant 0 : i32
    %dma_wait3A_331 = arith.constant 0 : i32
    %dma_wait3A_332 = arith.constant 0 : i32
    %dma_wait3A_333 = tpu.memref_slice %arg12[%dma_wait3A_330, %dma_wait3A_331, %dma_wait3A_332] : memref<2x128x64xf32, #tpu.memory_space<vmem>> -> memref<1x128x64xf32, #tpu.memory_space<vmem>>
    %dma_wait3A_334 = tpu.memref_squeeze %dma_wait3A_333 : memref<1x128x64xf32, #tpu.memory_space<vmem>> -> memref<128x64xf32, #tpu.memory_space<vmem>>
    %dma_wait3A_335 = arith.constant 0 : i32
    %dma_wait3A_336 = tpu.memref_slice %arg9[%dma_wait3A_329, %dma_wait3A_335] : memref<4x128xi32, #tpu.memory_space<vmem>> -> memref<1x128xi32, #tpu.memory_space<vmem>>
    %dma_wait3A_337 = tpu.memref_squeeze %dma_wait3A_336 : memref<1x128xi32, #tpu.memory_space<vmem>> -> memref<128xi32, #tpu.memory_space<vmem>>
    %dma_wait3A_338 = arith.constant 0 : i32
    %dma_wait3A_339 = arith.constant 0 : i32
    %dma_wait3A_340 = tpu.memref_slice %arg6[%dma_wait3A_338, %dma_wait3A_339] : memref<1000x64xf32, #tpu.memory_space<hbm>> -> memref<1000x64xf32, #tpu.memory_space<hbm>>
    tpu.wait_indirect_dma semaphore(%arg14 : memref<!tpu.dma_semaphore, #tpu.memory_space<semaphore_mem>>) src(%dma_wait3A_340 : memref<1000x64xf32, #tpu.memory_space<hbm>>) dst(%dma_wait3A_334 : memref<128x64xf32, #tpu.memory_space<vmem>>)
    %scan3A_341 = arith.constant 0 : i32
    %scan3A_342 = arith.constant 0 : i32
    %scan3A_343 = arith.constant 64 : i32
    %scan3A_344 = arith.addi %scan3A_342, %scan3A_343 : i32
    %scan3A_345 = arith.constant 1 : i32
    %scan3A_346 = scf.for %scan3A_447 = %scan3A_342 to %scan3A_344 step %scan3A_345 iter_args(%scan3A_448 = %scan3A_341) -> (i32)  : i32 {
      %mul3A_449 = arith.constant 2 : i32
      %mul3A_450 = arith.muli %mul3A_449, %scan3A_447 : i32
      %add3A_451 = arith.constant 0 : i32
      %add3A_452 = arith.addi %mul3A_450, %add3A_451 : i32
      %get3A = arith.constant 0 : i32
      %get3A_453 = arith.index_cast %get3A : i32 to index
      %get3A_454 = arith.index_cast %add3A_452 : i32 to index
      %get3A_455 = arith.constant 0 : index
      %get3A_456 = tpu.vector_load %arg11[%get3A_453, %get3A_454, %get3A_455] {strides = array<i32>} : memref<2x128x64xf32, #tpu.memory_space<vmem>>, vector<1x1x16xf32>,
      %get3A_457 = vector.shape_cast %get3A_456 : vector<1x1x16xf32> to vector<16xf32>
      %mul3A_458 = arith.constant 2 : i32
      %mul3A_459 = arith.muli %mul3A_458, %scan3A_447 : i32
      %add3A_460 = arith.constant 0 : i32
      %add3A_461 = arith.addi %mul3A_459, %add3A_460 : i32
      %get3A_462 = arith.constant 0 : i32
      %get3A_463 = arith.index_cast %get3A_462 : i32 to index
      %get3A_464 = arith.index_cast %add3A_461 : i32 to index
      %get3A_465 = arith.constant 0 : index
      %get3A_466 = tpu.vector_load %arg12[%get3A_463, %get3A_464, %get3A_465] {strides = array<i32>} : memref<2x128x64xf32, #tpu.memory_space<vmem>>, vector<1x1x16xf32>,
      %get3A_467 = vector.shape_cast %get3A_466 : vector<1x1x16xf32> to vector<16xf32>
      %add3A_468 = arith.addf %get3A_457, %get3A_467 : vector<16xf32>
      %mul3A_469 = arith.constant 2 : i32
      %mul3A_470 = arith.muli %mul3A_469, %scan3A_447 : i32
      %add3A_471 = arith.constant 0 : i32
      %add3A_472 = arith.addi %mul3A_470, %add3A_471 : i32
      %get3A_473 = arith.constant 0 : i32
      %get3A_474 = arith.index_cast %get3A_473 : i32 to index
      %get3A_475 = arith.index_cast %add3A_472 : i32 to index
      %get3A_476 = arith.constant 0 : index
      %get3A_477 = tpu.vector_load %arg13[%get3A_474, %get3A_475, %get3A_476] {strides = array<i32>} : memref<2x128x64xf32, #tpu.memory_space<vmem>>, vector<1x1x16xf32>,
      %get3A_478 = vector.shape_cast %get3A_477 : vector<1x1x16xf32> to vector<16xf32>
      %sub3A = arith.subf %add3A_468, %get3A_478 : vector<16xf32>
      %mul3A_479 = arith.constant 2 : i32
      %mul3A_480 = arith.muli %mul3A_479, %scan3A_447 : i32
      %add3A_481 = arith.constant 0 : i32
      %add3A_482 = arith.addi %mul3A_480, %add3A_481 : i32
      %swap3A = arith.constant 0 : i32
      %swap3A_483 = arith.index_cast %swap3A : i32 to index
      %swap3A_484 = arith.index_cast %add3A_482 : i32 to index
      %swap3A_485 = arith.constant 0 : index
      %swap3A_486 = tpu.vector_load %arg11[%swap3A_483, %swap3A_484, %swap3A_485] {strides = array<i32>} : memref<2x128x64xf32, #tpu.memory_space<vmem>>, vector<1x1x16xf32>,
      %swap3A_487 = vector.shape_cast %swap3A_486 : vector<1x1x16xf32> to vector<16xf32>
      %swap3A_488 = vector.shape_cast %sub3A : vector<16xf32> to vector<1x1x16xf32>
      tpu.vector_store %arg11[%swap3A_483, %swap3A_484, %swap3A_485], %swap3A_488 {strides = array<i32>} : memref<2x128x64xf32, #tpu.memory_space<vmem>>, vector<1x1x16xf32>,
      %mul3A_489 = arith.constant 2 : i32
      %mul3A_490 = arith.muli %mul3A_489, %scan3A_447 : i32
      %add3A_491 = arith.constant 0 : i32
      %add3A_492 = arith.addi %mul3A_490, %add3A_491 : i32
      %get3A_493 = arith.constant 0 : i32
      %get3A_494 = arith.index_cast %get3A_493 : i32 to index
      %get3A_495 = arith.index_cast %add3A_492 : i32 to index
      %get3A_496 = arith.constant 16 : index
      %get3A_497 = tpu.vector_load %arg11[%get3A_494, %get3A_495, %get3A_496] {strides = array<i32>} : memref<2x128x64xf32, #tpu.memory_space<vmem>>, vector<1x1x16xf32>,
      %get3A_498 = vector.shape_cast %get3A_497 : vector<1x1x16xf32> to vector<16xf32>
      %mul3A_499 = arith.constant 2 : i32
      %mul3A_500 = arith.muli %mul3A_499, %scan3A_447 : i32
      %add3A_501 = arith.constant 0 : i32
      %add3A_502 = arith.addi %mul3A_500, %add3A_501 : i32
      %get3A_503 = arith.constant 0 : i32
      %get3A_504 = arith.index_cast %get3A_503 : i32 to index
      %get3A_505 = arith.index_cast %add3A_502 : i32 to index
      %get3A_506 = arith.constant 16 : index
      %get3A_507 = tpu.vector_load %arg12[%get3A_504, %get3A_505, %get3A_506] {strides = array<i32>} : memref<2x128x64xf32, #tpu.memory_space<vmem>>, vector<1x1x16xf32>,
      %get3A_508 = vector.shape_cast %get3A_507 : vector<1x1x16xf32> to vector<16xf32>
      %add3A_509 = arith.addf %get3A_498, %get3A_508 : vector<16xf32>
      %mul3A_510 = arith.constant 2 : i32
      %mul3A_511 = arith.muli %mul3A_510, %scan3A_447 : i32
      %add3A_512 = arith.constant 0 : i32
      %add3A_513 = arith.addi %mul3A_511, %add3A_512 : i32
      %get3A_514 = arith.constant 0 : i32
      %get3A_515 = arith.index_cast %get3A_514 : i32 to index
      %get3A_516 = arith.index_cast %add3A_513 : i32 to index
      %get3A_517 = arith.constant 16 : index
      %get3A_518 = tpu.vector_load %arg13[%get3A_515, %get3A_516, %get3A_517] {strides = array<i32>} : memref<2x128x64xf32, #tpu.memory_space<vmem>>, vector<1x1x16xf32>,
      %get3A_519 = vector.shape_cast %get3A_518 : vector<1x1x16xf32> to vector<16xf32>
      %sub3A_520 = arith.subf %add3A_509, %get3A_519 : vector<16xf32>
      %mul3A_521 = arith.constant 2 : i32
      %mul3A_522 = arith.muli %mul3A_521, %scan3A_447 : i32
      %add3A_523 = arith.constant 0 : i32
      %add3A_524 = arith.addi %mul3A_522, %add3A_523 : i32
      %swap3A_525 = arith.constant 0 : i32
      %swap3A_526 = arith.index_cast %swap3A_525 : i32 to index
      %swap3A_527 = arith.index_cast %add3A_524 : i32 to index
      %swap3A_528 = arith.constant 16 : index
      %swap3A_529 = tpu.vector_load %arg11[%swap3A_526, %swap3A_527, %swap3A_528] {strides = array<i32>} : memref<2x128x64xf32, #tpu.memory_space<vmem>>, vector<1x1x16xf32>,
      %swap3A_530 = vector.shape_cast %swap3A_529 : vector<1x1x16xf32> to vector<16xf32>
      %swap3A_531 = vector.shape_cast %sub3A_520 : vector<16xf32> to vector<1x1x16xf32>
      tpu.vector_store %arg11[%swap3A_526, %swap3A_527, %swap3A_528], %swap3A_531 {strides = array<i32>} : memref<2x128x64xf32, #tpu.memory_space<vmem>>, vector<1x1x16xf32>,
      %mul3A_532 = arith.constant 2 : i32
      %mul3A_533 = arith.muli %mul3A_532, %scan3A_447 : i32
      %add3A_534 = arith.constant 0 : i32
      %add3A_535 = arith.addi %mul3A_533, %add3A_534 : i32
      %get3A_536 = arith.constant 0 : i32
      %get3A_537 = arith.index_cast %get3A_536 : i32 to index
      %get3A_538 = arith.index_cast %add3A_535 : i32 to index
      %get3A_539 = arith.constant 32 : index
      %get3A_540 = tpu.vector_load %arg11[%get3A_537, %get3A_538, %get3A_539] {strides = array<i32>} : memref<2x128x64xf32, #tpu.memory_space<vmem>>, vector<1x1x16xf32>,
      %get3A_541 = vector.shape_cast %get3A_540 : vector<1x1x16xf32> to vector<16xf32>
      %mul3A_542 = arith.constant 2 : i32
      %mul3A_543 = arith.muli %mul3A_542, %scan3A_447 : i32
      %add3A_544 = arith.constant 0 : i32
      %add3A_545 = arith.addi %mul3A_543, %add3A_544 : i32
      %get3A_546 = arith.constant 0 : i32
      %get3A_547 = arith.index_cast %get3A_546 : i32 to index
      %get3A_548 = arith.index_cast %add3A_545 : i32 to index
      %get3A_549 = arith.constant 32 : index
      %get3A_550 = tpu.vector_load %arg12[%get3A_547, %get3A_548, %get3A_549] {strides = array<i32>} : memref<2x128x64xf32, #tpu.memory_space<vmem>>, vector<1x1x16xf32>,
      %get3A_551 = vector.shape_cast %get3A_550 : vector<1x1x16xf32> to vector<16xf32>
      %add3A_552 = arith.addf %get3A_541, %get3A_551 : vector<16xf32>
      %mul3A_553 = arith.constant 2 : i32
      %mul3A_554 = arith.muli %mul3A_553, %scan3A_447 : i32
      %add3A_555 = arith.constant 0 : i32
      %add3A_556 = arith.addi %mul3A_554, %add3A_555 : i32
      %get3A_557 = arith.constant 0 : i32
      %get3A_558 = arith.index_cast %get3A_557 : i32 to index
      %get3A_559 = arith.index_cast %add3A_556 : i32 to index
      %get3A_560 = arith.constant 32 : index
      %get3A_561 = tpu.vector_load %arg13[%get3A_558, %get3A_559, %get3A_560] {strides = array<i32>} : memref<2x128x64xf32, #tpu.memory_space<vmem>>, vector<1x1x16xf32>,
      %get3A_562 = vector.shape_cast %get3A_561 : vector<1x1x16xf32> to vector<16xf32>
      %sub3A_563 = arith.subf %add3A_552, %get3A_562 : vector<16xf32>
      %mul3A_564 = arith.constant 2 : i32
      %mul3A_565 = arith.muli %mul3A_564, %scan3A_447 : i32
      %add3A_566 = arith.constant 0 : i32
      %add3A_567 = arith.addi %mul3A_565, %add3A_566 : i32
      %swap3A_568 = arith.constant 0 : i32
      %swap3A_569 = arith.index_cast %swap3A_568 : i32 to index
      %swap3A_570 = arith.index_cast %add3A_567 : i32 to index
      %swap3A_571 = arith.constant 32 : index
      %swap3A_572 = tpu.vector_load %arg11[%swap3A_569, %swap3A_570, %swap3A_571] {strides = array<i32>} : memref<2x128x64xf32, #tpu.memory_space<vmem>>, vector<1x1x16xf32>,
      %swap3A_573 = vector.shape_cast %swap3A_572 : vector<1x1x16xf32> to vector<16xf32>
      %swap3A_574 = vector.shape_cast %sub3A_563 : vector<16xf32> to vector<1x1x16xf32>
      tpu.vector_store %arg11[%swap3A_569, %swap3A_570, %swap3A_571], %swap3A_574 {strides = array<i32>} : memref<2x128x64xf32, #tpu.memory_space<vmem>>, vector<1x1x16xf32>,
      %mul3A_575 = arith.constant 2 : i32
      %mul3A_576 = arith.muli %mul3A_575, %scan3A_447 : i32
      %add3A_577 = arith.constant 0 : i32
      %add3A_578 = arith.addi %mul3A_576, %add3A_577 : i32
      %get3A_579 = arith.constant 0 : i32
      %get3A_580 = arith.index_cast %get3A_579 : i32 to index
      %get3A_581 = arith.index_cast %add3A_578 : i32 to index
      %get3A_582 = arith.constant 48 : index
      %get3A_583 = tpu.vector_load %arg11[%get3A_580, %get3A_581, %get3A_582] {strides = array<i32>} : memref<2x128x64xf32, #tpu.memory_space<vmem>>, vector<1x1x16xf32>,
      %get3A_584 = vector.shape_cast %get3A_583 : vector<1x1x16xf32> to vector<16xf32>
      %mul3A_585 = arith.constant 2 : i32
      %mul3A_586 = arith.muli %mul3A_585, %scan3A_447 : i32
      %add3A_587 = arith.constant 0 : i32
      %add3A_588 = arith.addi %mul3A_586, %add3A_587 : i32
      %get3A_589 = arith.constant 0 : i32
      %get3A_590 = arith.index_cast %get3A_589 : i32 to index
      %get3A_591 = arith.index_cast %add3A_588 : i32 to index
      %get3A_592 = arith.constant 48 : index
      %get3A_593 = tpu.vector_load %arg12[%get3A_590, %get3A_591, %get3A_592] {strides = array<i32>} : memref<2x128x64xf32, #tpu.memory_space<vmem>>, vector<1x1x16xf32>,
      %get3A_594 = vector.shape_cast %get3A_593 : vector<1x1x16xf32> to vector<16xf32>
      %add3A_595 = arith.addf %get3A_584, %get3A_594 : vector<16xf32>
      %mul3A_596 = arith.constant 2 : i32
      %mul3A_597 = arith.muli %mul3A_596, %scan3A_447 : i32
      %add3A_598 = arith.constant 0 : i32
      %add3A_599 = arith.addi %mul3A_597, %add3A_598 : i32
      %get3A_600 = arith.constant 0 : i32
      %get3A_601 = arith.index_cast %get3A_600 : i32 to index
      %get3A_602 = arith.index_cast %add3A_599 : i32 to index
      %get3A_603 = arith.constant 48 : index
      %get3A_604 = tpu.vector_load %arg13[%get3A_601, %get3A_602, %get3A_603] {strides = array<i32>} : memref<2x128x64xf32, #tpu.memory_space<vmem>>, vector<1x1x16xf32>,
      %get3A_605 = vector.shape_cast %get3A_604 : vector<1x1x16xf32> to vector<16xf32>
      %sub3A_606 = arith.subf %add3A_595, %get3A_605 : vector<16xf32>
      %mul3A_607 = arith.constant 2 : i32
      %mul3A_608 = arith.muli %mul3A_607, %scan3A_447 : i32
      %add3A_609 = arith.constant 0 : i32
      %add3A_610 = arith.addi %mul3A_608, %add3A_609 : i32
      %swap3A_611 = arith.constant 0 : i32
      %swap3A_612 = arith.index_cast %swap3A_611 : i32 to index
      %swap3A_613 = arith.index_cast %add3A_610 : i32 to index
      %swap3A_614 = arith.constant 48 : index
      %swap3A_615 = tpu.vector_load %arg11[%swap3A_612, %swap3A_613, %swap3A_614] {strides = array<i32>} : memref<2x128x64xf32, #tpu.memory_space<vmem>>, vector<1x1x16xf32>,
      %swap3A_616 = vector.shape_cast %swap3A_615 : vector<1x1x16xf32> to vector<16xf32>
      %swap3A_617 = vector.shape_cast %sub3A_606 : vector<16xf32> to vector<1x1x16xf32>
      tpu.vector_store %arg11[%swap3A_612, %swap3A_613, %swap3A_614], %swap3A_617 {strides = array<i32>} : memref<2x128x64xf32, #tpu.memory_space<vmem>>, vector<1x1x16xf32>,
      %mul3A_618 = arith.constant 2 : i32
      %mul3A_619 = arith.muli %mul3A_618, %scan3A_447 : i32
      %add3A_620 = arith.constant 1 : i32
      %add3A_621 = arith.addi %mul3A_619, %add3A_620 : i32
      %get3A_622 = arith.constant 0 : i32
      %get3A_623 = arith.index_cast %get3A_622 : i32 to index
      %get3A_624 = arith.index_cast %add3A_621 : i32 to index
      %get3A_625 = arith.constant 0 : index
      %get3A_626 = tpu.vector_load %arg11[%get3A_623, %get3A_624, %get3A_625] {strides = array<i32>} : memref<2x128x64xf32, #tpu.memory_space<vmem>>, vector<1x1x16xf32>,
      %get3A_627 = vector.shape_cast %get3A_626 : vector<1x1x16xf32> to vector<16xf32>
      %mul3A_628 = arith.constant 2 : i32
      %mul3A_629 = arith.muli %mul3A_628, %scan3A_447 : i32
      %add3A_630 = arith.constant 1 : i32
      %add3A_631 = arith.addi %mul3A_629, %add3A_630 : i32
      %get3A_632 = arith.constant 0 : i32
      %get3A_633 = arith.index_cast %get3A_632 : i32 to index
      %get3A_634 = arith.index_cast %add3A_631 : i32 to index
      %get3A_635 = arith.constant 0 : index
      %get3A_636 = tpu.vector_load %arg12[%get3A_633, %get3A_634, %get3A_635] {strides = array<i32>} : memref<2x128x64xf32, #tpu.memory_space<vmem>>, vector<1x1x16xf32>,
      %get3A_637 = vector.shape_cast %get3A_636 : vector<1x1x16xf32> to vector<16xf32>
      %add3A_638 = arith.addf %get3A_627, %get3A_637 : vector<16xf32>
      %mul3A_639 = arith.constant 2 : i32
      %mul3A_640 = arith.muli %mul3A_639, %scan3A_447 : i32
      %add3A_641 = arith.constant 1 : i32
      %add3A_642 = arith.addi %mul3A_640, %add3A_641 : i32
      %get3A_643 = arith.constant 0 : i32
      %get3A_644 = arith.index_cast %get3A_643 : i32 to index
      %get3A_645 = arith.index_cast %add3A_642 : i32 to index
      %get3A_646 = arith.constant 0 : index
      %get3A_647 = tpu.vector_load %arg13[%get3A_644, %get3A_645, %get3A_646] {strides = array<i32>} : memref<2x128x64xf32, #tpu.memory_space<vmem>>, vector<1x1x16xf32>,
      %get3A_648 = vector.shape_cast %get3A_647 : vector<1x1x16xf32> to vector<16xf32>
      %sub3A_649 = arith.subf %add3A_638, %get3A_648 : vector<16xf32>
      %mul3A_650 = arith.constant 2 : i32
      %mul3A_651 = arith.muli %mul3A_650, %scan3A_447 : i32
      %add3A_652 = arith.constant 1 : i32
      %add3A_653 = arith.addi %mul3A_651, %add3A_652 : i32
      %swap3A_654 = arith.constant 0 : i32
      %swap3A_655 = arith.index_cast %swap3A_654 : i32 to index
      %swap3A_656 = arith.index_cast %add3A_653 : i32 to index
      %swap3A_657 = arith.constant 0 : index
      %swap3A_658 = tpu.vector_load %arg11[%swap3A_655, %swap3A_656, %swap3A_657] {strides = array<i32>} : memref<2x128x64xf32, #tpu.memory_space<vmem>>, vector<1x1x16xf32>,
      %swap3A_659 = vector.shape_cast %swap3A_658 : vector<1x1x16xf32> to vector<16xf32>
      %swap3A_660 = vector.shape_cast %sub3A_649 : vector<16xf32> to vector<1x1x16xf32>
      tpu.vector_store %arg11[%swap3A_655, %swap3A_656, %swap3A_657], %swap3A_660 {strides = array<i32>} : memref<2x128x64xf32, #tpu.memory_space<vmem>>, vector<1x1x16xf32>,
      %mul3A_661 = arith.constant 2 : i32
      %mul3A_662 = arith.muli %mul3A_661, %scan3A_447 : i32
      %add3A_663 = arith.constant 1 : i32
      %add3A_664 = arith.addi %mul3A_662, %add3A_663 : i32
      %get3A_665 = arith.constant 0 : i32
      %get3A_666 = arith.index_cast %get3A_665 : i32 to index
      %get3A_667 = arith.index_cast %add3A_664 : i32 to index
      %get3A_668 = arith.constant 16 : index
      %get3A_669 = tpu.vector_load %arg11[%get3A_666, %get3A_667, %get3A_668] {strides = array<i32>} : memref<2x128x64xf32, #tpu.memory_space<vmem>>, vector<1x1x16xf32>,
      %get3A_670 = vector.shape_cast %get3A_669 : vector<1x1x16xf32> to vector<16xf32>
      %mul3A_671 = arith.constant 2 : i32
      %mul3A_672 = arith.muli %mul3A_671, %scan3A_447 : i32
      %add3A_673 = arith.constant 1 : i32
      %add3A_674 = arith.addi %mul3A_672, %add3A_673 : i32
      %get3A_675 = arith.constant 0 : i32
      %get3A_676 = arith.index_cast %get3A_675 : i32 to index
      %get3A_677 = arith.index_cast %add3A_674 : i32 to index
      %get3A_678 = arith.constant 16 : index
      %get3A_679 = tpu.vector_load %arg12[%get3A_676, %get3A_677, %get3A_678] {strides = array<i32>} : memref<2x128x64xf32, #tpu.memory_space<vmem>>, vector<1x1x16xf32>,
      %get3A_680 = vector.shape_cast %get3A_679 : vector<1x1x16xf32> to vector<16xf32>
      %add3A_681 = arith.addf %get3A_670, %get3A_680 : vector<16xf32>
      %mul3A_682 = arith.constant 2 : i32
      %mul3A_683 = arith.muli %mul3A_682, %scan3A_447 : i32
      %add3A_684 = arith.constant 1 : i32
      %add3A_685 = arith.addi %mul3A_683, %add3A_684 : i32
      %get3A_686 = arith.constant 0 : i32
      %get3A_687 = arith.index_cast %get3A_686 : i32 to index
      %get3A_688 = arith.index_cast %add3A_685 : i32 to index
      %get3A_689 = arith.constant 16 : index
      %get3A_690 = tpu.vector_load %arg13[%get3A_687, %get3A_688, %get3A_689] {strides = array<i32>} : memref<2x128x64xf32, #tpu.memory_space<vmem>>, vector<1x1x16xf32>,
      %get3A_691 = vector.shape_cast %get3A_690 : vector<1x1x16xf32> to vector<16xf32>
      %sub3A_692 = arith.subf %add3A_681, %get3A_691 : vector<16xf32>
      %mul3A_693 = arith.constant 2 : i32
      %mul3A_694 = arith.muli %mul3A_693, %scan3A_447 : i32
      %add3A_695 = arith.constant 1 : i32
      %add3A_696 = arith.addi %mul3A_694, %add3A_695 : i32
      %swap3A_697 = arith.constant 0 : i32
      %swap3A_698 = arith.index_cast %swap3A_697 : i32 to index
      %swap3A_699 = arith.index_cast %add3A_696 : i32 to index
      %swap3A_700 = arith.constant 16 : index
      %swap3A_701 = tpu.vector_load %arg11[%swap3A_698, %swap3A_699, %swap3A_700] {strides = array<i32>} : memref<2x128x64xf32, #tpu.memory_space<vmem>>, vector<1x1x16xf32>,
      %swap3A_702 = vector.shape_cast %swap3A_701 : vector<1x1x16xf32> to vector<16xf32>
      %swap3A_703 = vector.shape_cast %sub3A_692 : vector<16xf32> to vector<1x1x16xf32>
      tpu.vector_store %arg11[%swap3A_698, %swap3A_699, %swap3A_700], %swap3A_703 {strides = array<i32>} : memref<2x128x64xf32, #tpu.memory_space<vmem>>, vector<1x1x16xf32>,
      %mul3A_704 = arith.constant 2 : i32
      %mul3A_705 = arith.muli %mul3A_704, %scan3A_447 : i32
      %add3A_706 = arith.constant 1 : i32
      %add3A_707 = arith.addi %mul3A_705, %add3A_706 : i32
      %get3A_708 = arith.constant 0 : i32
      %get3A_709 = arith.index_cast %get3A_708 : i32 to index
      %get3A_710 = arith.index_cast %add3A_707 : i32 to index
      %get3A_711 = arith.constant 32 : index
      %get3A_712 = tpu.vector_load %arg11[%get3A_709, %get3A_710, %get3A_711] {strides = array<i32>} : memref<2x128x64xf32, #tpu.memory_space<vmem>>, vector<1x1x16xf32>,
      %get3A_713 = vector.shape_cast %get3A_712 : vector<1x1x16xf32> to vector<16xf32>
      %mul3A_714 = arith.constant 2 : i32
      %mul3A_715 = arith.muli %mul3A_714, %scan3A_447 : i32
      %add3A_716 = arith.constant 1 : i32
      %add3A_717 = arith.addi %mul3A_715, %add3A_716 : i32
      %get3A_718 = arith.constant 0 : i32
      %get3A_719 = arith.index_cast %get3A_718 : i32 to index
      %get3A_720 = arith.index_cast %add3A_717 : i32 to index
      %get3A_721 = arith.constant 32 : index
      %get3A_722 = tpu.vector_load %arg12[%get3A_719, %get3A_720, %get3A_721] {strides = array<i32>} : memref<2x128x64xf32, #tpu.memory_space<vmem>>, vector<1x1x16xf32>,
      %get3A_723 = vector.shape_cast %get3A_722 : vector<1x1x16xf32> to vector<16xf32>
      %add3A_724 = arith.addf %get3A_713, %get3A_723 : vector<16xf32>
      %mul3A_725 = arith.constant 2 : i32
      %mul3A_726 = arith.muli %mul3A_725, %scan3A_447 : i32
      %add3A_727 = arith.constant 1 : i32
      %add3A_728 = arith.addi %mul3A_726, %add3A_727 : i32
      %get3A_729 = arith.constant 0 : i32
      %get3A_730 = arith.index_cast %get3A_729 : i32 to index
      %get3A_731 = arith.index_cast %add3A_728 : i32 to index
      %get3A_732 = arith.constant 32 : index
      %get3A_733 = tpu.vector_load %arg13[%get3A_730, %get3A_731, %get3A_732] {strides = array<i32>} : memref<2x128x64xf32, #tpu.memory_space<vmem>>, vector<1x1x16xf32>,
      %get3A_734 = vector.shape_cast %get3A_733 : vector<1x1x16xf32> to vector<16xf32>
      %sub3A_735 = arith.subf %add3A_724, %get3A_734 : vector<16xf32>
      %mul3A_736 = arith.constant 2 : i32
      %mul3A_737 = arith.muli %mul3A_736, %scan3A_447 : i32
      %add3A_738 = arith.constant 1 : i32
      %add3A_739 = arith.addi %mul3A_737, %add3A_738 : i32
      %swap3A_740 = arith.constant 0 : i32
      %swap3A_741 = arith.index_cast %swap3A_740 : i32 to index
      %swap3A_742 = arith.index_cast %add3A_739 : i32 to index
      %swap3A_743 = arith.constant 32 : index
      %swap3A_744 = tpu.vector_load %arg11[%swap3A_741, %swap3A_742, %swap3A_743] {strides = array<i32>} : memref<2x128x64xf32, #tpu.memory_space<vmem>>, vector<1x1x16xf32>,
      %swap3A_745 = vector.shape_cast %swap3A_744 : vector<1x1x16xf32> to vector<16xf32>
      %swap3A_746 = vector.shape_cast %sub3A_735 : vector<16xf32> to vector<1x1x16xf32>
      tpu.vector_store %arg11[%swap3A_741, %swap3A_742, %swap3A_743], %swap3A_746 {strides = array<i32>} : memref<2x128x64xf32, #tpu.memory_space<vmem>>, vector<1x1x16xf32>,
      %mul3A_747 = arith.constant 2 : i32
      %mul3A_748 = arith.muli %mul3A_747, %scan3A_447 : i32
      %add3A_749 = arith.constant 1 : i32
      %add3A_750 = arith.addi %mul3A_748, %add3A_749 : i32
      %get3A_751 = arith.constant 0 : i32
      %get3A_752 = arith.index_cast %get3A_751 : i32 to index
      %get3A_753 = arith.index_cast %add3A_750 : i32 to index
      %get3A_754 = arith.constant 48 : index
      %get3A_755 = tpu.vector_load %arg11[%get3A_752, %get3A_753, %get3A_754] {strides = array<i32>} : memref<2x128x64xf32, #tpu.memory_space<vmem>>, vector<1x1x16xf32>,
      %get3A_756 = vector.shape_cast %get3A_755 : vector<1x1x16xf32> to vector<16xf32>
      %mul3A_757 = arith.constant 2 : i32
      %mul3A_758 = arith.muli %mul3A_757, %scan3A_447 : i32
      %add3A_759 = arith.constant 1 : i32
      %add3A_760 = arith.addi %mul3A_758, %add3A_759 : i32
      %get3A_761 = arith.constant 0 : i32
      %get3A_762 = arith.index_cast %get3A_761 : i32 to index
      %get3A_763 = arith.index_cast %add3A_760 : i32 to index
      %get3A_764 = arith.constant 48 : index
      %get3A_765 = tpu.vector_load %arg12[%get3A_762, %get3A_763, %get3A_764] {strides = array<i32>} : memref<2x128x64xf32, #tpu.memory_space<vmem>>, vector<1x1x16xf32>,
      %get3A_766 = vector.shape_cast %get3A_765 : vector<1x1x16xf32> to vector<16xf32>
      %add3A_767 = arith.addf %get3A_756, %get3A_766 : vector<16xf32>
      %mul3A_768 = arith.constant 2 : i32
      %mul3A_769 = arith.muli %mul3A_768, %scan3A_447 : i32
      %add3A_770 = arith.constant 1 : i32
      %add3A_771 = arith.addi %mul3A_769, %add3A_770 : i32
      %get3A_772 = arith.constant 0 : i32
      %get3A_773 = arith.index_cast %get3A_772 : i32 to index
      %get3A_774 = arith.index_cast %add3A_771 : i32 to index
      %get3A_775 = arith.constant 48 : index
      %get3A_776 = tpu.vector_load %arg13[%get3A_773, %get3A_774, %get3A_775] {strides = array<i32>} : memref<2x128x64xf32, #tpu.memory_space<vmem>>, vector<1x1x16xf32>,
      %get3A_777 = vector.shape_cast %get3A_776 : vector<1x1x16xf32> to vector<16xf32>
      %sub3A_778 = arith.subf %add3A_767, %get3A_777 : vector<16xf32>
      %mul3A_779 = arith.constant 2 : i32
      %mul3A_780 = arith.muli %mul3A_779, %scan3A_447 : i32
      %add3A_781 = arith.constant 1 : i32
      %add3A_782 = arith.addi %mul3A_780, %add3A_781 : i32
      %swap3A_783 = arith.constant 0 : i32
      %swap3A_784 = arith.index_cast %swap3A_783 : i32 to index
      %swap3A_785 = arith.index_cast %add3A_782 : i32 to index
      %swap3A_786 = arith.constant 48 : index
      %swap3A_787 = tpu.vector_load %arg11[%swap3A_784, %swap3A_785, %swap3A_786] {strides = array<i32>} : memref<2x128x64xf32, #tpu.memory_space<vmem>>, vector<1x1x16xf32>,
      %swap3A_788 = vector.shape_cast %swap3A_787 : vector<1x1x16xf32> to vector<16xf32>
      %swap3A_789 = vector.shape_cast %sub3A_778 : vector<16xf32> to vector<1x1x16xf32>
      tpu.vector_store %arg11[%swap3A_784, %swap3A_785, %swap3A_786], %swap3A_789 {strides = array<i32>} : memref<2x128x64xf32, #tpu.memory_space<vmem>>, vector<1x1x16xf32>,
      %scan3A_790 = arith.constant 0 : i32
      scf.yield %scan3A_790 : i32
    }
    %scan3A_347 = arith.constant 64 : i32
    %add3A_348 = arith.constant 256 : i32
    %add3A_349 = arith.addi %mul3A_2, %add3A_348 : i32
    %dma_start3A_350 = arith.constant 0 : i32
    %dma_start3A_351 = arith.constant 0 : i32
    %dma_start3A_352 = arith.constant 0 : i32
    %dma_start3A_353 = tpu.memref_slice %arg11[%dma_start3A_350, %dma_start3A_351, %dma_start3A_352] : memref<2x128x64xf32, #tpu.memory_space<vmem>> -> memref<1x128x64xf32, #tpu.memory_space<vmem>>
    %dma_start3A_354 = tpu.memref_squeeze %dma_start3A_353 : memref<1x128x64xf32, #tpu.memory_space<vmem>> -> memref<128x64xf32, #tpu.memory_space<vmem>>
    %dma_start3A_355 = arith.constant 0 : i32
    %dma_start3A_356 = tpu.memref_slice %arg7[%add3A_349, %dma_start3A_355] : memref<16384x64xf32, #tpu.memory_space<hbm>> -> memref<128x64xf32, #tpu.memory_space<hbm>>
    %dma_start3A_357 = arith.constant 0 : i32
    %dma_start3A_358 = tpu.memref_slice %arg7[%add3A_349, %dma_start3A_357] : memref<16384x64xf32, #tpu.memory_space<hbm>> -> memref<128x64xf32, #tpu.memory_space<hbm>>
    %dma_start3A_359 = arith.constant 0 : i32
    %dma_start3A_360 = arith.constant 0 : i32
    %dma_start3A_361 = tpu.memref_slice %arg11[%dma_start3A_350, %dma_start3A_359, %dma_start3A_360] : memref<2x128x64xf32, #tpu.memory_space<vmem>> -> memref<1x128x64xf32, #tpu.memory_space<vmem>>
    %dma_start3A_362 = tpu.memref_squeeze %dma_start3A_361 : memref<1x128x64xf32, #tpu.memory_space<vmem>> -> memref<128x64xf32, #tpu.memory_space<vmem>>
    tpu.enqueue_dma source(%dma_start3A_362 : memref<128x64xf32, #tpu.memory_space<vmem>>) target(%dma_start3A_358 : memref<128x64xf32, #tpu.memory_space<hbm>>) target_semaphore(%arg15 : memref<!tpu.dma_semaphore, #tpu.memory_space<semaphore_mem>>)
    %dma_wait3A_363 = arith.constant 3 : i32
    %dma_wait3A_364 = arith.constant 1 : i32
    %dma_wait3A_365 = arith.constant 0 : i32
    %dma_wait3A_366 = arith.constant 0 : i32
    %dma_wait3A_367 = tpu.memref_slice %arg11[%dma_wait3A_364, %dma_wait3A_365, %dma_wait3A_366] : memref<2x128x64xf32, #tpu.memory_space<vmem>> -> memref<1x128x64xf32, #tpu.memory_space<vmem>>
    %dma_wait3A_368 = tpu.memref_squeeze %dma_wait3A_367 : memref<1x128x64xf32, #tpu.memory_space<vmem>> -> memref<128x64xf32, #tpu.memory_space<vmem>>
    %dma_wait3A_369 = arith.constant 0 : i32
    %dma_wait3A_370 = tpu.memref_slice %arg8[%dma_wait3A_363, %dma_wait3A_369] : memref<4x128xi32, #tpu.memory_space<vmem>> -> memref<1x128xi32, #tpu.memory_space<vmem>>
    %dma_wait3A_371 = tpu.memref_squeeze %dma_wait3A_370 : memref<1x128xi32, #tpu.memory_space<vmem>> -> memref<128xi32, #tpu.memory_space<vmem>>
    %dma_wait3A_372 = arith.constant 0 : i32
    %dma_wait3A_373 = arith.constant 0 : i32
    %dma_wait3A_374 = tpu.memref_slice %arg5[%dma_wait3A_372, %dma_wait3A_373] : memref<1000000x64xf32, #tpu.memory_space<hbm>> -> memref<1000000x64xf32, #tpu.memory_space<hbm>>
    tpu.wait_indirect_dma semaphore(%arg14 : memref<!tpu.dma_semaphore, #tpu.memory_space<semaphore_mem>>) src(%dma_wait3A_374 : memref<1000000x64xf32, #tpu.memory_space<hbm>>) dst(%dma_wait3A_368 : memref<128x64xf32, #tpu.memory_space<vmem>>)
    %dma_wait3A_375 = arith.constant 3 : i32
    %dma_wait3A_376 = arith.constant 1 : i32
    %dma_wait3A_377 = arith.constant 0 : i32
    %dma_wait3A_378 = arith.constant 0 : i32
    %dma_wait3A_379 = tpu.memref_slice %arg13[%dma_wait3A_376, %dma_wait3A_377, %dma_wait3A_378] : memref<2x128x64xf32, #tpu.memory_space<vmem>> -> memref<1x128x64xf32, #tpu.memory_space<vmem>>
    %dma_wait3A_380 = tpu.memref_squeeze %dma_wait3A_379 : memref<1x128x64xf32, #tpu.memory_space<vmem>> -> memref<128x64xf32, #tpu.memory_space<vmem>>
    %dma_wait3A_381 = arith.constant 0 : i32
    %dma_wait3A_382 = tpu.memref_slice %arg10[%dma_wait3A_375, %dma_wait3A_381] : memref<4x128xi32, #tpu.memory_space<vmem>> -> memref<1x128xi32, #tpu.memory_space<vmem>>
    %dma_wait3A_383 = tpu.memref_squeeze %dma_wait3A_382 : memref<1x128xi32, #tpu.memory_space<vmem>> -> memref<128xi32, #tpu.memory_space<vmem>>
    %dma_wait3A_384 = arith.constant 0 : i32
    %dma_wait3A_385 = arith.constant 0 : i32
    %dma_wait3A_386 = tpu.memref_slice %arg5[%dma_wait3A_384, %dma_wait3A_385] : memref<1000000x64xf32, #tpu.memory_space<hbm>> -> memref<1000000x64xf32, #tpu.memory_space<hbm>>
    tpu.wait_indirect_dma semaphore(%arg14 : memref<!tpu.dma_semaphore, #tpu.memory_space<semaphore_mem>>) src(%dma_wait3A_386 : memref<1000000x64xf32, #tpu.memory_space<hbm>>) dst(%dma_wait3A_380 : memref<128x64xf32, #tpu.memory_space<vmem>>)
    %dma_wait3A_387 = arith.constant 3 : i32
    %dma_wait3A_388 = arith.constant 1 : i32
    %dma_wait3A_389 = arith.constant 0 : i32
    %dma_wait3A_390 = arith.constant 0 : i32
    %dma_wait3A_391 = tpu.memref_slice %arg12[%dma_wait3A_388, %dma_wait3A_389, %dma_wait3A_390] : memref<2x128x64xf32, #tpu.memory_space<vmem>> -> memref<1x128x64xf32, #tpu.memory_space<vmem>>
    %dma_wait3A_392 = tpu.memref_squeeze %dma_wait3A_391 : memref<1x128x64xf32, #tpu.memory_space<vmem>> -> memref<128x64xf32, #tpu.memory_space<vmem>>
    %dma_wait3A_393 = arith.constant 0 : i32
    %dma_wait3A_394 = tpu.memref_slice %arg9[%dma_wait3A_387, %dma_wait3A_393] : memref<4x128xi32, #tpu.memory_space<vmem>> -> memref<1x128xi32, #tpu.memory_space<vmem>>
    %dma_wait3A_395 = tpu.memref_squeeze %dma_wait3A_394 : memref<1x128xi32, #tpu.memory_space<vmem>> -> memref<128xi32, #tpu.memory_space<vmem>>
    %dma_wait3A_396 = arith.constant 0 : i32
    %dma_wait3A_397 = arith.constant 0 : i32
    %dma_wait3A_398 = tpu.memref_slice %arg6[%dma_wait3A_396, %dma_wait3A_397] : memref<1000x64xf32, #tpu.memory_space<hbm>> -> memref<1000x64xf32, #tpu.memory_space<hbm>>
    tpu.wait_indirect_dma semaphore(%arg14 : memref<!tpu.dma_semaphore, #tpu.memory_space<semaphore_mem>>) src(%dma_wait3A_398 : memref<1000x64xf32, #tpu.memory_space<hbm>>) dst(%dma_wait3A_392 : memref<128x64xf32, #tpu.memory_space<vmem>>)
    %scan3A_399 = arith.constant 0 : i32
    %scan3A_400 = arith.constant 0 : i32
    %scan3A_401 = arith.constant 64 : i32
    %scan3A_402 = arith.addi %scan3A_400, %scan3A_401 : i32
    %scan3A_403 = arith.constant 1 : i32
    %scan3A_404 = scf.for %scan3A_447 = %scan3A_400 to %scan3A_402 step %scan3A_403 iter_args(%scan3A_448 = %scan3A_399) -> (i32)  : i32 {
      %mul3A_449 = arith.constant 2 : i32
      %mul3A_450 = arith.muli %mul3A_449, %scan3A_447 : i32
      %add3A_451 = arith.constant 0 : i32
      %add3A_452 = arith.addi %mul3A_450, %add3A_451 : i32
      %get3A = arith.constant 1 : i32
      %get3A_453 = arith.index_cast %get3A : i32 to index
      %get3A_454 = arith.index_cast %add3A_452 : i32 to index
      %get3A_455 = arith.constant 0 : index
      %get3A_456 = tpu.vector_load %arg11[%get3A_453, %get3A_454, %get3A_455] {strides = array<i32>} : memref<2x128x64xf32, #tpu.memory_space<vmem>>, vector<1x1x16xf32>,
      %get3A_457 = vector.shape_cast %get3A_456 : vector<1x1x16xf32> to vector<16xf32>
      %mul3A_458 = arith.constant 2 : i32
      %mul3A_459 = arith.muli %mul3A_458, %scan3A_447 : i32
      %add3A_460 = arith.constant 0 : i32
      %add3A_461 = arith.addi %mul3A_459, %add3A_460 : i32
      %get3A_462 = arith.constant 1 : i32
      %get3A_463 = arith.index_cast %get3A_462 : i32 to index
      %get3A_464 = arith.index_cast %add3A_461 : i32 to index
      %get3A_465 = arith.constant 0 : index
      %get3A_466 = tpu.vector_load %arg12[%get3A_463, %get3A_464, %get3A_465] {strides = array<i32>} : memref<2x128x64xf32, #tpu.memory_space<vmem>>, vector<1x1x16xf32>,
      %get3A_467 = vector.shape_cast %get3A_466 : vector<1x1x16xf32> to vector<16xf32>
      %add3A_468 = arith.addf %get3A_457, %get3A_467 : vector<16xf32>
      %mul3A_469 = arith.constant 2 : i32
      %mul3A_470 = arith.muli %mul3A_469, %scan3A_447 : i32
      %add3A_471 = arith.constant 0 : i32
      %add3A_472 = arith.addi %mul3A_470, %add3A_471 : i32
      %get3A_473 = arith.constant 1 : i32
      %get3A_474 = arith.index_cast %get3A_473 : i32 to index
      %get3A_475 = arith.index_cast %add3A_472 : i32 to index
      %get3A_476 = arith.constant 0 : index
      %get3A_477 = tpu.vector_load %arg13[%get3A_474, %get3A_475, %get3A_476] {strides = array<i32>} : memref<2x128x64xf32, #tpu.memory_space<vmem>>, vector<1x1x16xf32>,
      %get3A_478 = vector.shape_cast %get3A_477 : vector<1x1x16xf32> to vector<16xf32>
      %sub3A = arith.subf %add3A_468, %get3A_478 : vector<16xf32>
      %mul3A_479 = arith.constant 2 : i32
      %mul3A_480 = arith.muli %mul3A_479, %scan3A_447 : i32
      %add3A_481 = arith.constant 0 : i32
      %add3A_482 = arith.addi %mul3A_480, %add3A_481 : i32
      %swap3A = arith.constant 1 : i32
      %swap3A_483 = arith.index_cast %swap3A : i32 to index
      %swap3A_484 = arith.index_cast %add3A_482 : i32 to index
      %swap3A_485 = arith.constant 0 : index
      %swap3A_486 = tpu.vector_load %arg11[%swap3A_483, %swap3A_484, %swap3A_485] {strides = array<i32>} : memref<2x128x64xf32, #tpu.memory_space<vmem>>, vector<1x1x16xf32>,
      %swap3A_487 = vector.shape_cast %swap3A_486 : vector<1x1x16xf32> to vector<16xf32>
      %swap3A_488 = vector.shape_cast %sub3A : vector<16xf32> to vector<1x1x16xf32>
      tpu.vector_store %arg11[%swap3A_483, %swap3A_484, %swap3A_485], %swap3A_488 {strides = array<i32>} : memref<2x128x64xf32, #tpu.memory_space<vmem>>, vector<1x1x16xf32>,
      %mul3A_489 = arith.constant 2 : i32
      %mul3A_490 = arith.muli %mul3A_489, %scan3A_447 : i32
      %add3A_491 = arith.constant 0 : i32
      %add3A_492 = arith.addi %mul3A_490, %add3A_491 : i32
      %get3A_493 = arith.constant 1 : i32
      %get3A_494 = arith.index_cast %get3A_493 : i32 to index
      %get3A_495 = arith.index_cast %add3A_492 : i32 to index
      %get3A_496 = arith.constant 16 : index
      %get3A_497 = tpu.vector_load %arg11[%get3A_494, %get3A_495, %get3A_496] {strides = array<i32>} : memref<2x128x64xf32, #tpu.memory_space<vmem>>, vector<1x1x16xf32>,
      %get3A_498 = vector.shape_cast %get3A_497 : vector<1x1x16xf32> to vector<16xf32>
      %mul3A_499 = arith.constant 2 : i32
      %mul3A_500 = arith.muli %mul3A_499, %scan3A_447 : i32
      %add3A_501 = arith.constant 0 : i32
      %add3A_502 = arith.addi %mul3A_500, %add3A_501 : i32
      %get3A_503 = arith.constant 1 : i32
      %get3A_504 = arith.index_cast %get3A_503 : i32 to index
      %get3A_505 = arith.index_cast %add3A_502 : i32 to index
      %get3A_506 = arith.constant 16 : index
      %get3A_507 = tpu.vector_load %arg12[%get3A_504, %get3A_505, %get3A_506] {strides = array<i32>} : memref<2x128x64xf32, #tpu.memory_space<vmem>>, vector<1x1x16xf32>,
      %get3A_508 = vector.shape_cast %get3A_507 : vector<1x1x16xf32> to vector<16xf32>
      %add3A_509 = arith.addf %get3A_498, %get3A_508 : vector<16xf32>
      %mul3A_510 = arith.constant 2 : i32
      %mul3A_511 = arith.muli %mul3A_510, %scan3A_447 : i32
      %add3A_512 = arith.constant 0 : i32
      %add3A_513 = arith.addi %mul3A_511, %add3A_512 : i32
      %get3A_514 = arith.constant 1 : i32
      %get3A_515 = arith.index_cast %get3A_514 : i32 to index
      %get3A_516 = arith.index_cast %add3A_513 : i32 to index
      %get3A_517 = arith.constant 16 : index
      %get3A_518 = tpu.vector_load %arg13[%get3A_515, %get3A_516, %get3A_517] {strides = array<i32>} : memref<2x128x64xf32, #tpu.memory_space<vmem>>, vector<1x1x16xf32>,
      %get3A_519 = vector.shape_cast %get3A_518 : vector<1x1x16xf32> to vector<16xf32>
      %sub3A_520 = arith.subf %add3A_509, %get3A_519 : vector<16xf32>
      %mul3A_521 = arith.constant 2 : i32
      %mul3A_522 = arith.muli %mul3A_521, %scan3A_447 : i32
      %add3A_523 = arith.constant 0 : i32
      %add3A_524 = arith.addi %mul3A_522, %add3A_523 : i32
      %swap3A_525 = arith.constant 1 : i32
      %swap3A_526 = arith.index_cast %swap3A_525 : i32 to index
      %swap3A_527 = arith.index_cast %add3A_524 : i32 to index
      %swap3A_528 = arith.constant 16 : index
      %swap3A_529 = tpu.vector_load %arg11[%swap3A_526, %swap3A_527, %swap3A_528] {strides = array<i32>} : memref<2x128x64xf32, #tpu.memory_space<vmem>>, vector<1x1x16xf32>,
      %swap3A_530 = vector.shape_cast %swap3A_529 : vector<1x1x16xf32> to vector<16xf32>
      %swap3A_531 = vector.shape_cast %sub3A_520 : vector<16xf32> to vector<1x1x16xf32>
      tpu.vector_store %arg11[%swap3A_526, %swap3A_527, %swap3A_528], %swap3A_531 {strides = array<i32>} : memref<2x128x64xf32, #tpu.memory_space<vmem>>, vector<1x1x16xf32>,
      %mul3A_532 = arith.constant 2 : i32
      %mul3A_533 = arith.muli %mul3A_532, %scan3A_447 : i32
      %add3A_534 = arith.constant 0 : i32
      %add3A_535 = arith.addi %mul3A_533, %add3A_534 : i32
      %get3A_536 = arith.constant 1 : i32
      %get3A_537 = arith.index_cast %get3A_536 : i32 to index
      %get3A_538 = arith.index_cast %add3A_535 : i32 to index
      %get3A_539 = arith.constant 32 : index
      %get3A_540 = tpu.vector_load %arg11[%get3A_537, %get3A_538, %get3A_539] {strides = array<i32>} : memref<2x128x64xf32, #tpu.memory_space<vmem>>, vector<1x1x16xf32>,
      %get3A_541 = vector.shape_cast %get3A_540 : vector<1x1x16xf32> to vector<16xf32>
      %mul3A_542 = arith.constant 2 : i32
      %mul3A_543 = arith.muli %mul3A_542, %scan3A_447 : i32
      %add3A_544 = arith.constant 0 : i32
      %add3A_545 = arith.addi %mul3A_543, %add3A_544 : i32
      %get3A_546 = arith.constant 1 : i32
      %get3A_547 = arith.index_cast %get3A_546 : i32 to index
      %get3A_548 = arith.index_cast %add3A_545 : i32 to index
      %get3A_549 = arith.constant 32 : index
      %get3A_550 = tpu.vector_load %arg12[%get3A_547, %get3A_548, %get3A_549] {strides = array<i32>} : memref<2x128x64xf32, #tpu.memory_space<vmem>>, vector<1x1x16xf32>,
      %get3A_551 = vector.shape_cast %get3A_550 : vector<1x1x16xf32> to vector<16xf32>
      %add3A_552 = arith.addf %get3A_541, %get3A_551 : vector<16xf32>
      %mul3A_553 = arith.constant 2 : i32
      %mul3A_554 = arith.muli %mul3A_553, %scan3A_447 : i32
      %add3A_555 = arith.constant 0 : i32
      %add3A_556 = arith.addi %mul3A_554, %add3A_555 : i32
      %get3A_557 = arith.constant 1 : i32
      %get3A_558 = arith.index_cast %get3A_557 : i32 to index
      %get3A_559 = arith.index_cast %add3A_556 : i32 to index
      %get3A_560 = arith.constant 32 : index
      %get3A_561 = tpu.vector_load %arg13[%get3A_558, %get3A_559, %get3A_560] {strides = array<i32>} : memref<2x128x64xf32, #tpu.memory_space<vmem>>, vector<1x1x16xf32>,
      %get3A_562 = vector.shape_cast %get3A_561 : vector<1x1x16xf32> to vector<16xf32>
      %sub3A_563 = arith.subf %add3A_552, %get3A_562 : vector<16xf32>
      %mul3A_564 = arith.constant 2 : i32
      %mul3A_565 = arith.muli %mul3A_564, %scan3A_447 : i32
      %add3A_566 = arith.constant 0 : i32
      %add3A_567 = arith.addi %mul3A_565, %add3A_566 : i32
      %swap3A_568 = arith.constant 1 : i32
      %swap3A_569 = arith.index_cast %swap3A_568 : i32 to index
      %swap3A_570 = arith.index_cast %add3A_567 : i32 to index
      %swap3A_571 = arith.constant 32 : index
      %swap3A_572 = tpu.vector_load %arg11[%swap3A_569, %swap3A_570, %swap3A_571] {strides = array<i32>} : memref<2x128x64xf32, #tpu.memory_space<vmem>>, vector<1x1x16xf32>,
      %swap3A_573 = vector.shape_cast %swap3A_572 : vector<1x1x16xf32> to vector<16xf32>
      %swap3A_574 = vector.shape_cast %sub3A_563 : vector<16xf32> to vector<1x1x16xf32>
      tpu.vector_store %arg11[%swap3A_569, %swap3A_570, %swap3A_571], %swap3A_574 {strides = array<i32>} : memref<2x128x64xf32, #tpu.memory_space<vmem>>, vector<1x1x16xf32>,
      %mul3A_575 = arith.constant 2 : i32
      %mul3A_576 = arith.muli %mul3A_575, %scan3A_447 : i32
      %add3A_577 = arith.constant 0 : i32
      %add3A_578 = arith.addi %mul3A_576, %add3A_577 : i32
      %get3A_579 = arith.constant 1 : i32
      %get3A_580 = arith.index_cast %get3A_579 : i32 to index
      %get3A_581 = arith.index_cast %add3A_578 : i32 to index
      %get3A_582 = arith.constant 48 : index
      %get3A_583 = tpu.vector_load %arg11[%get3A_580, %get3A_581, %get3A_582] {strides = array<i32>} : memref<2x128x64xf32, #tpu.memory_space<vmem>>, vector<1x1x16xf32>,
      %get3A_584 = vector.shape_cast %get3A_583 : vector<1x1x16xf32> to vector<16xf32>
      %mul3A_585 = arith.constant 2 : i32
      %mul3A_586 = arith.muli %mul3A_585, %scan3A_447 : i32
      %add3A_587 = arith.constant 0 : i32
      %add3A_588 = arith.addi %mul3A_586, %add3A_587 : i32
      %get3A_589 = arith.constant 1 : i32
      %get3A_590 = arith.index_cast %get3A_589 : i32 to index
      %get3A_591 = arith.index_cast %add3A_588 : i32 to index
      %get3A_592 = arith.constant 48 : index
      %get3A_593 = tpu.vector_load %arg12[%get3A_590, %get3A_591, %get3A_592] {strides = array<i32>} : memref<2x128x64xf32, #tpu.memory_space<vmem>>, vector<1x1x16xf32>,
      %get3A_594 = vector.shape_cast %get3A_593 : vector<1x1x16xf32> to vector<16xf32>
      %add3A_595 = arith.addf %get3A_584, %get3A_594 : vector<16xf32>
      %mul3A_596 = arith.constant 2 : i32
      %mul3A_597 = arith.muli %mul3A_596, %scan3A_447 : i32
      %add3A_598 = arith.constant 0 : i32
      %add3A_599 = arith.addi %mul3A_597, %add3A_598 : i32
      %get3A_600 = arith.constant 1 : i32
      %get3A_601 = arith.index_cast %get3A_600 : i32 to index
      %get3A_602 = arith.index_cast %add3A_599 : i32 to index
      %get3A_603 = arith.constant 48 : index
      %get3A_604 = tpu.vector_load %arg13[%get3A_601, %get3A_602, %get3A_603] {strides = array<i32>} : memref<2x128x64xf32, #tpu.memory_space<vmem>>, vector<1x1x16xf32>,
      %get3A_605 = vector.shape_cast %get3A_604 : vector<1x1x16xf32> to vector<16xf32>
      %sub3A_606 = arith.subf %add3A_595, %get3A_605 : vector<16xf32>
      %mul3A_607 = arith.constant 2 : i32
      %mul3A_608 = arith.muli %mul3A_607, %scan3A_447 : i32
      %add3A_609 = arith.constant 0 : i32
      %add3A_610 = arith.addi %mul3A_608, %add3A_609 : i32
      %swap3A_611 = arith.constant 1 : i32
      %swap3A_612 = arith.index_cast %swap3A_611 : i32 to index
      %swap3A_613 = arith.index_cast %add3A_610 : i32 to index
      %swap3A_614 = arith.constant 48 : index
      %swap3A_615 = tpu.vector_load %arg11[%swap3A_612, %swap3A_613, %swap3A_614] {strides = array<i32>} : memref<2x128x64xf32, #tpu.memory_space<vmem>>, vector<1x1x16xf32>,
      %swap3A_616 = vector.shape_cast %swap3A_615 : vector<1x1x16xf32> to vector<16xf32>
      %swap3A_617 = vector.shape_cast %sub3A_606 : vector<16xf32> to vector<1x1x16xf32>
      tpu.vector_store %arg11[%swap3A_612, %swap3A_613, %swap3A_614], %swap3A_617 {strides = array<i32>} : memref<2x128x64xf32, #tpu.memory_space<vmem>>, vector<1x1x16xf32>,
      %mul3A_618 = arith.constant 2 : i32
      %mul3A_619 = arith.muli %mul3A_618, %scan3A_447 : i32
      %add3A_620 = arith.constant 1 : i32
      %add3A_621 = arith.addi %mul3A_619, %add3A_620 : i32
      %get3A_622 = arith.constant 1 : i32
      %get3A_623 = arith.index_cast %get3A_622 : i32 to index
      %get3A_624 = arith.index_cast %add3A_621 : i32 to index
      %get3A_625 = arith.constant 0 : index
      %get3A_626 = tpu.vector_load %arg11[%get3A_623, %get3A_624, %get3A_625] {strides = array<i32>} : memref<2x128x64xf32, #tpu.memory_space<vmem>>, vector<1x1x16xf32>,
      %get3A_627 = vector.shape_cast %get3A_626 : vector<1x1x16xf32> to vector<16xf32>
      %mul3A_628 = arith.constant 2 : i32
      %mul3A_629 = arith.muli %mul3A_628, %scan3A_447 : i32
      %add3A_630 = arith.constant 1 : i32
      %add3A_631 = arith.addi %mul3A_629, %add3A_630 : i32
      %get3A_632 = arith.constant 1 : i32
      %get3A_633 = arith.index_cast %get3A_632 : i32 to index
      %get3A_634 = arith.index_cast %add3A_631 : i32 to index
      %get3A_635 = arith.constant 0 : index
      %get3A_636 = tpu.vector_load %arg12[%get3A_633, %get3A_634, %get3A_635] {strides = array<i32>} : memref<2x128x64xf32, #tpu.memory_space<vmem>>, vector<1x1x16xf32>,
      %get3A_637 = vector.shape_cast %get3A_636 : vector<1x1x16xf32> to vector<16xf32>
      %add3A_638 = arith.addf %get3A_627, %get3A_637 : vector<16xf32>
      %mul3A_639 = arith.constant 2 : i32
      %mul3A_640 = arith.muli %mul3A_639, %scan3A_447 : i32
      %add3A_641 = arith.constant 1 : i32
      %add3A_642 = arith.addi %mul3A_640, %add3A_641 : i32
      %get3A_643 = arith.constant 1 : i32
      %get3A_644 = arith.index_cast %get3A_643 : i32 to index
      %get3A_645 = arith.index_cast %add3A_642 : i32 to index
      %get3A_646 = arith.constant 0 : index
      %get3A_647 = tpu.vector_load %arg13[%get3A_644, %get3A_645, %get3A_646] {strides = array<i32>} : memref<2x128x64xf32, #tpu.memory_space<vmem>>, vector<1x1x16xf32>,
      %get3A_648 = vector.shape_cast %get3A_647 : vector<1x1x16xf32> to vector<16xf32>
      %sub3A_649 = arith.subf %add3A_638, %get3A_648 : vector<16xf32>
      %mul3A_650 = arith.constant 2 : i32
      %mul3A_651 = arith.muli %mul3A_650, %scan3A_447 : i32
      %add3A_652 = arith.constant 1 : i32
      %add3A_653 = arith.addi %mul3A_651, %add3A_652 : i32
      %swap3A_654 = arith.constant 1 : i32
      %swap3A_655 = arith.index_cast %swap3A_654 : i32 to index
      %swap3A_656 = arith.index_cast %add3A_653 : i32 to index
      %swap3A_657 = arith.constant 0 : index
      %swap3A_658 = tpu.vector_load %arg11[%swap3A_655, %swap3A_656, %swap3A_657] {strides = array<i32>} : memref<2x128x64xf32, #tpu.memory_space<vmem>>, vector<1x1x16xf32>,
      %swap3A_659 = vector.shape_cast %swap3A_658 : vector<1x1x16xf32> to vector<16xf32>
      %swap3A_660 = vector.shape_cast %sub3A_649 : vector<16xf32> to vector<1x1x16xf32>
      tpu.vector_store %arg11[%swap3A_655, %swap3A_656, %swap3A_657], %swap3A_660 {strides = array<i32>} : memref<2x128x64xf32, #tpu.memory_space<vmem>>, vector<1x1x16xf32>,
      %mul3A_661 = arith.constant 2 : i32
      %mul3A_662 = arith.muli %mul3A_661, %scan3A_447 : i32
      %add3A_663 = arith.constant 1 : i32
      %add3A_664 = arith.addi %mul3A_662, %add3A_663 : i32
      %get3A_665 = arith.constant 1 : i32
      %get3A_666 = arith.index_cast %get3A_665 : i32 to index
      %get3A_667 = arith.index_cast %add3A_664 : i32 to index
      %get3A_668 = arith.constant 16 : index
      %get3A_669 = tpu.vector_load %arg11[%get3A_666, %get3A_667, %get3A_668] {strides = array<i32>} : memref<2x128x64xf32, #tpu.memory_space<vmem>>, vector<1x1x16xf32>,
      %get3A_670 = vector.shape_cast %get3A_669 : vector<1x1x16xf32> to vector<16xf32>
      %mul3A_671 = arith.constant 2 : i32
      %mul3A_672 = arith.muli %mul3A_671, %scan3A_447 : i32
      %add3A_673 = arith.constant 1 : i32
      %add3A_674 = arith.addi %mul3A_672, %add3A_673 : i32
      %get3A_675 = arith.constant 1 : i32
      %get3A_676 = arith.index_cast %get3A_675 : i32 to index
      %get3A_677 = arith.index_cast %add3A_674 : i32 to index
      %get3A_678 = arith.constant 16 : index
      %get3A_679 = tpu.vector_load %arg12[%get3A_676, %get3A_677, %get3A_678] {strides = array<i32>} : memref<2x128x64xf32, #tpu.memory_space<vmem>>, vector<1x1x16xf32>,
      %get3A_680 = vector.shape_cast %get3A_679 : vector<1x1x16xf32> to vector<16xf32>
      %add3A_681 = arith.addf %get3A_670, %get3A_680 : vector<16xf32>
      %mul3A_682 = arith.constant 2 : i32
      %mul3A_683 = arith.muli %mul3A_682, %scan3A_447 : i32
      %add3A_684 = arith.constant 1 : i32
      %add3A_685 = arith.addi %mul3A_683, %add3A_684 : i32
      %get3A_686 = arith.constant 1 : i32
      %get3A_687 = arith.index_cast %get3A_686 : i32 to index
      %get3A_688 = arith.index_cast %add3A_685 : i32 to index
      %get3A_689 = arith.constant 16 : index
      %get3A_690 = tpu.vector_load %arg13[%get3A_687, %get3A_688, %get3A_689] {strides = array<i32>} : memref<2x128x64xf32, #tpu.memory_space<vmem>>, vector<1x1x16xf32>,
      %get3A_691 = vector.shape_cast %get3A_690 : vector<1x1x16xf32> to vector<16xf32>
      %sub3A_692 = arith.subf %add3A_681, %get3A_691 : vector<16xf32>
      %mul3A_693 = arith.constant 2 : i32
      %mul3A_694 = arith.muli %mul3A_693, %scan3A_447 : i32
      %add3A_695 = arith.constant 1 : i32
      %add3A_696 = arith.addi %mul3A_694, %add3A_695 : i32
      %swap3A_697 = arith.constant 1 : i32
      %swap3A_698 = arith.index_cast %swap3A_697 : i32 to index
      %swap3A_699 = arith.index_cast %add3A_696 : i32 to index
      %swap3A_700 = arith.constant 16 : index
      %swap3A_701 = tpu.vector_load %arg11[%swap3A_698, %swap3A_699, %swap3A_700] {strides = array<i32>} : memref<2x128x64xf32, #tpu.memory_space<vmem>>, vector<1x1x16xf32>,
      %swap3A_702 = vector.shape_cast %swap3A_701 : vector<1x1x16xf32> to vector<16xf32>
      %swap3A_703 = vector.shape_cast %sub3A_692 : vector<16xf32> to vector<1x1x16xf32>
      tpu.vector_store %arg11[%swap3A_698, %swap3A_699, %swap3A_700], %swap3A_703 {strides = array<i32>} : memref<2x128x64xf32, #tpu.memory_space<vmem>>, vector<1x1x16xf32>,
      %mul3A_704 = arith.constant 2 : i32
      %mul3A_705 = arith.muli %mul3A_704, %scan3A_447 : i32
      %add3A_706 = arith.constant 1 : i32
      %add3A_707 = arith.addi %mul3A_705, %add3A_706 : i32
      %get3A_708 = arith.constant 1 : i32
      %get3A_709 = arith.index_cast %get3A_708 : i32 to index
      %get3A_710 = arith.index_cast %add3A_707 : i32 to index
      %get3A_711 = arith.constant 32 : index
      %get3A_712 = tpu.vector_load %arg11[%get3A_709, %get3A_710, %get3A_711] {strides = array<i32>} : memref<2x128x64xf32, #tpu.memory_space<vmem>>, vector<1x1x16xf32>,
      %get3A_713 = vector.shape_cast %get3A_712 : vector<1x1x16xf32> to vector<16xf32>
      %mul3A_714 = arith.constant 2 : i32
      %mul3A_715 = arith.muli %mul3A_714, %scan3A_447 : i32
      %add3A_716 = arith.constant 1 : i32
      %add3A_717 = arith.addi %mul3A_715, %add3A_716 : i32
      %get3A_718 = arith.constant 1 : i32
      %get3A_719 = arith.index_cast %get3A_718 : i32 to index
      %get3A_720 = arith.index_cast %add3A_717 : i32 to index
      %get3A_721 = arith.constant 32 : index
      %get3A_722 = tpu.vector_load %arg12[%get3A_719, %get3A_720, %get3A_721] {strides = array<i32>} : memref<2x128x64xf32, #tpu.memory_space<vmem>>, vector<1x1x16xf32>,
      %get3A_723 = vector.shape_cast %get3A_722 : vector<1x1x16xf32> to vector<16xf32>
      %add3A_724 = arith.addf %get3A_713, %get3A_723 : vector<16xf32>
      %mul3A_725 = arith.constant 2 : i32
      %mul3A_726 = arith.muli %mul3A_725, %scan3A_447 : i32
      %add3A_727 = arith.constant 1 : i32
      %add3A_728 = arith.addi %mul3A_726, %add3A_727 : i32
      %get3A_729 = arith.constant 1 : i32
      %get3A_730 = arith.index_cast %get3A_729 : i32 to index
      %get3A_731 = arith.index_cast %add3A_728 : i32 to index
      %get3A_732 = arith.constant 32 : index
      %get3A_733 = tpu.vector_load %arg13[%get3A_730, %get3A_731, %get3A_732] {strides = array<i32>} : memref<2x128x64xf32, #tpu.memory_space<vmem>>, vector<1x1x16xf32>,
      %get3A_734 = vector.shape_cast %get3A_733 : vector<1x1x16xf32> to vector<16xf32>
      %sub3A_735 = arith.subf %add3A_724, %get3A_734 : vector<16xf32>
      %mul3A_736 = arith.constant 2 : i32
      %mul3A_737 = arith.muli %mul3A_736, %scan3A_447 : i32
      %add3A_738 = arith.constant 1 : i32
      %add3A_739 = arith.addi %mul3A_737, %add3A_738 : i32
      %swap3A_740 = arith.constant 1 : i32
      %swap3A_741 = arith.index_cast %swap3A_740 : i32 to index
      %swap3A_742 = arith.index_cast %add3A_739 : i32 to index
      %swap3A_743 = arith.constant 32 : index
      %swap3A_744 = tpu.vector_load %arg11[%swap3A_741, %swap3A_742, %swap3A_743] {strides = array<i32>} : memref<2x128x64xf32, #tpu.memory_space<vmem>>, vector<1x1x16xf32>,
      %swap3A_745 = vector.shape_cast %swap3A_744 : vector<1x1x16xf32> to vector<16xf32>
      %swap3A_746 = vector.shape_cast %sub3A_735 : vector<16xf32> to vector<1x1x16xf32>
      tpu.vector_store %arg11[%swap3A_741, %swap3A_742, %swap3A_743], %swap3A_746 {strides = array<i32>} : memref<2x128x64xf32, #tpu.memory_space<vmem>>, vector<1x1x16xf32>,
      %mul3A_747 = arith.constant 2 : i32
      %mul3A_748 = arith.muli %mul3A_747, %scan3A_447 : i32
      %add3A_749 = arith.constant 1 : i32
      %add3A_750 = arith.addi %mul3A_748, %add3A_749 : i32
      %get3A_751 = arith.constant 1 : i32
      %get3A_752 = arith.index_cast %get3A_751 : i32 to index
      %get3A_753 = arith.index_cast %add3A_750 : i32 to index
      %get3A_754 = arith.constant 48 : index
      %get3A_755 = tpu.vector_load %arg11[%get3A_752, %get3A_753, %get3A_754] {strides = array<i32>} : memref<2x128x64xf32, #tpu.memory_space<vmem>>, vector<1x1x16xf32>,
      %get3A_756 = vector.shape_cast %get3A_755 : vector<1x1x16xf32> to vector<16xf32>
      %mul3A_757 = arith.constant 2 : i32
      %mul3A_758 = arith.muli %mul3A_757, %scan3A_447 : i32
      %add3A_759 = arith.constant 1 : i32
      %add3A_760 = arith.addi %mul3A_758, %add3A_759 : i32
      %get3A_761 = arith.constant 1 : i32
      %get3A_762 = arith.index_cast %get3A_761 : i32 to index
      %get3A_763 = arith.index_cast %add3A_760 : i32 to index
      %get3A_764 = arith.constant 48 : index
      %get3A_765 = tpu.vector_load %arg12[%get3A_762, %get3A_763, %get3A_764] {strides = array<i32>} : memref<2x128x64xf32, #tpu.memory_space<vmem>>, vector<1x1x16xf32>,
      %get3A_766 = vector.shape_cast %get3A_765 : vector<1x1x16xf32> to vector<16xf32>
      %add3A_767 = arith.addf %get3A_756, %get3A_766 : vector<16xf32>
      %mul3A_768 = arith.constant 2 : i32
      %mul3A_769 = arith.muli %mul3A_768, %scan3A_447 : i32
      %add3A_770 = arith.constant 1 : i32
      %add3A_771 = arith.addi %mul3A_769, %add3A_770 : i32
      %get3A_772 = arith.constant 1 : i32
      %get3A_773 = arith.index_cast %get3A_772 : i32 to index
      %get3A_774 = arith.index_cast %add3A_771 : i32 to index
      %get3A_775 = arith.constant 48 : index
      %get3A_776 = tpu.vector_load %arg13[%get3A_773, %get3A_774, %get3A_775] {strides = array<i32>} : memref<2x128x64xf32, #tpu.memory_space<vmem>>, vector<1x1x16xf32>,
      %get3A_777 = vector.shape_cast %get3A_776 : vector<1x1x16xf32> to vector<16xf32>
      %sub3A_778 = arith.subf %add3A_767, %get3A_777 : vector<16xf32>
      %mul3A_779 = arith.constant 2 : i32
      %mul3A_780 = arith.muli %mul3A_779, %scan3A_447 : i32
      %add3A_781 = arith.constant 1 : i32
      %add3A_782 = arith.addi %mul3A_780, %add3A_781 : i32
      %swap3A_783 = arith.constant 1 : i32
      %swap3A_784 = arith.index_cast %swap3A_783 : i32 to index
      %swap3A_785 = arith.index_cast %add3A_782 : i32 to index
      %swap3A_786 = arith.constant 48 : index
      %swap3A_787 = tpu.vector_load %arg11[%swap3A_784, %swap3A_785, %swap3A_786] {strides = array<i32>} : memref<2x128x64xf32, #tpu.memory_space<vmem>>, vector<1x1x16xf32>,
      %swap3A_788 = vector.shape_cast %swap3A_787 : vector<1x1x16xf32> to vector<16xf32>
      %swap3A_789 = vector.shape_cast %sub3A_778 : vector<16xf32> to vector<1x1x16xf32>
      tpu.vector_store %arg11[%swap3A_784, %swap3A_785, %swap3A_786], %swap3A_789 {strides = array<i32>} : memref<2x128x64xf32, #tpu.memory_space<vmem>>, vector<1x1x16xf32>,
      %scan3A_790 = arith.constant 0 : i32
      scf.yield %scan3A_790 : i32
    }
    %scan3A_405 = arith.constant 64 : i32
    %add3A_406 = arith.constant 384 : i32
    %add3A_407 = arith.addi %mul3A_2, %add3A_406 : i32
    %dma_start3A_408 = arith.constant 1 : i32
    %dma_start3A_409 = arith.constant 0 : i32
    %dma_start3A_410 = arith.constant 0 : i32
    %dma_start3A_411 = tpu.memref_slice %arg11[%dma_start3A_408, %dma_start3A_409, %dma_start3A_410] : memref<2x128x64xf32, #tpu.memory_space<vmem>> -> memref<1x128x64xf32, #tpu.memory_space<vmem>>
    %dma_start3A_412 = tpu.memref_squeeze %dma_start3A_411 : memref<1x128x64xf32, #tpu.memory_space<vmem>> -> memref<128x64xf32, #tpu.memory_space<vmem>>
    %dma_start3A_413 = arith.constant 0 : i32
    %dma_start3A_414 = tpu.memref_slice %arg7[%add3A_407, %dma_start3A_413] : memref<16384x64xf32, #tpu.memory_space<hbm>> -> memref<128x64xf32, #tpu.memory_space<hbm>>
    %dma_start3A_415 = arith.constant 0 : i32
    %dma_start3A_416 = tpu.memref_slice %arg7[%add3A_407, %dma_start3A_415] : memref<16384x64xf32, #tpu.memory_space<hbm>> -> memref<128x64xf32, #tpu.memory_space<hbm>>
    %dma_start3A_417 = arith.constant 0 : i32
    %dma_start3A_418 = arith.constant 0 : i32
    %dma_start3A_419 = tpu.memref_slice %arg11[%dma_start3A_408, %dma_start3A_417, %dma_start3A_418] : memref<2x128x64xf32, #tpu.memory_space<vmem>> -> memref<1x128x64xf32, #tpu.memory_space<vmem>>
    %dma_start3A_420 = tpu.memref_squeeze %dma_start3A_419 : memref<1x128x64xf32, #tpu.memory_space<vmem>> -> memref<128x64xf32, #tpu.memory_space<vmem>>
    tpu.enqueue_dma source(%dma_start3A_420 : memref<128x64xf32, #tpu.memory_space<vmem>>) target(%dma_start3A_416 : memref<128x64xf32, #tpu.memory_space<hbm>>) target_semaphore(%arg15 : memref<!tpu.dma_semaphore, #tpu.memory_space<semaphore_mem>>)
    %dma_wait3A_421 = arith.constant 0 : i32
    %dma_wait3A_422 = arith.constant 0 : i32
    %dma_wait3A_423 = arith.constant 0 : i32
    %dma_wait3A_424 = tpu.memref_slice %arg11[%dma_wait3A_421, %dma_wait3A_422, %dma_wait3A_423] : memref<2x128x64xf32, #tpu.memory_space<vmem>> -> memref<1x128x64xf32, #tpu.memory_space<vmem>>
    %dma_wait3A_425 = tpu.memref_squeeze %dma_wait3A_424 : memref<1x128x64xf32, #tpu.memory_space<vmem>> -> memref<128x64xf32, #tpu.memory_space<vmem>>
    %dma_wait3A_426 = arith.constant 0 : i32
    %dma_wait3A_427 = tpu.memref_slice %arg7[%add3A_349, %dma_wait3A_426] : memref<16384x64xf32, #tpu.memory_space<hbm>> -> memref<128x64xf32, #tpu.memory_space<hbm>>
    %dma_wait3A_428 = arith.constant 0 : i32
    %dma_wait3A_429 = tpu.memref_slice %arg7[%add3A_349, %dma_wait3A_428] : memref<16384x64xf32, #tpu.memory_space<hbm>> -> memref<128x64xf32, #tpu.memory_space<hbm>>
    %dma_wait3A_430 = arith.constant 0 : i32
    %dma_wait3A_431 = arith.constant 0 : i32
    %dma_wait3A_432 = tpu.memref_slice %arg11[%dma_wait3A_421, %dma_wait3A_430, %dma_wait3A_431] : memref<2x128x64xf32, #tpu.memory_space<vmem>> -> memref<1x128x64xf32, #tpu.memory_space<vmem>>
    %dma_wait3A_433 = tpu.memref_squeeze %dma_wait3A_432 : memref<1x128x64xf32, #tpu.memory_space<vmem>> -> memref<128x64xf32, #tpu.memory_space<vmem>>
    tpu.wait_dma2 semaphore(%arg15 : memref<!tpu.dma_semaphore, #tpu.memory_space<semaphore_mem>>) src(%dma_wait3A_433 : memref<128x64xf32, #tpu.memory_space<vmem>>) dst(%dma_wait3A_429 : memref<128x64xf32, #tpu.memory_space<hbm>>)
    %dma_wait3A_434 = arith.constant 1 : i32
    %dma_wait3A_435 = arith.constant 0 : i32
    %dma_wait3A_436 = arith.constant 0 : i32
    %dma_wait3A_437 = tpu.memref_slice %arg11[%dma_wait3A_434, %dma_wait3A_435, %dma_wait3A_436] : memref<2x128x64xf32, #tpu.memory_space<vmem>> -> memref<1x128x64xf32, #tpu.memory_space<vmem>>
    %dma_wait3A_438 = tpu.memref_squeeze %dma_wait3A_437 : memref<1x128x64xf32, #tpu.memory_space<vmem>> -> memref<128x64xf32, #tpu.memory_space<vmem>>
    %dma_wait3A_439 = arith.constant 0 : i32
    %dma_wait3A_440 = tpu.memref_slice %arg7[%add3A_407, %dma_wait3A_439] : memref<16384x64xf32, #tpu.memory_space<hbm>> -> memref<128x64xf32, #tpu.memory_space<hbm>>
    %dma_wait3A_441 = arith.constant 0 : i32
    %dma_wait3A_442 = tpu.memref_slice %arg7[%add3A_407, %dma_wait3A_441] : memref<16384x64xf32, #tpu.memory_space<hbm>> -> memref<128x64xf32, #tpu.memory_space<hbm>>
    %dma_wait3A_443 = arith.constant 0 : i32
    %dma_wait3A_444 = arith.constant 0 : i32
    %dma_wait3A_445 = tpu.memref_slice %arg11[%dma_wait3A_434, %dma_wait3A_443, %dma_wait3A_444] : memref<2x128x64xf32, #tpu.memory_space<vmem>> -> memref<1x128x64xf32, #tpu.memory_space<vmem>>
    %dma_wait3A_446 = tpu.memref_squeeze %dma_wait3A_445 : memref<1x128x64xf32, #tpu.memory_space<vmem>> -> memref<128x64xf32, #tpu.memory_space<vmem>>
    tpu.wait_dma2 semaphore(%arg15 : memref<!tpu.dma_semaphore, #tpu.memory_space<semaphore_mem>>) src(%dma_wait3A_446 : memref<128x64xf32, #tpu.memory_space<vmem>>) dst(%dma_wait3A_442 : memref<128x64xf32, #tpu.memory_space<hbm>>)
    return
  }
}

</mosaic_0001>

<sc_bundles>
// kernel: kernel.3.cloned.1.call-start
scs
__scs_entry_jumppad:
0x0: {  	(pc) =	sbr.rel $0x88, $3  }
0x1: {  	(tag) =	ssettag $0x0;
	lr =	simm.s32 $0x1  }
0x2: {  	[smem:$0x3F9C] =	sst lr;
	_ =	strace $0xD0000000  }
0x3: {  	_ = 	snop  }
0x4: {  	_ = 	snop  }
0x5: {  	_ = 	snop  }
0x6: {  	_ = 	snop  }
0x7: {  	_ = 	snop  }
__scs_overlays_trampoline_lowered:
0x8: {  	[smem:$0x3FAB] =	sst s0  }
0x9: {  	[smem:$0x3FAC] =	sst s1  }
0xa: {  	[smem:$0x3FAD] =	sst s2  }
0xb: {  	[smem:$0x3FAE] =	sst s3  }
0xc: {  	[smem:$0x3FAF] =	sst s4  }
0xd: {  	[smem:$0x3FB0] =	sst s5  }
0xe: {  	[smem:$0x3FB1] =	sst s6  }
0xf: {  	[smem:$0x3FB2] =	sst s7  }
0x10: {  	[smem:$0x3FB3] =	sst s8  }
0x11: {  	[smem:$0x3FB4] =	sst s9;
	s0 =	simm.s32 @!p0 $0x0  }
0x12: {  	s1 =	sld [smem:$0x3F9A];
	s0 =	simm.s32 @p0 $0x1  }
0x13: {  	[smem:$0x3FB5] =	sst s0;
	s0 =	simm.s32 @!p1 $0x0  }
0x14: {  	s2 =	sld [smem:$0x3F99];
	s0 =	simm.s32 @p1 $0x1  }
0x15: {  	[smem:$0x3FB6] =	sst s0;
	s0 =	simm.s32 @!p2 $0x0  }
0x16: {  	s3 =	sld [smem:$0x3FDB];
	s0 =	simm.s32 @p2 $0x1  }
0x17: {  	s4 =	simm.s32 $0x1BF5;
	[smem:$0x3FB8] =	sst s0  }
0x18: {  	s0 =	sld [smem:$0x3F9B];
	_ =	swait.ge [sflag:s4], $0x0  }
0x19: {  	s7 =	sld [smem:$0x3F9C]  }
0x1a: {  	s8 =	sadd.s32 $0xFFFFE003, lr  }
0x1b: {  	s9 =	sadd.s32 $0xFFFFFEF7, lr;
	s5 =	simm.s32 $0xFFFFFFFF;
	p2 =	slt.u32 s8, $0xFFFFF086  }
0x1c: {  	p1 =	slt.u32 s9, $0xF7A;
	s5 =	simm.s32 @!p2 $0x0  }
0x1d: {  	s5 =	simm.s32 @p1 $0x1;
	p0 =	seq.s32 s7, s2  }
0x1e: {  	s7 =	smul.u32 @!p0 $0xF7A, s2;
	p2 =	seq.s32 @!p0 s5, $0x0  }
0x1f: {  	s9 =	smul.u32 $0xF7A, s1;
	s8 =	simm.s32 @!p0 $0x1BF5;
	p2 =	por !p2, p0  }
0x20: {  	[sflag:s8] =	ssyncset.s32 @!p0 $0xFFFFF086;
	s6 =	sadd.s32 @!p0 s3, s7;
	s7 =	simm.s32 @!p0 $0x108  }
0x21: {  	s3 =	sadd.s32 s3, s9;
	s6 =	sadd.s32 @!p0 $0x88, s6;
	s7 =	simm.s32 @p2 $0x1082  }
0x22: {  	[simem:s7], [sflag:s8] =	dma.local @!p0 [hbm:s6], $0xF7A  }
0x23: {  	s9 =	sor.u32 $0xD0000000, s2;
	s6 =	simm.s32 $0x108;
	_ =	swait.ge @!p0 [sflag:s8], $0x0  }
0x24: {  	s3 =	sadd.s32 $0x88, s3;
	s6 =	simm.s32 @!p1 $0x1082;
	[sflag:s4] =	ssyncset.s32 $0xFFFFF086  }
0x25: {  	[simem:s6], [sflag:s4] =	dma.local [hbm:s3], $0xF7A  }
0x26: {  	[smem:$0x3F9C] =	sst s1;
	(tag) =	ssettag s2;
	_ =	strace s9  }
0x27: {  	s1 =	sld [smem:$0x3FAC]  }
0x28: {  	s2 =	sld [smem:$0x3FAD]  }
0x29: {  	s4 =	sld [smem:$0x3FAF]  }
0x2a: {  	p0 =	seq.s32 s5, $0x0;
	s5 =	sld [smem:$0x3FB0]  }
0x2b: {  	s6 =	sld [smem:$0x3FB1]  }
0x2c: {  	s7 =	sld [smem:$0x3FB2]  }
0x2d: {  	s3 =	simm.s32 $0x108;
	s8 =	sld [smem:$0x3FB3]  }
0x2e: {  	s3 =	simm.s32 @!p0 $0x1082;
	s9 =	sld [smem:$0x3FB4]  }
0x2f: {  	lr =	sadd.s32 s0, s3;
	s0 =	sld [smem:$0x3FAB]  }
0x30: {  	s3 =	sld [smem:$0x3FAE]  }
0x31: {  	[smem:$0x3FB7] =	sst s10  }
0x32: {  	s10 =	sld [smem:$0x3FB5];
	_ =	sdelay $0x3  }
0x33: {  	p0 =	seq.s32 s10, $0x1;
	s10 =	sld [smem:$0x3FB7];
	_ =	sdelay $0x3  }
0x34: {  	[smem:$0x3FB7] =	sst s10  }
0x35: {  	s10 =	sld [smem:$0x3FB6];
	_ =	sdelay $0x3  }
0x36: {  	p1 =	seq.s32 s10, $0x1;
	s10 =	sld [smem:$0x3FB7];
	_ =	sdelay $0x3  }
0x37: {  	[smem:$0x3FB7] =	sst s10  }
0x38: {  	s10 =	sld [smem:$0x3FB8]  }
0x39: {  	_ = 	snop;
	(pc) =	sbr.ind lr, $3  }
0x3a: {  	_ = 	snop  }
0x3b: {  	_ = 	snop  }
0x3c: {  	p2 =	seq.s32 s10, $0x1;
	s10 =	sld [smem:$0x3FB7]  }
0x3d: {  	_ =	shalt  }
0x3e: {  	_ =	shalt  }
0x3f: {  	_ =	shalt  }
0x40: {  	_ =	shalt  }
0x41: {  	_ =	shalt  }
0x42: {  	_ =	shalt  }
0x43: {  	_ =	shalt  }
0x44: {  	_ =	shalt  }
0x45: {  	_ =	shalt  }
0x46: {  	_ =	shalt  }
0x47: {  	_ =	shalt  }
0x48: {  	_ =	shalt  }
0x49: {  	_ =	shalt  }
0x4a: {  	_ =	shalt  }
0x4b: {  	_ =	shalt  }
0x4c: {  	_ =	shalt  }
0x4d: {  	_ =	shalt  }
0x4e: {  	_ =	shalt  }
0x4f: {  	_ =	shalt  }
0x50: {  	_ =	shalt  }
0x51: {  	_ =	shalt  }
0x52: {  	_ =	shalt  }
0x53: {  	_ =	shalt  }
0x54: {  	_ =	shalt  }
0x55: {  	_ =	shalt  }
0x56: {  	_ =	shalt  }
0x57: {  	_ =	shalt  }
0x58: {  	_ =	shalt  }
0x59: {  	_ =	shalt  }
0x5a: {  	_ =	shalt  }
0x5b: {  	_ =	shalt  }
0x5c: {  	_ =	shalt  }
0x5d: {  	_ =	shalt  }
0x5e: {  	_ =	shalt  }
0x5f: {  	_ =	shalt  }
0x60: {  	_ =	shalt  }
0x61: {  	_ =	shalt  }
0x62: {  	_ =	shalt  }
0x63: {  	_ =	shalt  }
0x64: {  	_ =	shalt  }
0x65: {  	_ =	shalt  }
0x66: {  	_ =	shalt  }
0x67: {  	_ =	shalt  }
0x68: {  	_ =	shalt  }
0x69: {  	_ =	shalt  }
0x6a: {  	_ =	shalt  }
0x6b: {  	_ =	shalt  }
0x6c: {  	_ =	shalt  }
0x6d: {  	_ =	shalt  }
0x6e: {  	_ =	shalt  }
0x6f: {  	_ =	shalt  }
0x70: {  	_ =	shalt  }
0x71: {  	_ =	shalt  }
0x72: {  	_ =	shalt  }
0x73: {  	_ =	shalt  }
0x74: {  	_ =	shalt  }
0x75: {  	_ =	shalt  }
0x76: {  	_ =	shalt  }
0x77: {  	_ =	shalt  }
0x78: {  	_ =	shalt  }
0x79: {  	_ =	shalt  }
0x7a: {  	_ =	shalt  }
0x7b: {  	_ =	shalt  }
0x7c: {  	_ =	shalt  }
0x7d: {  	_ =	shalt  }
0x7e: {  	_ =	shalt  }
0x7f: {  	_ =	shalt  }
0x80: {  	_ =	shalt  }
0x81: {  	_ =	shalt  }
0x82: {  	_ =	shalt  }
0x83: {  	_ =	shalt  }
0x84: {  	_ =	shalt  }
0x85: {  	_ =	shalt  }
0x86: {  	_ =	shalt  }
0x87: {  	_ =	shalt  }
.Lfunc_end0:
.L_simem_size_0:
called_computation_lowered:
.L_overlay_start_0:
0x88: {  	s2 =	sld [smem:$0x3FD9]  }
0x89: {  	s3 =	sld [smem:$0x3FFE];
	_ =	sdelay $0x1  }
0x8a: {  	s1 =	srdreg.scid  }
0x8b: {  	s0 =	sand.u32 $0x1, s1  }
0x8c: {  	s17 =	sshll.u32 s0, $0xA;
	s2 =	sadd.s32 s3, s2  }
0x8d: {  	s2 =	sadd.s32 s2, s17  }
0x8e: {  	[smem:$0x3FC3] =	sst s2  }
0x8f: {  	_ = 	snop  }
0x90: {  	s2 =	sld [smem:$0x3FC9]  }
0x91: {  	s18 =	sld [smem:$0x3FC8]  }
0x92: {  	s4 =	sld [smem:$0x3FC7]  }
0x93: {  	s5 =	sld [smem:$0x3FD0];
	(tm) =	ssettm $0x1  }
0x94: {  	s6 =	sld [smem:$0x3FFB];
	_ =	sdelay $0x3  }
0x95: {  	_ =	strace s6  }
0x96: {  	s6 =	sld [smem:$0x3FFC];
	_ =	sdelay $0x3  }
0x97: {  	_ =	strace s6  }
0x98: {  	s6 =	sld [smem:$0x3FFD];
	_ =	sdelay $0x3  }
0x99: {  	_ =	strace s6  }
0x9a: {  	_ =	strace $0x8FFFFFFF  }
0x9b: {  	s19 =	sld [smem:$0x3FDB];
	_ =	sdelay $0x1  }
0x9c: {  	s7 =	simm.s32 $_scs_section_size  }
0x9d: {  	s8 =	simm.s32 $_size__tile_overlayer_lowered;
	s9 =	simm.s32 $_tile_overlayer_lowered  }
0x9e: {  	s22 =	simm.s32 $0x1BFF;
	s21 =	sshll.u32 s9, $0x1;
	s6 =	sadd.s32 s7, s19  }
0x9f: {  	s10 =	simm.s32 $0x0;
	s20 =	sshll.u32 s8, $0x1;
	s8 =	sadd.s32 s21, s6  }
0xa0: {  	[timem:s10], [sflag:s22] =	dma.local [hbm:s8], s20  }
0xa1: {  	_ =	swait.ge [sflag:s22], s20  }
0xa2: {  	s7 =	ssub.s32 $0x0, s20;
	[sflag:s22] =	ssyncset.done $0x0  }
0xa3: {  	[sflag:s22] =	ssyncadd.s32 s7;
	_ =	sdelay $0x1  }
0xa4: {  	s23 =	simm.s32 $0x1B8B  }
0xa5: {  	_ =	swait.ge [sflag:s23], $0x1  }
0xa6: {  	[sflag:s23] =	ssyncset.done $0x0  }
0xa7: {  	s25 =	simm.s32 $0x1B8E;
	s24 =	sld [smem:$0x3FFE];
	[sflag:s23] =	ssyncadd.s32 $0xFFFFFFFF  }
0xa8: {  	s26 =	simm.s32 $execute0_lowered;
	[smem:$0x3FD2] =	sst s25  }
0xa9: {  	s8 =	sshll.u32 s26, $0x1;
	_ =	strace $0x80000046;
	[dreg:$0x1] =	wrdreg $0xFFFFFFFF  }
0xaa: {  	s28 =	simm.s32 $_size_execute0_lowered;
	s6 =	sadd.s32 s6, s8;
	[dreg:$0x0] =	wrdreg $0x0  }
0xab: {  	s8 =	sshll.u32 s28, $0x1;
	[dreg:$0x2] =	wrdreg s6  }
0xac: {  	[dreg:$0x3] =	wrdreg s8  }
0xad: {  	[dreg:$0x4] =	wrdreg $0xC0  }
0xae: {  	_ =	task [dreg:s10], $0x5FFFF  }
0xaf: {  	[dreg:$0x1] =	wrdreg $0xFFFFFFFF  }
0xb0: {  	[dreg:$0x0] =	wrdreg $0x60  }
0xb1: {  	[dreg:$0x2] =	wrdreg s2  }
0xb2: {  	[dreg:$0x3] =	wrdreg s18  }
0xb3: {  	[dreg:$0x4] =	wrdreg s4  }
0xb4: {  	[dreg:$0x5] =	wrdreg s24  }
0xb5: {  	[dreg:$0x6] =	wrdreg s5  }
0xb6: {  	[dreg:$0x7] =	wrdreg $0x9  }
0xb7: {  	_ =	task.clear_ibuf [dreg:s10], $0x8FFFF;
	_ =	strace $0x90000046  }
0xb8: {  	s29 =	simm.s32 $0x9;
	_ =	strace $0x80000048  }
0xb9: {  	_ =	swait.ge [sflag:s29], $0x1  }
0xba: {  	[sflag:s29] =	ssyncadd.s32 $0xFFFFFFFF  }
0xbb: {  	_ =	strace $0x90000048  }
0xbc: {  	_ =	sfence  }
0xbd: {  	s30 =	sld [smem:$0x0];
	_ =	sdelay $0x2  }
0xbe: {  	s31 =	sshll.u32 s1, $0xD;
	s1 =	sshrl.u32 s1, $0x2  }
0xbf: {  	s3 =	sand.u32 $0x4000, s31;
	s1 =	sadd.s32 s1, s30  }
0xc0: {  	s0 =	sor.u32 s3, s0;
	s1 =	sshll.u32 s1, $0x11  }
0xc1: {  	s0 =	sor.u32 s1, s0  }
0xc2: {  	s0 =	sadd.s32 $0x8F2B, s0  }
0xc3: {  	[sflag:s0] =	ssyncadd.remote.s32 $0x1  }
0xc4: {  	_ =	sfence.sel $0xFFFF  }
0xc5: {  	[dreg:$0x0] =	wrdreg $0xFFFFFFFF;
	(pc) =	sbr.abs _section_cstart, $3  }
0xc6: {  	[dreg:$0x1] =	wrdreg $0xFFFFFFFF  }
0xc7: {  	_ =	task.clear_ibuf [dreg:s10], $0x2FFFF;
	_ =	strace $0x9FFFFFFF  }
0xc8: {  	(tm) =	ssettm $0x7FFFFFFF  }
0xc9: {  	_ =	shalt  }
tec
execute0_lowered:
.L_overlay_start_1:
0x0: {  	(tag) =	ssettag $0x1  }
0x1: {  	s0 =	rddreg [dreg:$0x0]  }
0x2: {  	s1 =	rddreg [dreg:$0x1]  }
0x3: {  	s5 =	rddreg [dreg:$0x2]  }
0x4: {  	s4 =	rddreg [dreg:$0x3]  }
0x5: {  	s6 =	rddreg [dreg:$0x4];
	s2 =	simm.s32 $0x0;
	s3 =	srdreg.scid  }
0x6: {  	s8 =	stileid.u32;
	s28 =	simm.s32 $0x480;
	s29 =	simm.s32 $0x100  }
0x7: {  	s30 =	simm.s32 $0x300;
	s31 =	simm.s32 $0x500;
	[smem:$0x7FF] =	sst s2  }
0x8: {  	s3 =	sand.u32 $0x1, s3;
	s8 =	sshll.u32 s8, $0xA;
	_ =	strace $0x80000047  }
0x9: {  	s7 =	ssub.s32 $0x2, s3;
	s9 =	sshll.u32 s3, $0x9;
	s3 =	sadd.s32 $0xF42A00, s4  }
0xa: {  	s4 =	sadd.s32 $0x600, s4;
	s10 =	sshrl.u32 s7, $0x1;
	s8 =	sor.u32 s9, s8  }
0xb: {  	s7 =	ssub.s32 s7, s10;
	s9 =	sshrl.u32 s8, $0x3;
	s14 =	sor.u32 $0x80, s8  }
0xc: {  	s11 =	sor.u32 $0x100, s8;
	s19 =	sor.u32 $0x180, s8;
	s22 =	sshll.u32 s8, $0x3  }
0xd: {  	s8 =	simm.s32 $0x4600;
	s10 =	simm.s32 $0xA600;
	s12 =	sadd.s32 s0, s9  }
0xe: {  	s13 =	sadd.s32 s1, s9;
	s9 =	sadd.s32 s5, s9;
	s15 =	sshrl.u32 s14, $0x3  }
0xf: {  	s17 =	sshrl.u32 s11, $0x3;
	s20 =	sshrl.u32 s19, $0x3;
	[dreg:$0x6] =	wrdreg s12  }
0x10: {  	s24 =	sshll.u32 s14, $0x3;
	s25 =	sshll.u32 s11, $0x3;
	[dreg:$0x7] =	wrdreg s13  }
0x11: {  	s26 =	sshll.u32 s19, $0x3;
	[dreg:$0x8] =	wrdreg s9;
	s12 =	sadd.s32 s0, s15  }
0x12: {  	s11 =	simm.s32 $0x6600;
	s16 =	sadd.s32 s1, s15;
	[dreg:$0x9] =	wrdreg s12  }
0x13: {  	s14 =	simm.s32 $0x0;
	s9 =	sadd.s32 s5, s15;
	[dreg:$0xa] =	wrdreg s16  }
0x14: {  	s18 =	sadd.s32 s0, s17;
	s13 =	sadd.s32 s1, s17;
	[dreg:$0xb] =	wrdreg s9  }
0x15: {  	s0 =	sadd.s32 s0, s20;
	s21 =	sadd.s32 s1, s20;
	[dreg:$0xc] =	wrdreg s18  }
0x16: {  	s23 =	sadd.s32 s5, s20;
	s19 =	sadd.s32 s6, s25;
	[dreg:$0xd] =	wrdreg s13  }
0x17: {  	s20 =	sadd.s32 s6, s26;
	s25 =	simm.s32 $0x80;
	[dreg:$0xf] =	wrdreg s0  }
0x18: {  	s26 =	simm.s32 $0x280;
	s1 =	simm.s32 $0x380;
	[dreg:$0x10] =	wrdreg s21  }
0x19: {  	s12 =	sadd.s32 s5, s17;
	[dreg:$0x11] =	wrdreg s23;
	s17 =	sadd.s32 s6, s22  }
0x1a: {  	s18 =	sadd.s32 s6, s24;
	s21 =	smax.u32 s7, $0x1;
	s22 =	simm.s32 $0x3  }
0x1b: {  	s24 =	simm.s32 $0x400;
	s0 =	simm.s32 $0x180;
	s5 =	simm.s32 $0x580  }
0x1c: {  	s6 =	simm.s32 $0x600;
	s7 =	simm.s32 $0x8600;
	s9 =	simm.s32 $0x2600  }
0x1d: {  	s13 =	simm.s32 $0x2;
	[dreg:$0xe] =	wrdreg s12;
	s12 =	simm.s32 $0x1  }
.LBB2_1:
0x1e: {  	s15 =	rddreg [dreg:$0x6]  }
0x1f: {  	[tilespmem:s2], [sflag:$0x3] =	stream.linear.gather [hbm4b:s15+s2], $0x80, $0x38;
	[tilespmem:$0xC600] =	vst v63  }
0x20: {  	_ =	swait.ge [sflag:s22], $0x80  }
0x21: {  	[sflag:s22] =	ssyncset.done $0x0  }
0x22: {  	s16 =	simm.s32 $0x200;
	s23 =	rddreg [dreg:$0x7];
	[sflag:s22] =	ssyncadd.s32 $0xFFFFFF80  }
0x23: {  	[tilespmem:s16], [sflag:$0x3] =	stream.linear.gather [hbm4b:s23+s2], $0x80, $0x38;
	[tilespmem:$0xC600] =	vst v63  }
0x24: {  	_ =	swait.ge [sflag:s22], $0x80  }
0x25: {  	[sflag:s22] =	ssyncset.done $0x0  }
0x26: {  	s23 =	rddreg [dreg:$0x8];
	[sflag:s22] =	ssyncadd.s32 $0xFFFFFF80  }
0x27: {  	[tilespmem:s24], [sflag:$0x3] =	stream.linear.gather [hbm4b:s23+s2], $0x80, $0x38;
	[tilespmem:$0xC600] =	vst v63  }
0x28: {  	_ =	swait.ge [sflag:s22], $0x80  }
0x29: {  	[sflag:s22] =	ssyncset.done $0x0  }
0x2a: {  	s23 =	rddreg [dreg:$0x9];
	[sflag:s22] =	ssyncadd.s32 $0xFFFFFF80  }
0x2b: {  	[tilespmem:s25], [sflag:$0x3] =	stream.linear.gather [hbm4b:s23+s2], $0x80, $0x38;
	[tilespmem:$0xC600] =	vst v63  }
0x2c: {  	_ =	swait.ge [sflag:s22], $0x80  }
0x2d: {  	[sflag:s22] =	ssyncset.done $0x0  }
0x2e: {  	s23 =	rddreg [dreg:$0xa];
	[sflag:s22] =	ssyncadd.s32 $0xFFFFFF80  }
0x2f: {  	[tilespmem:s26], [sflag:$0x3] =	stream.linear.gather [hbm4b:s23+s2], $0x80, $0x38;
	[tilespmem:$0xC600] =	vst v63  }
0x30: {  	_ =	swait.ge [sflag:s22], $0x80  }
0x31: {  	[sflag:s22] =	ssyncset.done $0x0  }
0x32: {  	s23 =	rddreg [dreg:$0xb];
	[sflag:s22] =	ssyncadd.s32 $0xFFFFFF80  }
0x33: {  	[tilespmem:s28], [sflag:$0x3] =	stream.linear.gather [hbm4b:s23+s2], $0x80, $0x38;
	[tilespmem:$0xC600] =	vst v63  }
0x34: {  	_ =	swait.ge [sflag:s22], $0x80  }
0x35: {  	[sflag:s22] =	ssyncset.done $0x0  }
0x36: {  	s23 =	rddreg [dreg:$0xc];
	[sflag:s22] =	ssyncadd.s32 $0xFFFFFF80  }
0x37: {  	[tilespmem:s29], [sflag:$0x3] =	stream.linear.gather [hbm4b:s23+s2], $0x80, $0x38;
	[tilespmem:$0xC600] =	vst v63  }
0x38: {  	_ =	swait.ge [sflag:s22], $0x80  }
0x39: {  	[sflag:s22] =	ssyncset.done $0x0  }
0x3a: {  	s23 =	rddreg [dreg:$0xd];
	[sflag:s22] =	ssyncadd.s32 $0xFFFFFF80  }
0x3b: {  	[tilespmem:s30], [sflag:$0x3] =	stream.linear.gather [hbm4b:s23+s2], $0x80, $0x38;
	[tilespmem:$0xC600] =	vst v63  }
0x3c: {  	_ =	swait.ge [sflag:s22], $0x80  }
0x3d: {  	[sflag:s22] =	ssyncset.done $0x0  }
0x3e: {  	s23 =	rddreg [dreg:$0xe];
	[sflag:s22] =	ssyncadd.s32 $0xFFFFFF80  }
0x3f: {  	[tilespmem:s31], [sflag:$0x3] =	stream.linear.gather [hbm4b:s23+s2], $0x80, $0x38;
	[tilespmem:$0xC600] =	vst v63  }
0x40: {  	_ =	swait.ge [sflag:s22], $0x80  }
0x41: {  	[sflag:s22] =	ssyncset.done $0x0  }
0x42: {  	s23 =	rddreg [dreg:$0xf];
	[sflag:s22] =	ssyncadd.s32 $0xFFFFFF80  }
0x43: {  	[tilespmem:s0], [sflag:$0x3] =	stream.linear.gather [hbm4b:s23+s2], $0x80, $0x38;
	[tilespmem:$0xC600] =	vst v63  }
0x44: {  	_ =	swait.ge [sflag:s22], $0x80  }
0x45: {  	[sflag:s22] =	ssyncset.done $0x0  }
0x46: {  	s23 =	rddreg [dreg:$0x10];
	[sflag:s22] =	ssyncadd.s32 $0xFFFFFF80  }
0x47: {  	[tilespmem:s1], [sflag:$0x3] =	stream.linear.gather [hbm4b:s23+s2], $0x80, $0x38;
	[tilespmem:$0xC600] =	vst v63  }
0x48: {  	_ =	swait.ge [sflag:s22], $0x80  }
0x49: {  	[sflag:s22] =	ssyncset.done $0x0  }
0x4a: {  	s23 =	rddreg [dreg:$0x11];
	[sflag:s22] =	ssyncadd.s32 $0xFFFFFF80  }
0x4b: {  	[tilespmem:s5], [sflag:$0x3] =	stream.linear.gather [hbm4b:s23+s2], $0x80, $0x38;
	[tilespmem:$0xC600] =	vst v63  }
0x4c: {  	_ =	swait.ge [sflag:s22], $0x80  }
0x4d: {  	[sflag:s22] =	ssyncset.done $0x0  }
0x4e: {  	[sflag:s22] =	ssyncadd.s32 $0xFFFFFF80  }
0x4f: {  	[tilespmem:s6], [sflag:$0x1] =	stream.indirect.gather [hbm4b:s3+s25], $0x40, s2, s25, $0xb8;
	[tilespmem:$0xC600] =	vst v63  }
0x50: {  	_ = 	snop  }
0x51: {  	[tilespmem:s7], [sflag:$0x1] =	stream.indirect.gather [hbm4b:s3+s25], $0x40, s24, s25, $0xb8;
	[tilespmem:$0xC600] =	vst v63  }
0x52: {  	_ = 	snop  }
0x53: {  	[tilespmem:s8], [sflag:$0x1] =	stream.indirect.gather [hbm4b:s4+s25], $0x40, s16, s25, $0xb8;
	[tilespmem:$0xC600] =	vst v63  }
0x54: {  	_ = 	snop  }
0x55: {  	[tilespmem:s9], [sflag:$0x1] =	stream.indirect.gather [hbm4b:s3+s25], $0x40, s25, s25, $0xb8;
	[tilespmem:$0xC600] =	vst v63  }
0x56: {  	_ = 	snop  }
0x57: {  	[tilespmem:s10], [sflag:$0x1] =	stream.indirect.gather [hbm4b:s3+s25], $0x40, s28, s25, $0xb8;
	[tilespmem:$0xC600] =	vst v63  }
0x58: {  	_ = 	snop  }
0x59: {  	[tilespmem:s11], [sflag:$0x1] =	stream.indirect.gather [hbm4b:s4+s25], $0x40, s26, s25, $0xb8;
	[tilespmem:$0xC600] =	vst v63  }
0x5a: {  	_ =	swait.ge [sflag:s12], $0x2000  }
0x5b: {  	[sflag:s12] =	ssyncset.done $0x0  }
0x5c: {  	[sflag:s12] =	ssyncadd.s32 $0xFFFFE000  }
0x5d: {  	_ =	swait.ge [sflag:s12], $0x2000  }
0x5e: {  	[sflag:s12] =	ssyncset.done $0x0  }
0x5f: {  	[sflag:s12] =	ssyncadd.s32 $0xFFFFE000  }
0x60: {  	_ =	swait.ge [sflag:s12], $0x2000  }
0x61: {  	[sflag:s12] =	ssyncset.done $0x0  }
0x62: {  	s15 =	simm.s32 $0x0;
	[sflag:s12] =	ssyncadd.s32 $0xFFFFE000  }
0x63: {  	v5 =	vld [tilespmem:s15+$0x8600]  }
0x64: {  	v4 =	vld [tilespmem:s15+$0x8610]  }
0x65: {  	v3 =	vld [tilespmem:s15+$0x8620]  }
0x66: {  	v2 =	vld [tilespmem:s15+$0x8630]  }
0x67: {  	v1 =	vld [tilespmem:s15+$0x8640]  }
0x68: {  	v0 =	vld [tilespmem:s15+$0x8650]  }
0x69: {  	v12 =	vld [tilespmem:s15+$0x4600]  }
0x6a: {  	v17 =	vld [tilespmem:s15+$0x4610]  }
0x6b: {  	v11 =	vld [tilespmem:s15+$0x4620]  }
0x6c: {  	v10 =	vld [tilespmem:s15+$0x4630]  }
0x6d: {  	v9 =	vld [tilespmem:s15+$0x4640]  }
0x6e: {  	v8 =	vld [tilespmem:s15+$0x4650]  }
0x6f: {  	v7 =	vld [tilespmem:s15+$0x4660]  }
0x70: {  	v6 =	vld [tilespmem:s15+$0x4670]  }
0x71: {  	v18 =	vld [tilespmem:s15+$0x600]  }
0x72: {  	v19 =	vld [tilespmem:s15+$0x610]  }
0x73: {  	v16 =	vld [tilespmem:s15+$0x620]  }
0x74: {  	v15 =	vld [tilespmem:s15+$0x630]  }
0x75: {  	v14 =	vld [tilespmem:s15+$0x640]  }
0x76: {  	v13 =	vld [tilespmem:s15+$0x650];
	v18 =	vadd.f32 v12, v18  }
0x77: {  	s23 =	simm.s32 $0x200;
	v17 =	vadd.f32 v17, v19;
	v12 =	vld [tilespmem:s15+$0x660]  }
.LBB2_2:
0x78: {  	p0 =	sne.s32 s23, $0x7E00;
	v5 =	vsub.f32 v18, v5;
	v11 =	vadd.f32 v11, v16;
	v16 =	vld [tilespmem:s15+$0x670]  }
0x79: {  	v4 =	vsub.f32 v17, v4;
	v10 =	vadd.f32 v10, v15;
	v15 =	vld [tilespmem:s15+$0x8660]  }
0x7a: {  	s16 =	sshra.s32 s23, $0x2;
	[tilespmem:s15+$0x600] =	vst v5;
	v3 =	vsub.f32 v11, v3;
	v9 =	vadd.f32 v9, v14;
	v11 =	vld [tilespmem:s15+$0x8670]  }
0x7b: {  	v5 =	vld [tilespmem:s16+$0x8600];
	[tilespmem:s15+$0x610] =	vst v4;
	v2 =	vsub.f32 v10, v2;
	v8 =	vadd.f32 v8, v13  }
0x7c: {  	v4 =	vld [tilespmem:s16+$0x8610];
	[tilespmem:s15+$0x620] =	vst v3;
	v1 =	vsub.f32 v9, v1;
	v7 =	vadd.f32 v7, v12  }
0x7d: {  	v3 =	vld [tilespmem:s16+$0x8620];
	[tilespmem:s15+$0x630] =	vst v2;
	v0 =	vsub.f32 v8, v0;
	v6 =	vadd.f32 v6, v16  }
0x7e: {  	v2 =	vld [tilespmem:s16+$0x8630];
	[tilespmem:s15+$0x640] =	vst v1;
	v7 =	vsub.f32 v7, v15  }
0x7f: {  	v1 =	vld [tilespmem:s16+$0x8640];
	[tilespmem:s15+$0x650] =	vst v0;
	v6 =	vsub.f32 v6, v11  }
0x80: {  	v0 =	vld [tilespmem:s16+$0x8650];
	[tilespmem:s15+$0x660] =	vst v7  }
0x81: {  	v12 =	vld [tilespmem:s16+$0x4600];
	[tilespmem:s15+$0x670] =	vst v6;
	s15 =	smov.u32 s16  }
0x82: {  	v17 =	vld [tilespmem:s15+$0x4610]  }
0x83: {  	v11 =	vld [tilespmem:s15+$0x4620]  }
0x84: {  	v10 =	vld [tilespmem:s15+$0x4630]  }
0x85: {  	v9 =	vld [tilespmem:s15+$0x4640]  }
0x86: {  	v8 =	vld [tilespmem:s15+$0x4650]  }
0x87: {  	v7 =	vld [tilespmem:s15+$0x4660]  }
0x88: {  	v6 =	vld [tilespmem:s15+$0x4670]  }
0x89: {  	v13 =	vld [tilespmem:s15+$0x600]  }
0x8a: {  	v19 =	vld [tilespmem:s15+$0x610]  }
.Ltmp0:
0x8b: {  	v16 =	vld [tilespmem:s15+$0x620];
	(pc) =	sbr.rel @p0 .LBB2_2-.Ltmp0, $4  }
0x8c: {  	v15 =	vld [tilespmem:s15+$0x630]  }
0x8d: {  	v14 =	vld [tilespmem:s15+$0x640]  }
0x8e: {  	v18 =	vadd.f32 v12, v13;
	v13 =	vld [tilespmem:s15+$0x650]  }
0x8f: {  	s23 =	sadd.s32 $0x200, s23;
	v17 =	vadd.f32 v17, v19;
	v12 =	vld [tilespmem:s15+$0x660]  }
0x90: {  	v5 =	vsub.f32 v18, v5;
	v18 =	vld [tilespmem:s15+$0x670];
	v11 =	vadd.f32 v11, v16  }
0x91: {  	v16 =	vld [tilespmem:s15+$0x8660];
	v4 =	vsub.f32 v17, v4;
	v10 =	vadd.f32 v10, v15  }
0x92: {  	[tilespmem:s15+$0x600] =	vst v5;
	v3 =	vsub.f32 v11, v3;
	v5 =	vadd.f32 v9, v14;
	v9 =	vld [tilespmem:s15+$0x8670]  }
0x93: {  	[tilespmem:s15+$0x610] =	vst v4;
	v2 =	vsub.f32 v10, v2;
	v4 =	vadd.f32 v8, v13  }
0x94: {  	[tilespmem:s15+$0x620] =	vst v3;
	v1 =	vsub.f32 v5, v1;
	v3 =	vadd.f32 v7, v12  }
0x95: {  	[tilespmem:s15+$0x630] =	vst v2;
	v0 =	vsub.f32 v4, v0;
	v2 =	vadd.f32 v6, v18  }
0x96: {  	[tilespmem:s15+$0x640] =	vst v1;
	v1 =	vsub.f32 v3, v16  }
0x97: {  	[tilespmem:s15+$0x650] =	vst v0;
	v0 =	vsub.f32 v2, v9  }
0x98: {  	[tilespmem:s15+$0x660] =	vst v1  }
0x99: {  	s23 =	simm.s32 $0x0;
	[tilespmem:s15+$0x670] =	vst v0  }
0x9a: {  	[hbm4b:s17+s23] =	stream.linear.scatter [tilespmem:s6], [sflag:$0x2], $0x2000, $0x38;
	[tilespmem:$0xC600] =	vst v63  }
0x9b: {  	_ =	swait.ge [sflag:s13], $0x2000  }
0x9c: {  	[sflag:s13] =	ssyncset.done $0x0  }
0x9d: {  	[sflag:s13] =	ssyncadd.s32 $0xFFFFE000  }
0x9e: {  	[tilespmem:s6], [sflag:$0x1] =	stream.indirect.gather [hbm4b:s3+s25], $0x40, s29, s25, $0xb8;
	[tilespmem:$0xC600] =	vst v63  }
0x9f: {  	_ = 	snop  }
0xa0: {  	[tilespmem:s7], [sflag:$0x1] =	stream.indirect.gather [hbm4b:s3+s25], $0x40, s31, s25, $0xb8;
	[tilespmem:$0xC600] =	vst v63  }
0xa1: {  	_ = 	snop  }
0xa2: {  	[tilespmem:s8], [sflag:$0x1] =	stream.indirect.gather [hbm4b:s4+s25], $0x40, s30, s25, $0xb8;
	[tilespmem:$0xC600] =	vst v63  }
0xa3: {  	_ =	swait.ge [sflag:s12], $0x2000  }
0xa4: {  	[sflag:s12] =	ssyncset.done $0x0  }
0xa5: {  	[sflag:s12] =	ssyncadd.s32 $0xFFFFE000  }
0xa6: {  	_ =	swait.ge [sflag:s12], $0x2000  }
0xa7: {  	[sflag:s12] =	ssyncset.done $0x0  }
0xa8: {  	[sflag:s12] =	ssyncadd.s32 $0xFFFFE000  }
0xa9: {  	_ =	swait.ge [sflag:s12], $0x2000  }
0xaa: {  	[sflag:s12] =	ssyncset.done $0x0  }
0xab: {  	s15 =	simm.s32 $0x0;
	[sflag:s12] =	ssyncadd.s32 $0xFFFFE000  }
0xac: {  	v5 =	vld [tilespmem:s15+$0xA600]  }
0xad: {  	v4 =	vld [tilespmem:s15+$0xA610]  }
0xae: {  	v3 =	vld [tilespmem:s15+$0xA620]  }
0xaf: {  	v2 =	vld [tilespmem:s15+$0xA630]  }
0xb0: {  	v1 =	vld [tilespmem:s15+$0xA640]  }
0xb1: {  	v0 =	vld [tilespmem:s15+$0xA650]  }
0xb2: {  	v12 =	vld [tilespmem:s15+$0x6600]  }
0xb3: {  	v17 =	vld [tilespmem:s15+$0x6610]  }
0xb4: {  	v11 =	vld [tilespmem:s15+$0x6620]  }
0xb5: {  	v10 =	vld [tilespmem:s15+$0x6630]  }
0xb6: {  	v9 =	vld [tilespmem:s15+$0x6640]  }
0xb7: {  	v8 =	vld [tilespmem:s15+$0x6650]  }
0xb8: {  	v7 =	vld [tilespmem:s15+$0x6660]  }
0xb9: {  	v6 =	vld [tilespmem:s15+$0x6670]  }
0xba: {  	v18 =	vld [tilespmem:s15+$0x2600]  }
0xbb: {  	v19 =	vld [tilespmem:s15+$0x2610]  }
0xbc: {  	v16 =	vld [tilespmem:s15+$0x2620]  }
0xbd: {  	v15 =	vld [tilespmem:s15+$0x2630]  }
0xbe: {  	v14 =	vld [tilespmem:s15+$0x2640]  }
0xbf: {  	v13 =	vld [tilespmem:s15+$0x2650];
	v18 =	vadd.f32 v12, v18  }
0xc0: {  	s23 =	simm.s32 $0x200;
	v17 =	vadd.f32 v17, v19;
	v12 =	vld [tilespmem:s15+$0x2660]  }
.LBB2_4:
0xc1: {  	p0 =	sne.s32 s23, $0x7E00;
	v5 =	vsub.f32 v18, v5;
	v11 =	vadd.f32 v11, v16;
	v16 =	vld [tilespmem:s15+$0x2670]  }
0xc2: {  	v4 =	vsub.f32 v17, v4;
	v10 =	vadd.f32 v10, v15;
	v15 =	vld [tilespmem:s15+$0xA660]  }
0xc3: {  	s16 =	sshra.s32 s23, $0x2;
	[tilespmem:s15+$0x2600] =	vst v5;
	v3 =	vsub.f32 v11, v3;
	v9 =	vadd.f32 v9, v14;
	v11 =	vld [tilespmem:s15+$0xA670]  }
0xc4: {  	v5 =	vld [tilespmem:s16+$0xA600];
	[tilespmem:s15+$0x2610] =	vst v4;
	v2 =	vsub.f32 v10, v2;
	v8 =	vadd.f32 v8, v13  }
0xc5: {  	v4 =	vld [tilespmem:s16+$0xA610];
	[tilespmem:s15+$0x2620] =	vst v3;
	v1 =	vsub.f32 v9, v1;
	v7 =	vadd.f32 v7, v12  }
0xc6: {  	v3 =	vld [tilespmem:s16+$0xA620];
	[tilespmem:s15+$0x2630] =	vst v2;
	v0 =	vsub.f32 v8, v0;
	v6 =	vadd.f32 v6, v16  }
0xc7: {  	v2 =	vld [tilespmem:s16+$0xA630];
	[tilespmem:s15+$0x2640] =	vst v1;
	v7 =	vsub.f32 v7, v15  }
0xc8: {  	v1 =	vld [tilespmem:s16+$0xA640];
	[tilespmem:s15+$0x2650] =	vst v0;
	v6 =	vsub.f32 v6, v11  }
0xc9: {  	v0 =	vld [tilespmem:s16+$0xA650];
	[tilespmem:s15+$0x2660] =	vst v7  }
0xca: {  	v12 =	vld [tilespmem:s16+$0x6600];
	[tilespmem:s15+$0x2670] =	vst v6;
	s15 =	smov.u32 s16  }
0xcb: {  	v17 =	vld [tilespmem:s15+$0x6610]  }
0xcc: {  	v11 =	vld [tilespmem:s15+$0x6620]  }
0xcd: {  	v10 =	vld [tilespmem:s15+$0x6630]  }
0xce: {  	v9 =	vld [tilespmem:s15+$0x6640]  }
0xcf: {  	v8 =	vld [tilespmem:s15+$0x6650]  }
0xd0: {  	v7 =	vld [tilespmem:s15+$0x6660]  }
0xd1: {  	v6 =	vld [tilespmem:s15+$0x6670]  }
0xd2: {  	v13 =	vld [tilespmem:s15+$0x2600]  }
0xd3: {  	v19 =	vld [tilespmem:s15+$0x2610]  }
.Ltmp1:
0xd4: {  	v16 =	vld [tilespmem:s15+$0x2620];
	(pc) =	sbr.rel @p0 .LBB2_4-.Ltmp1, $4  }
0xd5: {  	v15 =	vld [tilespmem:s15+$0x2630]  }
0xd6: {  	v14 =	vld [tilespmem:s15+$0x2640]  }
0xd7: {  	v18 =	vadd.f32 v12, v13;
	v13 =	vld [tilespmem:s15+$0x2650]  }
0xd8: {  	s23 =	sadd.s32 $0x200, s23;
	v17 =	vadd.f32 v17, v19;
	v12 =	vld [tilespmem:s15+$0x2660]  }
0xd9: {  	v5 =	vsub.f32 v18, v5;
	v18 =	vld [tilespmem:s15+$0x2670];
	v11 =	vadd.f32 v11, v16  }
0xda: {  	v16 =	vld [tilespmem:s15+$0xA660];
	v4 =	vsub.f32 v17, v4;
	v10 =	vadd.f32 v10, v15  }
0xdb: {  	[tilespmem:s15+$0x2600] =	vst v5;
	v3 =	vsub.f32 v11, v3;
	v5 =	vadd.f32 v9, v14;
	v9 =	vld [tilespmem:s15+$0xA670]  }
0xdc: {  	[tilespmem:s15+$0x2610] =	vst v4;
	v2 =	vsub.f32 v10, v2;
	v4 =	vadd.f32 v8, v13  }
0xdd: {  	[tilespmem:s15+$0x2620] =	vst v3;
	v1 =	vsub.f32 v5, v1;
	v3 =	vadd.f32 v7, v12  }
0xde: {  	[tilespmem:s15+$0x2630] =	vst v2;
	v0 =	vsub.f32 v4, v0;
	v2 =	vadd.f32 v6, v18  }
0xdf: {  	[tilespmem:s15+$0x2640] =	vst v1;
	v1 =	vsub.f32 v3, v16  }
0xe0: {  	[tilespmem:s15+$0x2650] =	vst v0;
	v0 =	vsub.f32 v2, v9  }
0xe1: {  	[tilespmem:s15+$0x2660] =	vst v1  }
0xe2: {  	s23 =	simm.s32 $0x0;
	[tilespmem:s15+$0x2670] =	vst v0  }
0xe3: {  	[hbm4b:s18+s23] =	stream.linear.scatter [tilespmem:s9], [sflag:$0x2], $0x2000, $0x38;
	[tilespmem:$0xC600] =	vst v63  }
0xe4: {  	_ =	swait.ge [sflag:s13], $0x2000  }
0xe5: {  	[sflag:s13] =	ssyncset.done $0x0  }
0xe6: {  	[sflag:s13] =	ssyncadd.s32 $0xFFFFE000  }
0xe7: {  	[tilespmem:s9], [sflag:$0x1] =	stream.indirect.gather [hbm4b:s3+s25], $0x40, s0, s25, $0xb8;
	[tilespmem:$0xC600] =	vst v63  }
0xe8: {  	_ = 	snop  }
0xe9: {  	[tilespmem:s10], [sflag:$0x1] =	stream.indirect.gather [hbm4b:s3+s25], $0x40, s5, s25, $0xb8;
	[tilespmem:$0xC600] =	vst v63  }
0xea: {  	_ = 	snop  }
0xeb: {  	[tilespmem:s11], [sflag:$0x1] =	stream.indirect.gather [hbm4b:s4+s25], $0x40, s1, s25, $0xb8;
	[tilespmem:$0xC600] =	vst v63  }
0xec: {  	_ =	swait.ge [sflag:s12], $0x2000  }
0xed: {  	[sflag:s12] =	ssyncset.done $0x0  }
0xee: {  	[sflag:s12] =	ssyncadd.s32 $0xFFFFE000  }
0xef: {  	_ =	swait.ge [sflag:s12], $0x2000  }
0xf0: {  	[sflag:s12] =	ssyncset.done $0x0  }
0xf1: {  	[sflag:s12] =	ssyncadd.s32 $0xFFFFE000  }
0xf2: {  	_ =	swait.ge [sflag:s12], $0x2000  }
0xf3: {  	[sflag:s12] =	ssyncset.done $0x0  }
0xf4: {  	s15 =	simm.s32 $0x0;
	[sflag:s12] =	ssyncadd.s32 $0xFFFFE000  }
0xf5: {  	v5 =	vld [tilespmem:s15+$0x8600]  }
0xf6: {  	v4 =	vld [tilespmem:s15+$0x8610]  }
0xf7: {  	v3 =	vld [tilespmem:s15+$0x8620]  }
0xf8: {  	v2 =	vld [tilespmem:s15+$0x8630]  }
0xf9: {  	v1 =	vld [tilespmem:s15+$0x8640]  }
0xfa: {  	v0 =	vld [tilespmem:s15+$0x8650]  }
0xfb: {  	v12 =	vld [tilespmem:s15+$0x4600]  }
0xfc: {  	v17 =	vld [tilespmem:s15+$0x4610]  }
0xfd: {  	v11 =	vld [tilespmem:s15+$0x4620]  }
0xfe: {  	v10 =	vld [tilespmem:s15+$0x4630]  }
0xff: {  	v9 =	vld [tilespmem:s15+$0x4640]  }
0x100: {  	v8 =	vld [tilespmem:s15+$0x4650]  }
0x101: {  	v7 =	vld [tilespmem:s15+$0x4660]  }
0x102: {  	v6 =	vld [tilespmem:s15+$0x4670]  }
0x103: {  	v18 =	vld [tilespmem:s15+$0x600]  }
0x104: {  	v19 =	vld [tilespmem:s15+$0x610]  }
0x105: {  	v16 =	vld [tilespmem:s15+$0x620]  }
0x106: {  	v15 =	vld [tilespmem:s15+$0x630]  }
0x107: {  	v14 =	vld [tilespmem:s15+$0x640]  }
0x108: {  	v13 =	vld [tilespmem:s15+$0x650];
	v18 =	vadd.f32 v12, v18  }
0x109: {  	s23 =	simm.s32 $0x200;
	v17 =	vadd.f32 v17, v19;
	v12 =	vld [tilespmem:s15+$0x660]  }
.LBB2_6:
0x10a: {  	p0 =	sne.s32 s23, $0x7E00;
	v5 =	vsub.f32 v18, v5;
	v11 =	vadd.f32 v11, v16;
	v16 =	vld [tilespmem:s15+$0x670]  }
0x10b: {  	v4 =	vsub.f32 v17, v4;
	v10 =	vadd.f32 v10, v15;
	v15 =	vld [tilespmem:s15+$0x8660]  }
0x10c: {  	s16 =	sshra.s32 s23, $0x2;
	[tilespmem:s15+$0x600] =	vst v5;
	v3 =	vsub.f32 v11, v3;
	v9 =	vadd.f32 v9, v14;
	v11 =	vld [tilespmem:s15+$0x8670]  }
0x10d: {  	v5 =	vld [tilespmem:s16+$0x8600];
	[tilespmem:s15+$0x610] =	vst v4;
	v2 =	vsub.f32 v10, v2;
	v8 =	vadd.f32 v8, v13  }
0x10e: {  	v4 =	vld [tilespmem:s16+$0x8610];
	[tilespmem:s15+$0x620] =	vst v3;
	v1 =	vsub.f32 v9, v1;
	v7 =	vadd.f32 v7, v12  }
0x10f: {  	v3 =	vld [tilespmem:s16+$0x8620];
	[tilespmem:s15+$0x630] =	vst v2;
	v0 =	vsub.f32 v8, v0;
	v6 =	vadd.f32 v6, v16  }
0x110: {  	v2 =	vld [tilespmem:s16+$0x8630];
	[tilespmem:s15+$0x640] =	vst v1;
	v7 =	vsub.f32 v7, v15  }
0x111: {  	v1 =	vld [tilespmem:s16+$0x8640];
	[tilespmem:s15+$0x650] =	vst v0;
	v6 =	vsub.f32 v6, v11  }
0x112: {  	v0 =	vld [tilespmem:s16+$0x8650];
	[tilespmem:s15+$0x660] =	vst v7  }
0x113: {  	v12 =	vld [tilespmem:s16+$0x4600];
	[tilespmem:s15+$0x670] =	vst v6;
	s15 =	smov.u32 s16  }
0x114: {  	v17 =	vld [tilespmem:s15+$0x4610]  }
0x115: {  	v11 =	vld [tilespmem:s15+$0x4620]  }
0x116: {  	v10 =	vld [tilespmem:s15+$0x4630]  }
0x117: {  	v9 =	vld [tilespmem:s15+$0x4640]  }
0x118: {  	v8 =	vld [tilespmem:s15+$0x4650]  }
0x119: {  	v7 =	vld [tilespmem:s15+$0x4660]  }
0x11a: {  	v6 =	vld [tilespmem:s15+$0x4670]  }
0x11b: {  	v13 =	vld [tilespmem:s15+$0x600]  }
0x11c: {  	v19 =	vld [tilespmem:s15+$0x610]  }
.Ltmp2:
0x11d: {  	v16 =	vld [tilespmem:s15+$0x620];
	(pc) =	sbr.rel @p0 .LBB2_6-.Ltmp2, $4  }
0x11e: {  	v15 =	vld [tilespmem:s15+$0x630]  }
0x11f: {  	v14 =	vld [tilespmem:s15+$0x640]  }
0x120: {  	v18 =	vadd.f32 v12, v13;
	v13 =	vld [tilespmem:s15+$0x650]  }
0x121: {  	s23 =	sadd.s32 $0x200, s23;
	v17 =	vadd.f32 v17, v19;
	v12 =	vld [tilespmem:s15+$0x660]  }
0x122: {  	v5 =	vsub.f32 v18, v5;
	v18 =	vld [tilespmem:s15+$0x670];
	v11 =	vadd.f32 v11, v16  }
0x123: {  	v16 =	vld [tilespmem:s15+$0x8660];
	v4 =	vsub.f32 v17, v4;
	v10 =	vadd.f32 v10, v15  }
0x124: {  	[tilespmem:s15+$0x600] =	vst v5;
	v3 =	vsub.f32 v11, v3;
	v5 =	vadd.f32 v9, v14;
	v9 =	vld [tilespmem:s15+$0x8670]  }
0x125: {  	[tilespmem:s15+$0x610] =	vst v4;
	v2 =	vsub.f32 v10, v2;
	v4 =	vadd.f32 v8, v13  }
0x126: {  	[tilespmem:s15+$0x620] =	vst v3;
	v1 =	vsub.f32 v5, v1;
	v3 =	vadd.f32 v7, v12  }
0x127: {  	[tilespmem:s15+$0x630] =	vst v2;
	v0 =	vsub.f32 v4, v0;
	v2 =	vadd.f32 v6, v18  }
0x128: {  	[tilespmem:s15+$0x640] =	vst v1;
	v1 =	vsub.f32 v3, v16  }
0x129: {  	[tilespmem:s15+$0x650] =	vst v0;
	v0 =	vsub.f32 v2, v9  }
0x12a: {  	[tilespmem:s15+$0x660] =	vst v1  }
0x12b: {  	s23 =	simm.s32 $0x0;
	[tilespmem:s15+$0x670] =	vst v0  }
0x12c: {  	[hbm4b:s19+s23] =	stream.linear.scatter [tilespmem:s6], [sflag:$0x2], $0x2000, $0x38;
	[tilespmem:$0xC600] =	vst v63  }
0x12d: {  	_ =	swait.ge [sflag:s12], $0x2000  }
0x12e: {  	[sflag:s12] =	ssyncset.done $0x0  }
0x12f: {  	[sflag:s12] =	ssyncadd.s32 $0xFFFFE000  }
0x130: {  	_ =	swait.ge [sflag:s12], $0x2000  }
0x131: {  	[sflag:s12] =	ssyncset.done $0x0  }
0x132: {  	[sflag:s12] =	ssyncadd.s32 $0xFFFFE000  }
0x133: {  	_ =	swait.ge [sflag:s12], $0x2000  }
0x134: {  	[sflag:s12] =	ssyncset.done $0x0  }
0x135: {  	s15 =	simm.s32 $0x0;
	[sflag:s12] =	ssyncadd.s32 $0xFFFFE000  }
0x136: {  	v5 =	vld [tilespmem:s15+$0xA600]  }
0x137: {  	v4 =	vld [tilespmem:s15+$0xA610]  }
0x138: {  	v3 =	vld [tilespmem:s15+$0xA620]  }
0x139: {  	v2 =	vld [tilespmem:s15+$0xA630]  }
0x13a: {  	v1 =	vld [tilespmem:s15+$0xA640]  }
0x13b: {  	v0 =	vld [tilespmem:s15+$0xA650]  }
0x13c: {  	v12 =	vld [tilespmem:s15+$0x6600]  }
0x13d: {  	v17 =	vld [tilespmem:s15+$0x6610]  }
0x13e: {  	v11 =	vld [tilespmem:s15+$0x6620]  }
0x13f: {  	v10 =	vld [tilespmem:s15+$0x6630]  }
0x140: {  	v9 =	vld [tilespmem:s15+$0x6640]  }
0x141: {  	v8 =	vld [tilespmem:s15+$0x6650]  }
0x142: {  	v7 =	vld [tilespmem:s15+$0x6660]  }
0x143: {  	v6 =	vld [tilespmem:s15+$0x6670]  }
0x144: {  	v18 =	vld [tilespmem:s15+$0x2600]  }
0x145: {  	v19 =	vld [tilespmem:s15+$0x2610]  }
0x146: {  	v16 =	vld [tilespmem:s15+$0x2620]  }
0x147: {  	v15 =	vld [tilespmem:s15+$0x2630]  }
0x148: {  	v14 =	vld [tilespmem:s15+$0x2640]  }
0x149: {  	v13 =	vld [tilespmem:s15+$0x2650];
	v18 =	vadd.f32 v12, v18  }
0x14a: {  	s23 =	simm.s32 $0x200;
	v17 =	vadd.f32 v17, v19;
	v12 =	vld [tilespmem:s15+$0x2660]  }
.LBB2_8:
0x14b: {  	p0 =	sne.s32 s23, $0x7E00;
	v5 =	vsub.f32 v18, v5;
	v11 =	vadd.f32 v11, v16;
	v16 =	vld [tilespmem:s15+$0x2670]  }
0x14c: {  	v4 =	vsub.f32 v17, v4;
	v10 =	vadd.f32 v10, v15;
	v15 =	vld [tilespmem:s15+$0xA660]  }
0x14d: {  	s16 =	sshra.s32 s23, $0x2;
	[tilespmem:s15+$0x2600] =	vst v5;
	v3 =	vsub.f32 v11, v3;
	v9 =	vadd.f32 v9, v14;
	v11 =	vld [tilespmem:s15+$0xA670]  }
0x14e: {  	v5 =	vld [tilespmem:s16+$0xA600];
	[tilespmem:s15+$0x2610] =	vst v4;
	v2 =	vsub.f32 v10, v2;
	v8 =	vadd.f32 v8, v13  }
0x14f: {  	v4 =	vld [tilespmem:s16+$0xA610];
	[tilespmem:s15+$0x2620] =	vst v3;
	v1 =	vsub.f32 v9, v1;
	v7 =	vadd.f32 v7, v12  }
0x150: {  	v3 =	vld [tilespmem:s16+$0xA620];
	[tilespmem:s15+$0x2630] =	vst v2;
	v0 =	vsub.f32 v8, v0;
	v6 =	vadd.f32 v6, v16  }
0x151: {  	v2 =	vld [tilespmem:s16+$0xA630];
	[tilespmem:s15+$0x2640] =	vst v1;
	v7 =	vsub.f32 v7, v15  }
0x152: {  	v1 =	vld [tilespmem:s16+$0xA640];
	[tilespmem:s15+$0x2650] =	vst v0;
	v6 =	vsub.f32 v6, v11  }
0x153: {  	v0 =	vld [tilespmem:s16+$0xA650];
	[tilespmem:s15+$0x2660] =	vst v7  }
0x154: {  	v12 =	vld [tilespmem:s16+$0x6600];
	[tilespmem:s15+$0x2670] =	vst v6;
	s15 =	smov.u32 s16  }
0x155: {  	v17 =	vld [tilespmem:s15+$0x6610]  }
0x156: {  	v11 =	vld [tilespmem:s15+$0x6620]  }
0x157: {  	v10 =	vld [tilespmem:s15+$0x6630]  }
0x158: {  	v9 =	vld [tilespmem:s15+$0x6640]  }
0x159: {  	v8 =	vld [tilespmem:s15+$0x6650]  }
0x15a: {  	v7 =	vld [tilespmem:s15+$0x6660]  }
0x15b: {  	v6 =	vld [tilespmem:s15+$0x6670]  }
0x15c: {  	v13 =	vld [tilespmem:s15+$0x2600]  }
0x15d: {  	v19 =	vld [tilespmem:s15+$0x2610]  }
.Ltmp3:
0x15e: {  	v16 =	vld [tilespmem:s15+$0x2620];
	(pc) =	sbr.rel @p0 .LBB2_8-.Ltmp3, $4  }
0x15f: {  	v15 =	vld [tilespmem:s15+$0x2630]  }
0x160: {  	v14 =	vld [tilespmem:s15+$0x2640]  }
0x161: {  	v18 =	vadd.f32 v12, v13;
	v13 =	vld [tilespmem:s15+$0x2650]  }
0x162: {  	s23 =	sadd.s32 $0x200, s23;
	v17 =	vadd.f32 v17, v19;
	v12 =	vld [tilespmem:s15+$0x2660]  }
0x163: {  	v5 =	vsub.f32 v18, v5;
	v55 =	vld [tilespmem:s15+$0x2670];
	v11 =	vadd.f32 v11, v16  }
0x164: {  	v56 =	vld [tilespmem:s15+$0xA660];
	v4 =	vsub.f32 v17, v4;
	v10 =	vadd.f32 v10, v15  }
0x165: {  	v58 =	vld [tilespmem:s15+$0xA670];
	[tilespmem:s15+$0x2600] =	vst v5;
	v3 =	vsub.f32 v11, v3;
	v57 =	vadd.f32 v9, v14  }
0x166: {  	[tilespmem:s15+$0x2610] =	vst v4;
	v2 =	vsub.f32 v10, v2;
	v59 =	vadd.f32 v8, v13  }
0x167: {  	[tilespmem:s15+$0x2620] =	vst v3;
	v1 =	vsub.f32 v57, v1;
	v60 =	vadd.f32 v7, v12  }
0x168: {  	[tilespmem:s15+$0x2630] =	vst v2;
	v0 =	vsub.f32 v59, v0;
	v61 =	vadd.f32 v6, v55  }
0x169: {  	[tilespmem:s15+$0x2640] =	vst v1;
	v62 =	vsub.f32 v60, v56  }
0x16a: {  	[tilespmem:s15+$0x2650] =	vst v0;
	v63 =	vsub.f32 v61, v58  }
0x16b: {  	[tilespmem:s15+$0x2660] =	vst v62  }
0x16c: {  	s14 =	sadd.s32 $0x1, s14;
	[tilespmem:s15+$0x2670] =	vst v63  }
0x16d: {  	[hbm4b:s20+s2] =	stream.linear.scatter [tilespmem:s9], [sflag:$0x2], $0x2000, $0x38;
	[tilespmem:$0xC600] =	vst v63  }
0x16e: {  	p0 =	sne.s32 s14, s21;
	_ =	swait.ge [sflag:s13], $0x2000  }
.Ltmp4:
0x16f: {  	[sflag:s13] =	ssyncset.done $0x0;
	(pc) =	sbr.rel @p0 .LBB2_1-.Ltmp4, $4  }
0x170: {  	[sflag:s13] =	ssyncadd.s32 $0xFFFFE000  }
0x171: {  	_ =	swait.ge [sflag:s13], $0x2000  }
0x172: {  	[sflag:s13] =	ssyncset.done $0x0  }
0x173: {  	[sflag:s13] =	ssyncadd.s32 $0xFFFFE000  }
0x174: {  	_ =	sfence.sel $0x180000  }
0x175: {  	[bflag:$0x0] =	sbarrier.arrive $0xFFFF  }
0x176: {  	_ =	strace $0x90000047  }
0x177: {  	s0 =	stileid.u32;
	[bflag:$0x2] =	sbarrier.arrive $0xFFFF  }
0x178: {  	p0 =	sne.s32 s0, $0x0;
	s0 =	rddreg [dreg:$0x5]  }
0x179: {  	s0 =	sadd.s32 @!p0 $0x100000, s0  }
0x17a: {  	[sflag:s0] =	ssyncadd.tile.s32 @!p0 $0x1;
	_ =	shalt  }
.Lfunc_end2:
_tile_overlayer_lowered:
.L_overlay_start_2:
0x17b: {  	(tag) =	ssettag $0x2  }
0x17c: {  	s0 =	rddreg [dreg:$0x0];
	s2 =	stileid.u32  }
0x17d: {  	s1 =	rddreg [dreg:$0x1];
	p0 =	sne.s32 s2, $0x0  }
0x17e: {  	s3 =	rddreg [dreg:$0x2];
	[bflag:$0x3] =	sbarrier.arrive $0xFFFF;
	s2 =	simm.s32 @!p0 $0x1C03  }
0x17f: {  	[timem:s3], [sflag:s2] =	dma.local @!p0 [hbm:s0], s1  }
0x180: {  	s0 =	simm.s32 @!p0 $0x3  }
0x181: {  	_ =	swait.ge @!p0 [sflag:s0], s1  }
0x182: {  	s1 =	ssub.s32 @!p0 $0x0, s1;
	[sflag:s0] =	ssyncset.done @!p0 $0x0  }
0x183: {  	[sflag:s0] =	ssyncadd.s32 @!p0 s1  }
0x184: {  	[bflag:$0x3] =	sbarrier.arrive $0xFFFF  }
0x185: {  	_ =	shalt  }

</sc_bundles>
